<compile_context>
chip_gen: v7x
topology: tpu7x:2x2x1
jax: 0.10.2.dev20260603
libtpu: 0.0.44.dev20260713+nightly
codegen_flags: <defaults>
</compile_context>

<pallas_src>
import functools

import jax
import jax.numpy as jnp
from jax import lax
from jax.experimental import pallas as pl
from jax.experimental.pallas import tpu as pltpu
from jax.experimental.pallas import tpu_sc as plsc

N_NODES = 10000
IN_CH = 128
OUT_CH = 128
HID = 256
N_EDGES = 320000

NP = 10240
EP = 327680
CHUNK = 128
N_SUB = 16
ROWS_PT = NP // N_SUB
DUMP = N_NODES
W = 128
G = 8

NCH_FS = EP // N_SUB // CHUNK
NCH_ES = EP // 32 // CHUNK

BLK = 1280
GRID = NP // BLK


def _mesh():
    return plsc.VectorSubcoreMesh(core_axis_name="c", subcore_axis_name="s")


SPLIT = 4
SUB = CHUNK // SPLIT


def _gs_ring(nch, hb_s, hb_d, src2d, dst2d, ytab, isv, idv, acc,
             rows, sg, ss, si):

    def g_start(row, b):
        for k in range(SPLIT):
            pltpu.async_copy(ytab.at[isv.at[row, pl.ds(k * SUB, SUB)]],
                             rows[b].at[pl.ds(k * SUB, SUB)],
                             sg[b])

    def g_wait(b):
        pltpu.make_async_copy(ytab.at[isv.at[0]], rows[b], sg[b]).wait()

    def s_start(row, b):
        pltpu.async_copy(rows[b], acc.at[idv.at[row]], ss[b], add=True)

    def s_wait(b):
        pltpu.make_async_copy(rows[b], acc.at[idv.at[0]], ss[b]).wait()

    ngr = nch // G
    pltpu.sync_copy(src2d.at[pl.ds(hb_s, G)], isv.at[pl.ds(0, G)])
    pltpu.sync_copy(dst2d.at[pl.ds(hb_d, G)], idv.at[pl.ds(0, G)])
    g_start(0, 0)

    def outer(io, carry):
        @pl.when(io < ngr - 1)
        def _():
            roff = ((io + 1) % 2) * G
            pltpu.async_copy(src2d.at[pl.ds(hb_s + (io + 1) * G, G)],
                             isv.at[pl.ds(roff, G)], si[0])
            pltpu.async_copy(dst2d.at[pl.ds(hb_d + (io + 1) * G, G)],
                             idv.at[pl.ds(roff, G)], si[1])

        gbase = (io % 2) * G
        for j in range(G):
            b = j % 2
            nb = (j + 1) % 2
            if j == 0:
                @pl.when(io >= 1)
                def _():
                    s_wait(nb)
            else:
                s_wait(nb)

            if j < G - 1:
                g_start(gbase + j + 1, nb)
            else:
                @pl.when(io < ngr - 1)
                def _():
                    pltpu.make_async_copy(src2d.at[pl.ds(hb_s, G)],
                                          isv.at[pl.ds(0, G)], si[0]).wait()
                    pltpu.make_async_copy(dst2d.at[pl.ds(hb_d, G)],
                                          idv.at[pl.ds(0, G)], si[1]).wait()
                    g_start(((io + 1) % 2) * G, nb)

            g_wait(b)
            s_start(gbase + j, b)
        return carry

    lax.fori_loop(0, ngr, outer, 0)
    s_wait(1)


@functools.partial(
    pl.kernel,
    out_type=[jax.ShapeDtypeStruct((2 * NP, W), jnp.float32)],
    mesh=_mesh(),
    scratch_types=[pltpu.VMEM_SHARED((NP, W), jnp.float32),
                   pltpu.VMEM((NCH_ES, CHUNK), jnp.int32),
                   pltpu.VMEM((CHUNK, W), jnp.float32)]
                  + [pltpu.SemaphoreType.DMA] * 4,
)
def _deg_kernel(dst2d_hbm, ones_hbm, dp_hbm, dacc, idv, ones_v,
                s0, s1, s2, s3):
    cid = lax.axis_index("c")
    sid = lax.axis_index("s")
    row0 = sid * ROWS_PT
    ss = (s0, s1, s2, s3)

    pltpu.sync_copy(ones_hbm.at[pl.ds(row0, ROWS_PT)],
                    dacc.at[pl.ds(row0, ROWS_PT)])
    pltpu.sync_copy(ones_hbm.at[pl.ds(0, CHUNK)], ones_v)
    pltpu.sync_copy(dst2d_hbm.at[pl.ds(cid * (NCH_ES * N_SUB)
                                       + sid * NCH_ES, NCH_ES)], idv)
    plsc.subcore_barrier()

    def s_start(chunk, b):
        pltpu.async_copy(ones_v, dacc.at[idv.at[chunk]], ss[b], add=True)

    def s_wait(b):
        pltpu.make_async_copy(ones_v, dacc.at[idv.at[0]], ss[b]).wait()

    def outer(io, carry):
        for b in range(4):
            @pl.when(io >= 1)
            def _():
                s_wait(b)

            s_start(io * 4 + b, b)
        return carry

    lax.fori_loop(0, NCH_ES // 4, outer, 0)
    for b in range(4):
        s_wait(b)
    plsc.subcore_barrier()

    pltpu.sync_copy(dacc.at[pl.ds(row0, ROWS_PT)],
                    dp_hbm.at[pl.ds(cid * NP + row0, ROWS_PT)])


@functools.partial(
    pl.kernel,
    out_type=[jax.ShapeDtypeStruct((2 * NP, W), jnp.float32)],
    mesh=_mesh(),
    scratch_types=[pltpu.VMEM_SHARED((NP, W), jnp.float32),
                   pltpu.VMEM((2 * G, CHUNK), jnp.int32),
                   pltpu.VMEM((2 * G, CHUNK), jnp.int32),
                   pltpu.VMEM((CHUNK, W), jnp.float32),
                   pltpu.VMEM((CHUNK, W), jnp.float32)]
                  + [pltpu.SemaphoreType.DMA] * 6,
)
def _scatter_es(y_hbm, srcoff_hbm, dst2d_hbm, p_hbm,
                acc, isv, idv, r0, r1, g0, g1, s0, s1, i0, i1):
    cid = lax.axis_index("c")
    sid = lax.axis_index("s")
    row0 = sid * ROWS_PT
    chrow = cid * (NCH_ES * N_SUB) + sid * NCH_ES

    pltpu.sync_copy(y_hbm.at[pl.ds(cid * NP + row0, ROWS_PT)],
                    acc.at[pl.ds(row0, ROWS_PT)])
    plsc.subcore_barrier()

    _gs_ring(NCH_ES,
             cid * (2 * NCH_ES * N_SUB) + chrow,
             chrow,
             srcoff_hbm, dst2d_hbm, y_hbm, isv, idv, acc,
             (r0, r1), (g0, g1), (s0, s1), (i0, i1))
    plsc.subcore_barrier()

    pltpu.sync_copy(acc.at[pl.ds(row0, ROWS_PT)],
                    p_hbm.at[pl.ds(cid * NP + row0, ROWS_PT)])


def _tc_z_body(x_ref, p0_ref, p1_ref, z_ref, dis_ref):
    deg = p0_ref[...][:, 0] + p1_ref[...][:, 0] - 1.0
    dis = lax.rsqrt(deg)[:, None]
    z = x_ref[...] * dis
    z_ref[0] = z
    z_ref[1] = z
    dis_ref[...] = dis


def _tc_mid_body(p0_ref, p1_ref, z_ref, dis_ref, w0_ref, b0_ref, w1_ref,
                 y1_ref):
    dis = dis_ref[...]
    s_in = p0_ref[...] + p1_ref[...] - z_ref[0]
    h = jnp.maximum(
        jnp.dot(s_in, w0_ref[...], preferred_element_type=jnp.float32) * dis
        + b0_ref[...][None, :], 0.0)
    y1 = jnp.dot(h, w1_ref[...], preferred_element_type=jnp.float32) * dis
    y1_ref[0] = y1
    y1_ref[1] = y1


def _tc_fin_body(p0_ref, p1_ref, y1_ref, dis_ref, b1_ref, o_ref):
    dis = dis_ref[...]
    acc = p0_ref[...] + p1_ref[...] - y1_ref[0]
    o_ref[...] = jnp.maximum(acc * dis + b1_ref[...][None, :], 0.0)


def _row_spec(cols):
    return pl.BlockSpec((BLK, cols), lambda i: (i, 0))


def _row_spec_hi(cols):
    return pl.BlockSpec((BLK, cols), lambda i: (GRID + i, 0))


def _dup_spec():
    return pl.BlockSpec((2, BLK, W), lambda i: (0, i, 0))


def _dup0_spec():
    return pl.BlockSpec((1, BLK, W), lambda i: (0, i, 0))


_tc_z = pl.pallas_call(
    _tc_z_body,
    grid=(GRID,),
    in_specs=[_row_spec(IN_CH), _row_spec(W), _row_spec_hi(W)],
    out_specs=[_dup_spec(), _row_spec(1)],
    out_shape=[jax.ShapeDtypeStruct((2, NP, W), jnp.float32),
               jax.ShapeDtypeStruct((NP, 1), jnp.float32)],
)

_tc_mid = pl.pallas_call(
    _tc_mid_body,
    grid=(GRID,),
    in_specs=[_row_spec(W), _row_spec_hi(W), _dup0_spec(),
              _row_spec(1),
              pl.BlockSpec((IN_CH, HID), lambda i: (0, 0)),
              pl.BlockSpec((HID,), lambda i: (0,)),
              pl.BlockSpec((HID, OUT_CH), lambda i: (0, 0))],
    out_specs=_dup_spec(),
    out_shape=jax.ShapeDtypeStruct((2, NP, W), jnp.float32),
)

_tc_fin = pl.pallas_call(
    _tc_fin_body,
    grid=(GRID,),
    in_specs=[_row_spec(W), _row_spec_hi(W), _dup0_spec(),
              _row_spec(1),
              pl.BlockSpec((OUT_CH,), lambda i: (0,))],
    out_specs=_row_spec(OUT_CH),
    out_shape=jax.ShapeDtypeStruct((NP, OUT_CH), jnp.float32),
)


def kernel(x, edge_index, W0, b0, W1, b1):
    src = edge_index[0].astype(jnp.int32)
    dst = edge_index[1].astype(jnp.int32)
    pad = jnp.full((EP - N_EDGES,), DUMP, jnp.int32)
    srcp = jnp.concatenate([src, pad])
    dstp = jnp.concatenate([dst, pad])
    src2d = srcp.reshape(EP // CHUNK, CHUNK)
    dst2d = dstp.reshape(EP // CHUNK, CHUNK)
    srcoff = jnp.concatenate([src2d, src2d + NP], axis=0)
    xp = jnp.pad(x, ((0, NP - N_NODES), (0, 0)))
    ones = jnp.ones((NP, W), jnp.float32)

    (dp,) = _deg_kernel(dst2d, ones)
    z2, dis = _tc_z(xp, dp, dp)
    (o2,) = _scatter_es(z2.reshape(2 * NP, W), srcoff, dst2d)
    y1 = _tc_mid(o2, o2, z2, dis, W0, b0, W1)
    (p2,) = _scatter_es(y1.reshape(2 * NP, W), srcoff, dst2d)
    out = _tc_fin(p2, p2, y1, dis, b1)
    return out[:N_NODES]

# --- scband reference (transcript-rebuilt; emitter-appended) ---
"""Pipeline reference for scband-encoder-35424890257737 (READ-ONLY COPY).

The authoritative reference and input builder live on the scoring server;
editing this copy changes nothing except your own understanding.
"""

import jax, jax.numpy as jnp
import numpy as np

N_NODES = 10000
IN_CH = 128
OUT_CH = 128
HID = 2 * OUT_CH
N_EDGES = 320000


def gcn_conv(x, edge_index, W, b):
    n = x.shape[0]
    src = edge_index[0]
    dst = edge_index[1]
    # add self-loops (PyG GCNConv default add_self_loops=True)
    loop = jnp.arange(n, dtype=edge_index.dtype)
    src = jnp.concatenate([src, loop])
    dst = jnp.concatenate([dst, loop])
    ew = jnp.ones(src.shape[0], dtype=x.dtype)
    # symmetric normalization D^-1/2 (A+I) D^-1/2
    deg = jnp.zeros((n,), dtype=x.dtype).at[dst].add(ew)
    deg_inv_sqrt = jnp.where(deg > 0, jax.lax.rsqrt(deg), 0.0)
    norm = deg_inv_sqrt[src] * ew * deg_inv_sqrt[dst]
    # linear transform then propagate
    xw = x @ W
    msg = xw[src] * norm[:, None]
    out = jnp.zeros((n, xw.shape[1]), dtype=x.dtype).at[dst].add(msg)
    return out + b


def setup_inputs(seed: int = 0) -> dict:
    key = jax.random.key(seed)
    k1, k2, k3, k4 = jax.random.split(key, 4)
    x = jax.random.normal(k1, (N_NODES, IN_CH), dtype=jnp.float32)
    edge_index = jax.random.randint(k2, (2, N_EDGES), 0, N_NODES, dtype=jnp.int64)
    W0 = jax.random.normal(k3, (IN_CH, HID), dtype=jnp.float32) * 0.05
    b0 = jnp.zeros((HID,), dtype=jnp.float32)
    W1 = jax.random.normal(k4, (HID, OUT_CH), dtype=jnp.float32) * 0.05
    b1 = jnp.zeros((OUT_CH,), dtype=jnp.float32)
    return {"x": x, "edge_index": edge_index, "W0": W0, "b0": b0, "W1": W1, "b1": b1}


def reference(x, edge_index, W0, b0, W1, b1):
    # Encoder with k=2 GCNConv layers and ReLU activations
    h = jax.nn.relu(gcn_conv(x, edge_index, W0, b0))
    h = jax.nn.relu(gcn_conv(h, edge_index, W1, b1))
    return h

if __name__ == "__main__":
    import jax
    _d = setup_inputs()
    print(jax.jit(kernel)(*tuple(_d.values())))

</pallas_src>

<mosaic_0001>
#map = affine_map<(d0, d1) -> (0, 0)>
module attributes {stable_mosaic.version = 14 : i64} {
  func.func @_scatter_es(%arg0: i32, %arg1: i32, %arg2: memref<20480x128xf32, #tpu.memory_space<hbm>>, %arg3: memref<5120x128xi32, #tpu.memory_space<hbm>>, %arg4: memref<2560x128xi32, #tpu.memory_space<hbm>>, %arg5: memref<20480x128xf32, #tpu.memory_space<hbm>>, %arg6: memref<10240x128xf32, #tpu.memory_space<vmem_shared>>, %arg7: memref<16x128xi32, #tpu.memory_space<vmem>>, %arg8: memref<16x128xi32, #tpu.memory_space<vmem>>, %arg9: memref<128x128xf32, #tpu.memory_space<vmem>>, %arg10: memref<128x128xf32, #tpu.memory_space<vmem>>, %arg11: memref<!tpu.dma_semaphore, #tpu.memory_space<semaphore_mem>>, %arg12: memref<!tpu.dma_semaphore, #tpu.memory_space<semaphore_mem>>, %arg13: memref<!tpu.dma_semaphore, #tpu.memory_space<semaphore_mem>>, %arg14: memref<!tpu.dma_semaphore, #tpu.memory_space<semaphore_mem>>, %arg15: memref<!tpu.dma_semaphore, #tpu.memory_space<semaphore_mem>>, %arg16: memref<!tpu.dma_semaphore, #tpu.memory_space<semaphore_mem>>) attributes {dimension_semantics = [#tpu.dimension_semantics<core_parallel>, #tpu.dimension_semantics<subcore_parallel>], iteration_bounds = array<i64: 2, 16>, scalar_prefetch = 0 : i64, scratch_operands = 11 : i64, tpu.core_type = #tpu.core_type<sc_vector_subcore>, window_params = [{transform_indices = #map}, {transform_indices = #map}, {transform_indices = #map}, {transform_indices = #map}]} {
    %mul3A = arith.constant 640 : i32
    %mul3A_0 = arith.muli %arg1, %mul3A : i32
    %mul3A_1 = arith.constant 1280 : i32
    %mul3A_2 = arith.muli %arg0, %mul3A_1 : i32
    %mul3A_3 = arith.constant 80 : i32
    %mul3A_4 = arith.muli %arg1, %mul3A_3 : i32
    %add3A = arith.addi %mul3A_2, %mul3A_4 : i32
    %mul3A_5 = arith.constant 10240 : i32
    %mul3A_6 = arith.muli %arg0, %mul3A_5 : i32
    %add3A_7 = arith.addi %mul3A_6, %mul3A_0 : i32
    "tpu.region"() ({
      %run_scoped3A = tpu.sem_alloc : memref<!tpu.dma_semaphore, #tpu.memory_space<semaphore_mem>>
      %dma_start3A_65 = arith.constant 0 : i32
      %dma_start3A_66 = tpu.memref_slice %arg6[%mul3A_0, %dma_start3A_65] : memref<10240x128xf32, #tpu.memory_space<vmem_shared>> -> memref<640x128xf32, #tpu.memory_space<vmem_shared>>
      %dma_start3A_67 = arith.constant 0 : i32
      %dma_start3A_68 = tpu.memref_slice %arg2[%add3A_7, %dma_start3A_67] : memref<20480x128xf32, #tpu.memory_space<hbm>> -> memref<640x128xf32, #tpu.memory_space<hbm>>
      tpu.enqueue_dma source(%dma_start3A_68 : memref<640x128xf32, #tpu.memory_space<hbm>>) target(%dma_start3A_66 : memref<640x128xf32, #tpu.memory_space<vmem_shared>>) target_semaphore(%run_scoped3A : memref<!tpu.dma_semaphore, #tpu.memory_space<semaphore_mem>>)
      %dma_wait3A_69 = arith.constant 0 : i32
      %dma_wait3A_70 = tpu.memref_slice %arg6[%mul3A_0, %dma_wait3A_69] : memref<10240x128xf32, #tpu.memory_space<vmem_shared>> -> memref<640x128xf32, #tpu.memory_space<vmem_shared>>
      %dma_wait3A_71 = arith.constant 0 : i32
      %dma_wait3A_72 = tpu.memref_slice %arg2[%add3A_7, %dma_wait3A_71] : memref<20480x128xf32, #tpu.memory_space<hbm>> -> memref<640x128xf32, #tpu.memory_space<hbm>>
      tpu.wait_dma2 semaphore(%run_scoped3A : memref<!tpu.dma_semaphore, #tpu.memory_space<semaphore_mem>>) src(%dma_wait3A_72 : memref<640x128xf32, #tpu.memory_space<hbm>>) dst(%dma_wait3A_70 : memref<640x128xf32, #tpu.memory_space<vmem_shared>>)
      tpu.yield
    }) : () -> ()
    %barrier3A = arith.constant 0 : index
    tpu.barrier barrier_id(%barrier3A)
    %mul3A_8 = arith.constant 2560 : i32
    %mul3A_9 = arith.muli %arg0, %mul3A_8 : i32
    %add3A_10 = arith.addi %mul3A_9, %add3A : i32
    "tpu.region"() ({
      %run_scoped3A = tpu.sem_alloc : memref<!tpu.dma_semaphore, #tpu.memory_space<semaphore_mem>>
      %dma_start3A_65 = arith.constant 0 : i32
      %dma_start3A_66 = arith.constant 0 : i32
      %dma_start3A_67 = tpu.memref_slice %arg7[%dma_start3A_65, %dma_start3A_66] : memref<16x128xi32, #tpu.memory_space<vmem>> -> memref<8x128xi32, #tpu.memory_space<vmem>>
      %dma_start3A_68 = arith.constant 0 : i32
      %dma_start3A_69 = tpu.memref_slice %arg3[%add3A_10, %dma_start3A_68] : memref<5120x128xi32, #tpu.memory_space<hbm>> -> memref<8x128xi32, #tpu.memory_space<hbm>>
      %dma_start3A_70 = arith.constant 0 : i32
      %dma_start3A_71 = arith.constant 0 : i32
      %dma_start3A_72 = tpu.memref_slice %arg7[%dma_start3A_70, %dma_start3A_71] : memref<16x128xi32, #tpu.memory_space<vmem>> -> memref<8x128xi32, #tpu.memory_space<vmem>>
      %dma_start3A_73 = arith.constant 0 : i32
      %dma_start3A_74 = tpu.memref_slice %arg3[%add3A_10, %dma_start3A_73] : memref<5120x128xi32, #tpu.memory_space<hbm>> -> memref<8x128xi32, #tpu.memory_space<hbm>>
      tpu.enqueue_dma source(%dma_start3A_74 : memref<8x128xi32, #tpu.memory_space<hbm>>) target(%dma_start3A_72 : memref<8x128xi32, #tpu.memory_space<vmem>>) target_semaphore(%run_scoped3A : memref<!tpu.dma_semaphore, #tpu.memory_space<semaphore_mem>>)
      %dma_wait3A_75 = arith.constant 0 : i32
      %dma_wait3A_76 = arith.constant 0 : i32
      %dma_wait3A_77 = tpu.memref_slice %arg7[%dma_wait3A_75, %dma_wait3A_76] : memref<16x128xi32, #tpu.memory_space<vmem>> -> memref<8x128xi32, #tpu.memory_space<vmem>>
      %dma_wait3A_78 = arith.constant 0 : i32
      %dma_wait3A_79 = tpu.memref_slice %arg3[%add3A_10, %dma_wait3A_78] : memref<5120x128xi32, #tpu.memory_space<hbm>> -> memref<8x128xi32, #tpu.memory_space<hbm>>
      %dma_wait3A_80 = arith.constant 0 : i32
      %dma_wait3A_81 = arith.constant 0 : i32
      %dma_wait3A_82 = tpu.memref_slice %arg7[%dma_wait3A_80, %dma_wait3A_81] : memref<16x128xi32, #tpu.memory_space<vmem>> -> memref<8x128xi32, #tpu.memory_space<vmem>>
      %dma_wait3A_83 = arith.constant 0 : i32
      %dma_wait3A_84 = tpu.memref_slice %arg3[%add3A_10, %dma_wait3A_83] : memref<5120x128xi32, #tpu.memory_space<hbm>> -> memref<8x128xi32, #tpu.memory_space<hbm>>
      tpu.wait_dma2 semaphore(%run_scoped3A : memref<!tpu.dma_semaphore, #tpu.memory_space<semaphore_mem>>) src(%dma_wait3A_84 : memref<8x128xi32, #tpu.memory_space<hbm>>) dst(%dma_wait3A_82 : memref<8x128xi32, #tpu.memory_space<vmem>>)
      tpu.yield
    }) : () -> ()
    "tpu.region"() ({
      %run_scoped3A = tpu.sem_alloc : memref<!tpu.dma_semaphore, #tpu.memory_space<semaphore_mem>>
      %dma_start3A_65 = arith.constant 0 : i32
      %dma_start3A_66 = arith.constant 0 : i32
      %dma_start3A_67 = tpu.memref_slice %arg8[%dma_start3A_65, %dma_start3A_66] : memref<16x128xi32, #tpu.memory_space<vmem>> -> memref<8x128xi32, #tpu.memory_space<vmem>>
      %dma_start3A_68 = arith.constant 0 : i32
      %dma_start3A_69 = tpu.memref_slice %arg4[%add3A, %dma_start3A_68] : memref<2560x128xi32, #tpu.memory_space<hbm>> -> memref<8x128xi32, #tpu.memory_space<hbm>>
      %dma_start3A_70 = arith.constant 0 : i32
      %dma_start3A_71 = arith.constant 0 : i32
      %dma_start3A_72 = tpu.memref_slice %arg8[%dma_start3A_70, %dma_start3A_71] : memref<16x128xi32, #tpu.memory_space<vmem>> -> memref<8x128xi32, #tpu.memory_space<vmem>>
      %dma_start3A_73 = arith.constant 0 : i32
      %dma_start3A_74 = tpu.memref_slice %arg4[%add3A, %dma_start3A_73] : memref<2560x128xi32, #tpu.memory_space<hbm>> -> memref<8x128xi32, #tpu.memory_space<hbm>>
      tpu.enqueue_dma source(%dma_start3A_74 : memref<8x128xi32, #tpu.memory_space<hbm>>) target(%dma_start3A_72 : memref<8x128xi32, #tpu.memory_space<vmem>>) target_semaphore(%run_scoped3A : memref<!tpu.dma_semaphore, #tpu.memory_space<semaphore_mem>>)
      %dma_wait3A_75 = arith.constant 0 : i32
      %dma_wait3A_76 = arith.constant 0 : i32
      %dma_wait3A_77 = tpu.memref_slice %arg8[%dma_wait3A_75, %dma_wait3A_76] : memref<16x128xi32, #tpu.memory_space<vmem>> -> memref<8x128xi32, #tpu.memory_space<vmem>>
      %dma_wait3A_78 = arith.constant 0 : i32
      %dma_wait3A_79 = tpu.memref_slice %arg4[%add3A, %dma_wait3A_78] : memref<2560x128xi32, #tpu.memory_space<hbm>> -> memref<8x128xi32, #tpu.memory_space<hbm>>
      %dma_wait3A_80 = arith.constant 0 : i32
      %dma_wait3A_81 = arith.constant 0 : i32
      %dma_wait3A_82 = tpu.memref_slice %arg8[%dma_wait3A_80, %dma_wait3A_81] : memref<16x128xi32, #tpu.memory_space<vmem>> -> memref<8x128xi32, #tpu.memory_space<vmem>>
      %dma_wait3A_83 = arith.constant 0 : i32
      %dma_wait3A_84 = tpu.memref_slice %arg4[%add3A, %dma_wait3A_83] : memref<2560x128xi32, #tpu.memory_space<hbm>> -> memref<8x128xi32, #tpu.memory_space<hbm>>
      tpu.wait_dma2 semaphore(%run_scoped3A : memref<!tpu.dma_semaphore, #tpu.memory_space<semaphore_mem>>) src(%dma_wait3A_84 : memref<8x128xi32, #tpu.memory_space<hbm>>) dst(%dma_wait3A_82 : memref<8x128xi32, #tpu.memory_space<vmem>>)
      tpu.yield
    }) : () -> ()
    %dma_start3A = arith.constant 0 : i32
    %dma_start3A_11 = arith.constant 0 : i32
    %dma_start3A_12 = arith.constant 0 : i32
    %dma_start3A_13 = tpu.memref_slice %arg9[%dma_start3A_11, %dma_start3A_12] : memref<128x128xf32, #tpu.memory_space<vmem>> -> memref<32x128xf32, #tpu.memory_space<vmem>>
    %dma_start3A_14 = arith.constant 0 : i32
    %dma_start3A_15 = tpu.memref_slice %arg7[%dma_start3A, %dma_start3A_14] : memref<16x128xi32, #tpu.memory_space<vmem>> -> memref<1x32xi32, #tpu.memory_space<vmem>>
    %dma_start3A_16 = tpu.memref_squeeze %dma_start3A_15 : memref<1x32xi32, #tpu.memory_space<vmem>> -> memref<32xi32, #tpu.memory_space<vmem>>
    %dma_start3A_17 = arith.constant 0 : i32
    %dma_start3A_18 = arith.constant 0 : i32
    %dma_start3A_19 = tpu.memref_slice %arg2[%dma_start3A_17, %dma_start3A_18] : memref<20480x128xf32, #tpu.memory_space<hbm>> -> memref<20480x128xf32, #tpu.memory_space<hbm>>
    tpu.enqueue_indirect_dma source(%dma_start3A_19 : memref<20480x128xf32, #tpu.memory_space<hbm>>) target(%dma_start3A_13 : memref<32x128xf32, #tpu.memory_space<vmem>>) offsets(%dma_start3A_16 : memref<32xi32, #tpu.memory_space<vmem>>) semaphore(%arg11 : memref<!tpu.dma_semaphore, #tpu.memory_space<semaphore_mem>>)
    %dma_start3A_20 = arith.constant 0 : i32
    %dma_start3A_21 = arith.constant 32 : i32
    %dma_start3A_22 = arith.constant 0 : i32
    %dma_start3A_23 = tpu.memref_slice %arg9[%dma_start3A_21, %dma_start3A_22] : memref<128x128xf32, #tpu.memory_space<vmem>> -> memref<32x128xf32, #tpu.memory_space<vmem>>
    %dma_start3A_24 = arith.constant 32 : i32
    %dma_start3A_25 = tpu.memref_slice %arg7[%dma_start3A_20, %dma_start3A_24] : memref<16x128xi32, #tpu.memory_space<vmem>> -> memref<1x32xi32, #tpu.memory_space<vmem>>
    %dma_start3A_26 = tpu.memref_squeeze %dma_start3A_25 : memref<1x32xi32, #tpu.memory_space<vmem>> -> memref<32xi32, #tpu.memory_space<vmem>>
    %dma_start3A_27 = arith.constant 0 : i32
    %dma_start3A_28 = arith.constant 0 : i32
    %dma_start3A_29 = tpu.memref_slice %arg2[%dma_start3A_27, %dma_start3A_28] : memref<20480x128xf32, #tpu.memory_space<hbm>> -> memref<20480x128xf32, #tpu.memory_space<hbm>>
    tpu.enqueue_indirect_dma source(%dma_start3A_29 : memref<20480x128xf32, #tpu.memory_space<hbm>>) target(%dma_start3A_23 : memref<32x128xf32, #tpu.memory_space<vmem>>) offsets(%dma_start3A_26 : memref<32xi32, #tpu.memory_space<vmem>>) semaphore(%arg11 : memref<!tpu.dma_semaphore, #tpu.memory_space<semaphore_mem>>)
    %dma_start3A_30 = arith.constant 0 : i32
    %dma_start3A_31 = arith.constant 64 : i32
    %dma_start3A_32 = arith.constant 0 : i32
    %dma_start3A_33 = tpu.memref_slice %arg9[%dma_start3A_31, %dma_start3A_32] : memref<128x128xf32, #tpu.memory_space<vmem>> -> memref<32x128xf32, #tpu.memory_space<vmem>>
    %dma_start3A_34 = arith.constant 64 : i32
    %dma_start3A_35 = tpu.memref_slice %arg7[%dma_start3A_30, %dma_start3A_34] : memref<16x128xi32, #tpu.memory_space<vmem>> -> memref<1x32xi32, #tpu.memory_space<vmem>>
    %dma_start3A_36 = tpu.memref_squeeze %dma_start3A_35 : memref<1x32xi32, #tpu.memory_space<vmem>> -> memref<32xi32, #tpu.memory_space<vmem>>
    %dma_start3A_37 = arith.constant 0 : i32
    %dma_start3A_38 = arith.constant 0 : i32
    %dma_start3A_39 = tpu.memref_slice %arg2[%dma_start3A_37, %dma_start3A_38] : memref<20480x128xf32, #tpu.memory_space<hbm>> -> memref<20480x128xf32, #tpu.memory_space<hbm>>
    tpu.enqueue_indirect_dma source(%dma_start3A_39 : memref<20480x128xf32, #tpu.memory_space<hbm>>) target(%dma_start3A_33 : memref<32x128xf32, #tpu.memory_space<vmem>>) offsets(%dma_start3A_36 : memref<32xi32, #tpu.memory_space<vmem>>) semaphore(%arg11 : memref<!tpu.dma_semaphore, #tpu.memory_space<semaphore_mem>>)
    %dma_start3A_40 = arith.constant 0 : i32
    %dma_start3A_41 = arith.constant 96 : i32
    %dma_start3A_42 = arith.constant 0 : i32
    %dma_start3A_43 = tpu.memref_slice %arg9[%dma_start3A_41, %dma_start3A_42] : memref<128x128xf32, #tpu.memory_space<vmem>> -> memref<32x128xf32, #tpu.memory_space<vmem>>
    %dma_start3A_44 = arith.constant 96 : i32
    %dma_start3A_45 = tpu.memref_slice %arg7[%dma_start3A_40, %dma_start3A_44] : memref<16x128xi32, #tpu.memory_space<vmem>> -> memref<1x32xi32, #tpu.memory_space<vmem>>
    %dma_start3A_46 = tpu.memref_squeeze %dma_start3A_45 : memref<1x32xi32, #tpu.memory_space<vmem>> -> memref<32xi32, #tpu.memory_space<vmem>>
    %dma_start3A_47 = arith.constant 0 : i32
    %dma_start3A_48 = arith.constant 0 : i32
    %dma_start3A_49 = tpu.memref_slice %arg2[%dma_start3A_47, %dma_start3A_48] : memref<20480x128xf32, #tpu.memory_space<hbm>> -> memref<20480x128xf32, #tpu.memory_space<hbm>>
    tpu.enqueue_indirect_dma source(%dma_start3A_49 : memref<20480x128xf32, #tpu.memory_space<hbm>>) target(%dma_start3A_43 : memref<32x128xf32, #tpu.memory_space<vmem>>) offsets(%dma_start3A_46 : memref<32xi32, #tpu.memory_space<vmem>>) semaphore(%arg11 : memref<!tpu.dma_semaphore, #tpu.memory_space<semaphore_mem>>)
    %scan3A = arith.constant 0 : i32
    %scan3A_50 = arith.constant 0 : i32
    %scan3A_51 = arith.constant 10 : i32
    %scan3A_52 = arith.addi %scan3A_50, %scan3A_51 : i32
    %scan3A_53 = arith.constant 1 : i32
    scf.for %scan3A_65 = %scan3A_50 to %scan3A_52 step %scan3A_53  : i32 {
      %lt3A = arith.constant 9 : i32
      %lt3A_66 = arith.cmpi slt, %scan3A_65, %lt3A : i32
      %convert_element_type3A = arith.extui %lt3A_66 : i1 to i32
      %cond3A = arith.constant 0 : i32
      %cond3A_67 = arith.cmpi ne, %convert_element_type3A, %cond3A : i32
      scf.if %cond3A_67 {
        %add3A_538 = arith.constant 1 : i32
        %add3A_539 = arith.addi %scan3A_65, %add3A_538 : i32
        %jit3A_540 = arith.constant 2 : i32
        %eq3A_541 = arith.constant 0 : i32
        %eq3A_542 = arith.cmpi eq, %jit3A_540, %eq3A_541 : i32
        %jit3A_543 = arith.constant 1 : i32
        %select_n3A_544 = arith.select %eq3A_542, %jit3A_543, %jit3A_540 : i32
        %rem3A_545 = arith.remsi %add3A_539, %select_n3A_544 : i32
        %ne3A_546 = arith.constant 0 : i32
        %ne3A_547 = arith.cmpi ne, %rem3A_545, %ne3A_546 : i32
        %lt3A_548 = arith.constant 0 : i32
        %lt3A_549 = arith.cmpi slt, %rem3A_545, %lt3A_548 : i32
        %lt3A_550 = arith.constant 0 : i32
        %lt3A_551 = arith.cmpi slt, %select_n3A_544, %lt3A_550 : i32
        %ne3A_552 = arith.xori %lt3A_549, %lt3A_551 : i1
        %and3A_553 = arith.andi %ne3A_552, %ne3A_547 : i1
        %add3A_554 = arith.addi %rem3A_545, %select_n3A_544 : i32
        %select_n3A_555 = arith.select %and3A_553, %add3A_554, %rem3A_545 : i32
        %mul3A_556 = arith.constant 8 : i32
        %mul3A_557 = arith.muli %select_n3A_555, %mul3A_556 : i32
        %add3A_558 = arith.constant 1 : i32
        %add3A_559 = arith.addi %scan3A_65, %add3A_558 : i32
        %mul3A_560 = arith.constant 8 : i32
        %mul3A_561 = arith.muli %add3A_559, %mul3A_560 : i32
        %add3A_562 = arith.addi %add3A_10, %mul3A_561 : i32
        %dma_start3A_563 = arith.constant 0 : i32
        %dma_start3A_564 = tpu.memref_slice %arg7[%mul3A_557, %dma_start3A_563] : memref<16x128xi32, #tpu.memory_space<vmem>> -> memref<8x128xi32, #tpu.memory_space<vmem>>
        %dma_start3A_565 = arith.constant 0 : i32
        %dma_start3A_566 = tpu.memref_slice %arg3[%add3A_562, %dma_start3A_565] : memref<5120x128xi32, #tpu.memory_space<hbm>> -> memref<8x128xi32, #tpu.memory_space<hbm>>
        %dma_start3A_567 = arith.constant 0 : i32
        %dma_start3A_568 = tpu.memref_slice %arg7[%mul3A_557, %dma_start3A_567] : memref<16x128xi32, #tpu.memory_space<vmem>> -> memref<8x128xi32, #tpu.memory_space<vmem>>
        %dma_start3A_569 = arith.constant 0 : i32
        %dma_start3A_570 = tpu.memref_slice %arg3[%add3A_562, %dma_start3A_569] : memref<5120x128xi32, #tpu.memory_space<hbm>> -> memref<8x128xi32, #tpu.memory_space<hbm>>
        tpu.enqueue_dma source(%dma_start3A_570 : memref<8x128xi32, #tpu.memory_space<hbm>>) target(%dma_start3A_568 : memref<8x128xi32, #tpu.memory_space<vmem>>) target_semaphore(%arg15 : memref<!tpu.dma_semaphore, #tpu.memory_space<semaphore_mem>>)
        %add3A_571 = arith.constant 1 : i32
        %add3A_572 = arith.addi %scan3A_65, %add3A_571 : i32
        %mul3A_573 = arith.constant 8 : i32
        %mul3A_574 = arith.muli %add3A_572, %mul3A_573 : i32
        %add3A_575 = arith.addi %add3A, %mul3A_574 : i32
        %dma_start3A_576 = arith.constant 0 : i32
        %dma_start3A_577 = tpu.memref_slice %arg8[%mul3A_557, %dma_start3A_576] : memref<16x128xi32, #tpu.memory_space<vmem>> -> memref<8x128xi32, #tpu.memory_space<vmem>>
        %dma_start3A_578 = arith.constant 0 : i32
        %dma_start3A_579 = tpu.memref_slice %arg4[%add3A_575, %dma_start3A_578] : memref<2560x128xi32, #tpu.memory_space<hbm>> -> memref<8x128xi32, #tpu.memory_space<hbm>>
        %dma_start3A_580 = arith.constant 0 : i32
        %dma_start3A_581 = tpu.memref_slice %arg8[%mul3A_557, %dma_start3A_580] : memref<16x128xi32, #tpu.memory_space<vmem>> -> memref<8x128xi32, #tpu.memory_space<vmem>>
        %dma_start3A_582 = arith.constant 0 : i32
        %dma_start3A_583 = tpu.memref_slice %arg4[%add3A_575, %dma_start3A_582] : memref<2560x128xi32, #tpu.memory_space<hbm>> -> memref<8x128xi32, #tpu.memory_space<hbm>>
        tpu.enqueue_dma source(%dma_start3A_583 : memref<8x128xi32, #tpu.memory_space<hbm>>) target(%dma_start3A_581 : memref<8x128xi32, #tpu.memory_space<vmem>>) target_semaphore(%arg16 : memref<!tpu.dma_semaphore, #tpu.memory_space<semaphore_mem>>)
      } else {
      }
      %jit3A = arith.constant 2 : i32
      %eq3A = arith.constant 0 : i32
      %eq3A_68 = arith.cmpi eq, %jit3A, %eq3A : i32
      %jit3A_69 = arith.constant 1 : i32
      %select_n3A = arith.select %eq3A_68, %jit3A_69, %jit3A : i32
      %rem3A = arith.remsi %scan3A_65, %select_n3A : i32
      %ne3A = arith.constant 0 : i32
      %ne3A_70 = arith.cmpi ne, %rem3A, %ne3A : i32
      %lt3A_71 = arith.constant 0 : i32
      %lt3A_72 = arith.cmpi slt, %rem3A, %lt3A_71 : i32
      %lt3A_73 = arith.constant 0 : i32
      %lt3A_74 = arith.cmpi slt, %select_n3A, %lt3A_73 : i32
      %ne3A_75 = arith.xori %lt3A_72, %lt3A_74 : i1
      %and3A = arith.andi %ne3A_75, %ne3A_70 : i1
      %add3A_76 = arith.addi %rem3A, %select_n3A : i32
      %select_n3A_77 = arith.select %and3A, %add3A_76, %rem3A : i32
      %mul3A_78 = arith.constant 8 : i32
      %mul3A_79 = arith.muli %select_n3A_77, %mul3A_78 : i32
      %ge3A = arith.constant 1 : i32
      %ge3A_80 = arith.cmpi sge, %scan3A_65, %ge3A : i32
      %convert_element_type3A_81 = arith.extui %ge3A_80 : i1 to i32
      %cond3A_82 = arith.constant 0 : i32
      %cond3A_83 = arith.cmpi ne, %convert_element_type3A_81, %cond3A_82 : i32
      scf.if %cond3A_83 {
        %dma_wait3A_538 = arith.constant 0 : i32
        %dma_wait3A_539 = arith.constant 0 : i32
        %dma_wait3A_540 = tpu.memref_slice %arg8[%dma_wait3A_538, %dma_wait3A_539] : memref<16x128xi32, #tpu.memory_space<vmem>> -> memref<1x128xi32, #tpu.memory_space<vmem>>
        %dma_wait3A_541 = tpu.memref_squeeze %dma_wait3A_540 : memref<1x128xi32, #tpu.memory_space<vmem>> -> memref<128xi32, #tpu.memory_space<vmem>>
        %dma_wait3A_542 = arith.constant 0 : i32
        %dma_wait3A_543 = arith.constant 0 : i32
        %dma_wait3A_544 = tpu.memref_slice %arg6[%dma_wait3A_542, %dma_wait3A_543] : memref<10240x128xf32, #tpu.memory_space<vmem_shared>> -> memref<10240x128xf32, #tpu.memory_space<vmem_shared>>
        tpu.wait_indirect_dma semaphore(%arg14 : memref<!tpu.dma_semaphore, #tpu.memory_space<semaphore_mem>>) src(%arg10 : memref<128x128xf32, #tpu.memory_space<vmem>>) dst(%dma_wait3A_544 : memref<10240x128xf32, #tpu.memory_space<vmem_shared>>)
      } else {
      }
      %add3A_84 = arith.constant 0 : i32
      %add3A_85 = arith.addi %mul3A_79, %add3A_84 : i32
      %add3A_86 = arith.constant 1 : i32
      %add3A_87 = arith.addi %add3A_85, %add3A_86 : i32
      %dma_start3A_88 = arith.constant 0 : i32
      %dma_start3A_89 = arith.constant 0 : i32
      %dma_start3A_90 = tpu.memref_slice %arg10[%dma_start3A_88, %dma_start3A_89] : memref<128x128xf32, #tpu.memory_space<vmem>> -> memref<32x128xf32, #tpu.memory_space<vmem>>
      %dma_start3A_91 = arith.constant 0 : i32
      %dma_start3A_92 = tpu.memref_slice %arg7[%add3A_87, %dma_start3A_91] : memref<16x128xi32, #tpu.memory_space<vmem>> -> memref<1x32xi32, #tpu.memory_space<vmem>>
      %dma_start3A_93 = tpu.memref_squeeze %dma_start3A_92 : memref<1x32xi32, #tpu.memory_space<vmem>> -> memref<32xi32, #tpu.memory_space<vmem>>
      %dma_start3A_94 = arith.constant 0 : i32
      %dma_start3A_95 = arith.constant 0 : i32
      %dma_start3A_96 = tpu.memref_slice %arg2[%dma_start3A_94, %dma_start3A_95] : memref<20480x128xf32, #tpu.memory_space<hbm>> -> memref<20480x128xf32, #tpu.memory_space<hbm>>
      tpu.enqueue_indirect_dma source(%dma_start3A_96 : memref<20480x128xf32, #tpu.memory_space<hbm>>) target(%dma_start3A_90 : memref<32x128xf32, #tpu.memory_space<vmem>>) offsets(%dma_start3A_93 : memref<32xi32, #tpu.memory_space<vmem>>) semaphore(%arg12 : memref<!tpu.dma_semaphore, #tpu.memory_space<semaphore_mem>>)
      %dma_start3A_97 = arith.constant 32 : i32
      %dma_start3A_98 = arith.constant 0 : i32
      %dma_start3A_99 = tpu.memref_slice %arg10[%dma_start3A_97, %dma_start3A_98] : memref<128x128xf32, #tpu.memory_space<vmem>> -> memref<32x128xf32, #tpu.memory_space<vmem>>
      %dma_start3A_100 = arith.constant 32 : i32
      %dma_start3A_101 = tpu.memref_slice %arg7[%add3A_87, %dma_start3A_100] : memref<16x128xi32, #tpu.memory_space<vmem>> -> memref<1x32xi32, #tpu.memory_space<vmem>>
      %dma_start3A_102 = tpu.memref_squeeze %dma_start3A_101 : memref<1x32xi32, #tpu.memory_space<vmem>> -> memref<32xi32, #tpu.memory_space<vmem>>
      %dma_start3A_103 = arith.constant 0 : i32
      %dma_start3A_104 = arith.constant 0 : i32
      %dma_start3A_105 = tpu.memref_slice %arg2[%dma_start3A_103, %dma_start3A_104] : memref<20480x128xf32, #tpu.memory_space<hbm>> -> memref<20480x128xf32, #tpu.memory_space<hbm>>
      tpu.enqueue_indirect_dma source(%dma_start3A_105 : memref<20480x128xf32, #tpu.memory_space<hbm>>) target(%dma_start3A_99 : memref<32x128xf32, #tpu.memory_space<vmem>>) offsets(%dma_start3A_102 : memref<32xi32, #tpu.memory_space<vmem>>) semaphore(%arg12 : memref<!tpu.dma_semaphore, #tpu.memory_space<semaphore_mem>>)
      %dma_start3A_106 = arith.constant 64 : i32
      %dma_start3A_107 = arith.constant 0 : i32
      %dma_start3A_108 = tpu.memref_slice %arg10[%dma_start3A_106, %dma_start3A_107] : memref<128x128xf32, #tpu.memory_space<vmem>> -> memref<32x128xf32, #tpu.memory_space<vmem>>
      %dma_start3A_109 = arith.constant 64 : i32
      %dma_start3A_110 = tpu.memref_slice %arg7[%add3A_87, %dma_start3A_109] : memref<16x128xi32, #tpu.memory_space<vmem>> -> memref<1x32xi32, #tpu.memory_space<vmem>>
      %dma_start3A_111 = tpu.memref_squeeze %dma_start3A_110 : memref<1x32xi32, #tpu.memory_space<vmem>> -> memref<32xi32, #tpu.memory_space<vmem>>
      %dma_start3A_112 = arith.constant 0 : i32
      %dma_start3A_113 = arith.constant 0 : i32
      %dma_start3A_114 = tpu.memref_slice %arg2[%dma_start3A_112, %dma_start3A_113] : memref<20480x128xf32, #tpu.memory_space<hbm>> -> memref<20480x128xf32, #tpu.memory_space<hbm>>
      tpu.enqueue_indirect_dma source(%dma_start3A_114 : memref<20480x128xf32, #tpu.memory_space<hbm>>) target(%dma_start3A_108 : memref<32x128xf32, #tpu.memory_space<vmem>>) offsets(%dma_start3A_111 : memref<32xi32, #tpu.memory_space<vmem>>) semaphore(%arg12 : memref<!tpu.dma_semaphore, #tpu.memory_space<semaphore_mem>>)
      %dma_start3A_115 = arith.constant 96 : i32
      %dma_start3A_116 = arith.constant 0 : i32
      %dma_start3A_117 = tpu.memref_slice %arg10[%dma_start3A_115, %dma_start3A_116] : memref<128x128xf32, #tpu.memory_space<vmem>> -> memref<32x128xf32, #tpu.memory_space<vmem>>
      %dma_start3A_118 = arith.constant 96 : i32
      %dma_start3A_119 = tpu.memref_slice %arg7[%add3A_87, %dma_start3A_118] : memref<16x128xi32, #tpu.memory_space<vmem>> -> memref<1x32xi32, #tpu.memory_space<vmem>>
      %dma_start3A_120 = tpu.memref_squeeze %dma_start3A_119 : memref<1x32xi32, #tpu.memory_space<vmem>> -> memref<32xi32, #tpu.memory_space<vmem>>
      %dma_start3A_121 = arith.constant 0 : i32
      %dma_start3A_122 = arith.constant 0 : i32
      %dma_start3A_123 = tpu.memref_slice %arg2[%dma_start3A_121, %dma_start3A_122] : memref<20480x128xf32, #tpu.memory_space<hbm>> -> memref<20480x128xf32, #tpu.memory_space<hbm>>
      tpu.enqueue_indirect_dma source(%dma_start3A_123 : memref<20480x128xf32, #tpu.memory_space<hbm>>) target(%dma_start3A_117 : memref<32x128xf32, #tpu.memory_space<vmem>>) offsets(%dma_start3A_120 : memref<32xi32, #tpu.memory_space<vmem>>) semaphore(%arg12 : memref<!tpu.dma_semaphore, #tpu.memory_space<semaphore_mem>>)
      %dma_wait3A_124 = arith.constant 0 : i32
      %dma_wait3A_125 = arith.constant 0 : i32
      %dma_wait3A_126 = tpu.memref_slice %arg7[%dma_wait3A_124, %dma_wait3A_125] : memref<16x128xi32, #tpu.memory_space<vmem>> -> memref<1x128xi32, #tpu.memory_space<vmem>>
      %dma_wait3A_127 = tpu.memref_squeeze %dma_wait3A_126 : memref<1x128xi32, #tpu.memory_space<vmem>> -> memref<128xi32, #tpu.memory_space<vmem>>
      %dma_wait3A_128 = arith.constant 0 : i32
      %dma_wait3A_129 = arith.constant 0 : i32
      %dma_wait3A_130 = tpu.memref_slice %arg2[%dma_wait3A_128, %dma_wait3A_129] : memref<20480x128xf32, #tpu.memory_space<hbm>> -> memref<20480x128xf32, #tpu.memory_space<hbm>>
      tpu.wait_indirect_dma semaphore(%arg11 : memref<!tpu.dma_semaphore, #tpu.memory_space<semaphore_mem>>) src(%dma_wait3A_130 : memref<20480x128xf32, #tpu.memory_space<hbm>>) dst(%arg9 : memref<128x128xf32, #tpu.memory_space<vmem>>)
      %add3A_131 = arith.constant 0 : i32
      %add3A_132 = arith.addi %mul3A_79, %add3A_131 : i32
      %dma_start3A_133 = arith.constant 0 : i32
      %dma_start3A_134 = tpu.memref_slice %arg8[%add3A_132, %dma_start3A_133] : memref<16x128xi32, #tpu.memory_space<vmem>> -> memref<1x128xi32, #tpu.memory_space<vmem>>
      %dma_start3A_135 = tpu.memref_squeeze %dma_start3A_134 : memref<1x128xi32, #tpu.memory_space<vmem>> -> memref<128xi32, #tpu.memory_space<vmem>>
      %dma_start3A_136 = arith.constant 0 : i32
      %dma_start3A_137 = arith.constant 0 : i32
      %dma_start3A_138 = tpu.memref_slice %arg6[%dma_start3A_136, %dma_start3A_137] : memref<10240x128xf32, #tpu.memory_space<vmem_shared>> -> memref<10240x128xf32, #tpu.memory_space<vmem_shared>>
      tpu.enqueue_indirect_dma source(%arg9 : memref<128x128xf32, #tpu.memory_space<vmem>>) target(%dma_start3A_138 : memref<10240x128xf32, #tpu.memory_space<vmem_shared>>) offsets(%dma_start3A_135 : memref<128xi32, #tpu.memory_space<vmem>>) semaphore(%arg13 : memref<!tpu.dma_semaphore, #tpu.memory_space<semaphore_mem>>) {add = true}
      %dma_wait3A_139 = arith.constant 0 : i32
      %dma_wait3A_140 = arith.constant 0 : i32
      %dma_wait3A_141 = tpu.memref_slice %arg8[%dma_wait3A_139, %dma_wait3A_140] : memref<16x128xi32, #tpu.memory_space<vmem>> -> memref<1x128xi32, #tpu.memory_space<vmem>>
      %dma_wait3A_142 = tpu.memref_squeeze %dma_wait3A_141 : memref<1x128xi32, #tpu.memory_space<vmem>> -> memref<128xi32, #tpu.memory_space<vmem>>
      %dma_wait3A_143 = arith.constant 0 : i32
      %dma_wait3A_144 = arith.constant 0 : i32
      %dma_wait3A_145 = tpu.memref_slice %arg6[%dma_wait3A_143, %dma_wait3A_144] : memref<10240x128xf32, #tpu.memory_space<vmem_shared>> -> memref<10240x128xf32, #tpu.memory_space<vmem_shared>>
      tpu.wait_indirect_dma semaphore(%arg13 : memref<!tpu.dma_semaphore, #tpu.memory_space<semaphore_mem>>) src(%arg9 : memref<128x128xf32, #tpu.memory_space<vmem>>) dst(%dma_wait3A_145 : memref<10240x128xf32, #tpu.memory_space<vmem_shared>>)
      %add3A_146 = arith.constant 1 : i32
      %add3A_147 = arith.addi %mul3A_79, %add3A_146 : i32
      %add3A_148 = arith.constant 1 : i32
      %add3A_149 = arith.addi %add3A_147, %add3A_148 : i32
      %dma_start3A_150 = arith.constant 0 : i32
      %dma_start3A_151 = arith.constant 0 : i32
      %dma_start3A_152 = tpu.memref_slice %arg9[%dma_start3A_150, %dma_start3A_151] : memref<128x128xf32, #tpu.memory_space<vmem>> -> memref<32x128xf32, #tpu.memory_space<vmem>>
      %dma_start3A_153 = arith.constant 0 : i32
      %dma_start3A_154 = tpu.memref_slice %arg7[%add3A_149, %dma_start3A_153] : memref<16x128xi32, #tpu.memory_space<vmem>> -> memref<1x32xi32, #tpu.memory_space<vmem>>
      %dma_start3A_155 = tpu.memref_squeeze %dma_start3A_154 : memref<1x32xi32, #tpu.memory_space<vmem>> -> memref<32xi32, #tpu.memory_space<vmem>>
      %dma_start3A_156 = arith.constant 0 : i32
      %dma_start3A_157 = arith.constant 0 : i32
      %dma_start3A_158 = tpu.memref_slice %arg2[%dma_start3A_156, %dma_start3A_157] : memref<20480x128xf32, #tpu.memory_space<hbm>> -> memref<20480x128xf32, #tpu.memory_space<hbm>>
      tpu.enqueue_indirect_dma source(%dma_start3A_158 : memref<20480x128xf32, #tpu.memory_space<hbm>>) target(%dma_start3A_152 : memref<32x128xf32, #tpu.memory_space<vmem>>) offsets(%dma_start3A_155 : memref<32xi32, #tpu.memory_space<vmem>>) semaphore(%arg11 : memref<!tpu.dma_semaphore, #tpu.memory_space<semaphore_mem>>)
      %dma_start3A_159 = arith.constant 32 : i32
      %dma_start3A_160 = arith.constant 0 : i32
      %dma_start3A_161 = tpu.memref_slice %arg9[%dma_start3A_159, %dma_start3A_160] : memref<128x128xf32, #tpu.memory_space<vmem>> -> memref<32x128xf32, #tpu.memory_space<vmem>>
      %dma_start3A_162 = arith.constant 32 : i32
      %dma_start3A_163 = tpu.memref_slice %arg7[%add3A_149, %dma_start3A_162] : memref<16x128xi32, #tpu.memory_space<vmem>> -> memref<1x32xi32, #tpu.memory_space<vmem>>
      %dma_start3A_164 = tpu.memref_squeeze %dma_start3A_163 : memref<1x32xi32, #tpu.memory_space<vmem>> -> memref<32xi32, #tpu.memory_space<vmem>>
      %dma_start3A_165 = arith.constant 0 : i32
      %dma_start3A_166 = arith.constant 0 : i32
      %dma_start3A_167 = tpu.memref_slice %arg2[%dma_start3A_165, %dma_start3A_166] : memref<20480x128xf32, #tpu.memory_space<hbm>> -> memref<20480x128xf32, #tpu.memory_space<hbm>>
      tpu.enqueue_indirect_dma source(%dma_start3A_167 : memref<20480x128xf32, #tpu.memory_space<hbm>>) target(%dma_start3A_161 : memref<32x128xf32, #tpu.memory_space<vmem>>) offsets(%dma_start3A_164 : memref<32xi32, #tpu.memory_space<vmem>>) semaphore(%arg11 : memref<!tpu.dma_semaphore, #tpu.memory_space<semaphore_mem>>)
      %dma_start3A_168 = arith.constant 64 : i32
      %dma_start3A_169 = arith.constant 0 : i32
      %dma_start3A_170 = tpu.memref_slice %arg9[%dma_start3A_168, %dma_start3A_169] : memref<128x128xf32, #tpu.memory_space<vmem>> -> memref<32x128xf32, #tpu.memory_space<vmem>>
      %dma_start3A_171 = arith.constant 64 : i32
      %dma_start3A_172 = tpu.memref_slice %arg7[%add3A_149, %dma_start3A_171] : memref<16x128xi32, #tpu.memory_space<vmem>> -> memref<1x32xi32, #tpu.memory_space<vmem>>
      %dma_start3A_173 = tpu.memref_squeeze %dma_start3A_172 : memref<1x32xi32, #tpu.memory_space<vmem>> -> memref<32xi32, #tpu.memory_space<vmem>>
      %dma_start3A_174 = arith.constant 0 : i32
      %dma_start3A_175 = arith.constant 0 : i32
      %dma_start3A_176 = tpu.memref_slice %arg2[%dma_start3A_174, %dma_start3A_175] : memref<20480x128xf32, #tpu.memory_space<hbm>> -> memref<20480x128xf32, #tpu.memory_space<hbm>>
      tpu.enqueue_indirect_dma source(%dma_start3A_176 : memref<20480x128xf32, #tpu.memory_space<hbm>>) target(%dma_start3A_170 : memref<32x128xf32, #tpu.memory_space<vmem>>) offsets(%dma_start3A_173 : memref<32xi32, #tpu.memory_space<vmem>>) semaphore(%arg11 : memref<!tpu.dma_semaphore, #tpu.memory_space<semaphore_mem>>)
      %dma_start3A_177 = arith.constant 96 : i32
      %dma_start3A_178 = arith.constant 0 : i32
      %dma_start3A_179 = tpu.memref_slice %arg9[%dma_start3A_177, %dma_start3A_178] : memref<128x128xf32, #tpu.memory_space<vmem>> -> memref<32x128xf32, #tpu.memory_space<vmem>>
      %dma_start3A_180 = arith.constant 96 : i32
      %dma_start3A_181 = tpu.memref_slice %arg7[%add3A_149, %dma_start3A_180] : memref<16x128xi32, #tpu.memory_space<vmem>> -> memref<1x32xi32, #tpu.memory_space<vmem>>
      %dma_start3A_182 = tpu.memref_squeeze %dma_start3A_181 : memref<1x32xi32, #tpu.memory_space<vmem>> -> memref<32xi32, #tpu.memory_space<vmem>>
      %dma_start3A_183 = arith.constant 0 : i32
      %dma_start3A_184 = arith.constant 0 : i32
      %dma_start3A_185 = tpu.memref_slice %arg2[%dma_start3A_183, %dma_start3A_184] : memref<20480x128xf32, #tpu.memory_space<hbm>> -> memref<20480x128xf32, #tpu.memory_space<hbm>>
      tpu.enqueue_indirect_dma source(%dma_start3A_185 : memref<20480x128xf32, #tpu.memory_space<hbm>>) target(%dma_start3A_179 : memref<32x128xf32, #tpu.memory_space<vmem>>) offsets(%dma_start3A_182 : memref<32xi32, #tpu.memory_space<vmem>>) semaphore(%arg11 : memref<!tpu.dma_semaphore, #tpu.memory_space<semaphore_mem>>)
      %dma_wait3A_186 = arith.constant 0 : i32
      %dma_wait3A_187 = arith.constant 0 : i32
      %dma_wait3A_188 = tpu.memref_slice %arg7[%dma_wait3A_186, %dma_wait3A_187] : memref<16x128xi32, #tpu.memory_space<vmem>> -> memref<1x128xi32, #tpu.memory_space<vmem>>
      %dma_wait3A_189 = tpu.memref_squeeze %dma_wait3A_188 : memref<1x128xi32, #tpu.memory_space<vmem>> -> memref<128xi32, #tpu.memory_space<vmem>>
      %dma_wait3A_190 = arith.constant 0 : i32
      %dma_wait3A_191 = arith.constant 0 : i32
      %dma_wait3A_192 = tpu.memref_slice %arg2[%dma_wait3A_190, %dma_wait3A_191] : memref<20480x128xf32, #tpu.memory_space<hbm>> -> memref<20480x128xf32, #tpu.memory_space<hbm>>
      tpu.wait_indirect_dma semaphore(%arg12 : memref<!tpu.dma_semaphore, #tpu.memory_space<semaphore_mem>>) src(%dma_wait3A_192 : memref<20480x128xf32, #tpu.memory_space<hbm>>) dst(%arg10 : memref<128x128xf32, #tpu.memory_space<vmem>>)
      %add3A_193 = arith.constant 1 : i32
      %add3A_194 = arith.addi %mul3A_79, %add3A_193 : i32
      %dma_start3A_195 = arith.constant 0 : i32
      %dma_start3A_196 = tpu.memref_slice %arg8[%add3A_194, %dma_start3A_195] : memref<16x128xi32, #tpu.memory_space<vmem>> -> memref<1x128xi32, #tpu.memory_space<vmem>>
      %dma_start3A_197 = tpu.memref_squeeze %dma_start3A_196 : memref<1x128xi32, #tpu.memory_space<vmem>> -> memref<128xi32, #tpu.memory_space<vmem>>
      %dma_start3A_198 = arith.constant 0 : i32
      %dma_start3A_199 = arith.constant 0 : i32
      %dma_start3A_200 = tpu.memref_slice %arg6[%dma_start3A_198, %dma_start3A_199] : memref<10240x128xf32, #tpu.memory_space<vmem_shared>> -> memref<10240x128xf32, #tpu.memory_space<vmem_shared>>
      tpu.enqueue_indirect_dma source(%arg10 : memref<128x128xf32, #tpu.memory_space<vmem>>) target(%dma_start3A_200 : memref<10240x128xf32, #tpu.memory_space<vmem_shared>>) offsets(%dma_start3A_197 : memref<128xi32, #tpu.memory_space<vmem>>) semaphore(%arg14 : memref<!tpu.dma_semaphore, #tpu.memory_space<semaphore_mem>>) {add = true}
      %dma_wait3A_201 = arith.constant 0 : i32
      %dma_wait3A_202 = arith.constant 0 : i32
      %dma_wait3A_203 = tpu.memref_slice %arg8[%dma_wait3A_201, %dma_wait3A_202] : memref<16x128xi32, #tpu.memory_space<vmem>> -> memref<1x128xi32, #tpu.memory_space<vmem>>
      %dma_wait3A_204 = tpu.memref_squeeze %dma_wait3A_203 : memref<1x128xi32, #tpu.memory_space<vmem>> -> memref<128xi32, #tpu.memory_space<vmem>>
      %dma_wait3A_205 = arith.constant 0 : i32
      %dma_wait3A_206 = arith.constant 0 : i32
      %dma_wait3A_207 = tpu.memref_slice %arg6[%dma_wait3A_205, %dma_wait3A_206] : memref<10240x128xf32, #tpu.memory_space<vmem_shared>> -> memref<10240x128xf32, #tpu.memory_space<vmem_shared>>
      tpu.wait_indirect_dma semaphore(%arg14 : memref<!tpu.dma_semaphore, #tpu.memory_space<semaphore_mem>>) src(%arg10 : memref<128x128xf32, #tpu.memory_space<vmem>>) dst(%dma_wait3A_207 : memref<10240x128xf32, #tpu.memory_space<vmem_shared>>)
      %add3A_208 = arith.constant 2 : i32
      %add3A_209 = arith.addi %mul3A_79, %add3A_208 : i32
      %add3A_210 = arith.constant 1 : i32
      %add3A_211 = arith.addi %add3A_209, %add3A_210 : i32
      %dma_start3A_212 = arith.constant 0 : i32
      %dma_start3A_213 = arith.constant 0 : i32
      %dma_start3A_214 = tpu.memref_slice %arg10[%dma_start3A_212, %dma_start3A_213] : memref<128x128xf32, #tpu.memory_space<vmem>> -> memref<32x128xf32, #tpu.memory_space<vmem>>
      %dma_start3A_215 = arith.constant 0 : i32
      %dma_start3A_216 = tpu.memref_slice %arg7[%add3A_211, %dma_start3A_215] : memref<16x128xi32, #tpu.memory_space<vmem>> -> memref<1x32xi32, #tpu.memory_space<vmem>>
      %dma_start3A_217 = tpu.memref_squeeze %dma_start3A_216 : memref<1x32xi32, #tpu.memory_space<vmem>> -> memref<32xi32, #tpu.memory_space<vmem>>
      %dma_start3A_218 = arith.constant 0 : i32
      %dma_start3A_219 = arith.constant 0 : i32
      %dma_start3A_220 = tpu.memref_slice %arg2[%dma_start3A_218, %dma_start3A_219] : memref<20480x128xf32, #tpu.memory_space<hbm>> -> memref<20480x128xf32, #tpu.memory_space<hbm>>
      tpu.enqueue_indirect_dma source(%dma_start3A_220 : memref<20480x128xf32, #tpu.memory_space<hbm>>) target(%dma_start3A_214 : memref<32x128xf32, #tpu.memory_space<vmem>>) offsets(%dma_start3A_217 : memref<32xi32, #tpu.memory_space<vmem>>) semaphore(%arg12 : memref<!tpu.dma_semaphore, #tpu.memory_space<semaphore_mem>>)
      %dma_start3A_221 = arith.constant 32 : i32
      %dma_start3A_222 = arith.constant 0 : i32
      %dma_start3A_223 = tpu.memref_slice %arg10[%dma_start3A_221, %dma_start3A_222] : memref<128x128xf32, #tpu.memory_space<vmem>> -> memref<32x128xf32, #tpu.memory_space<vmem>>
      %dma_start3A_224 = arith.constant 32 : i32
      %dma_start3A_225 = tpu.memref_slice %arg7[%add3A_211, %dma_start3A_224] : memref<16x128xi32, #tpu.memory_space<vmem>> -> memref<1x32xi32, #tpu.memory_space<vmem>>
      %dma_start3A_226 = tpu.memref_squeeze %dma_start3A_225 : memref<1x32xi32, #tpu.memory_space<vmem>> -> memref<32xi32, #tpu.memory_space<vmem>>
      %dma_start3A_227 = arith.constant 0 : i32
      %dma_start3A_228 = arith.constant 0 : i32
      %dma_start3A_229 = tpu.memref_slice %arg2[%dma_start3A_227, %dma_start3A_228] : memref<20480x128xf32, #tpu.memory_space<hbm>> -> memref<20480x128xf32, #tpu.memory_space<hbm>>
      tpu.enqueue_indirect_dma source(%dma_start3A_229 : memref<20480x128xf32, #tpu.memory_space<hbm>>) target(%dma_start3A_223 : memref<32x128xf32, #tpu.memory_space<vmem>>) offsets(%dma_start3A_226 : memref<32xi32, #tpu.memory_space<vmem>>) semaphore(%arg12 : memref<!tpu.dma_semaphore, #tpu.memory_space<semaphore_mem>>)
      %dma_start3A_230 = arith.constant 64 : i32
      %dma_start3A_231 = arith.constant 0 : i32
      %dma_start3A_232 = tpu.memref_slice %arg10[%dma_start3A_230, %dma_start3A_231] : memref<128x128xf32, #tpu.memory_space<vmem>> -> memref<32x128xf32, #tpu.memory_space<vmem>>
      %dma_start3A_233 = arith.constant 64 : i32
      %dma_start3A_234 = tpu.memref_slice %arg7[%add3A_211, %dma_start3A_233] : memref<16x128xi32, #tpu.memory_space<vmem>> -> memref<1x32xi32, #tpu.memory_space<vmem>>
      %dma_start3A_235 = tpu.memref_squeeze %dma_start3A_234 : memref<1x32xi32, #tpu.memory_space<vmem>> -> memref<32xi32, #tpu.memory_space<vmem>>
      %dma_start3A_236 = arith.constant 0 : i32
      %dma_start3A_237 = arith.constant 0 : i32
      %dma_start3A_238 = tpu.memref_slice %arg2[%dma_start3A_236, %dma_start3A_237] : memref<20480x128xf32, #tpu.memory_space<hbm>> -> memref<20480x128xf32, #tpu.memory_space<hbm>>
      tpu.enqueue_indirect_dma source(%dma_start3A_238 : memref<20480x128xf32, #tpu.memory_space<hbm>>) target(%dma_start3A_232 : memref<32x128xf32, #tpu.memory_space<vmem>>) offsets(%dma_start3A_235 : memref<32xi32, #tpu.memory_space<vmem>>) semaphore(%arg12 : memref<!tpu.dma_semaphore, #tpu.memory_space<semaphore_mem>>)
      %dma_start3A_239 = arith.constant 96 : i32
      %dma_start3A_240 = arith.constant 0 : i32
      %dma_start3A_241 = tpu.memref_slice %arg10[%dma_start3A_239, %dma_start3A_240] : memref<128x128xf32, #tpu.memory_space<vmem>> -> memref<32x128xf32, #tpu.memory_space<vmem>>
      %dma_start3A_242 = arith.constant 96 : i32
      %dma_start3A_243 = tpu.memref_slice %arg7[%add3A_211, %dma_start3A_242] : memref<16x128xi32, #tpu.memory_space<vmem>> -> memref<1x32xi32, #tpu.memory_space<vmem>>
      %dma_start3A_244 = tpu.memref_squeeze %dma_start3A_243 : memref<1x32xi32, #tpu.memory_space<vmem>> -> memref<32xi32, #tpu.memory_space<vmem>>
      %dma_start3A_245 = arith.constant 0 : i32
      %dma_start3A_246 = arith.constant 0 : i32
      %dma_start3A_247 = tpu.memref_slice %arg2[%dma_start3A_245, %dma_start3A_246] : memref<20480x128xf32, #tpu.memory_space<hbm>> -> memref<20480x128xf32, #tpu.memory_space<hbm>>
      tpu.enqueue_indirect_dma source(%dma_start3A_247 : memref<20480x128xf32, #tpu.memory_space<hbm>>) target(%dma_start3A_241 : memref<32x128xf32, #tpu.memory_space<vmem>>) offsets(%dma_start3A_244 : memref<32xi32, #tpu.memory_space<vmem>>) semaphore(%arg12 : memref<!tpu.dma_semaphore, #tpu.memory_space<semaphore_mem>>)
      %dma_wait3A_248 = arith.constant 0 : i32
      %dma_wait3A_249 = arith.constant 0 : i32
      %dma_wait3A_250 = tpu.memref_slice %arg7[%dma_wait3A_248, %dma_wait3A_249] : memref<16x128xi32, #tpu.memory_space<vmem>> -> memref<1x128xi32, #tpu.memory_space<vmem>>
      %dma_wait3A_251 = tpu.memref_squeeze %dma_wait3A_250 : memref<1x128xi32, #tpu.memory_space<vmem>> -> memref<128xi32, #tpu.memory_space<vmem>>
      %dma_wait3A_252 = arith.constant 0 : i32
      %dma_wait3A_253 = arith.constant 0 : i32
      %dma_wait3A_254 = tpu.memref_slice %arg2[%dma_wait3A_252, %dma_wait3A_253] : memref<20480x128xf32, #tpu.memory_space<hbm>> -> memref<20480x128xf32, #tpu.memory_space<hbm>>
      tpu.wait_indirect_dma semaphore(%arg11 : memref<!tpu.dma_semaphore, #tpu.memory_space<semaphore_mem>>) src(%dma_wait3A_254 : memref<20480x128xf32, #tpu.memory_space<hbm>>) dst(%arg9 : memref<128x128xf32, #tpu.memory_space<vmem>>)
      %add3A_255 = arith.constant 2 : i32
      %add3A_256 = arith.addi %mul3A_79, %add3A_255 : i32
      %dma_start3A_257 = arith.constant 0 : i32
      %dma_start3A_258 = tpu.memref_slice %arg8[%add3A_256, %dma_start3A_257] : memref<16x128xi32, #tpu.memory_space<vmem>> -> memref<1x128xi32, #tpu.memory_space<vmem>>
      %dma_start3A_259 = tpu.memref_squeeze %dma_start3A_258 : memref<1x128xi32, #tpu.memory_space<vmem>> -> memref<128xi32, #tpu.memory_space<vmem>>
      %dma_start3A_260 = arith.constant 0 : i32
      %dma_start3A_261 = arith.constant 0 : i32
      %dma_start3A_262 = tpu.memref_slice %arg6[%dma_start3A_260, %dma_start3A_261] : memref<10240x128xf32, #tpu.memory_space<vmem_shared>> -> memref<10240x128xf32, #tpu.memory_space<vmem_shared>>
      tpu.enqueue_indirect_dma source(%arg9 : memref<128x128xf32, #tpu.memory_space<vmem>>) target(%dma_start3A_262 : memref<10240x128xf32, #tpu.memory_space<vmem_shared>>) offsets(%dma_start3A_259 : memref<128xi32, #tpu.memory_space<vmem>>) semaphore(%arg13 : memref<!tpu.dma_semaphore, #tpu.memory_space<semaphore_mem>>) {add = true}
      %dma_wait3A_263 = arith.constant 0 : i32
      %dma_wait3A_264 = arith.constant 0 : i32
      %dma_wait3A_265 = tpu.memref_slice %arg8[%dma_wait3A_263, %dma_wait3A_264] : memref<16x128xi32, #tpu.memory_space<vmem>> -> memref<1x128xi32, #tpu.memory_space<vmem>>
      %dma_wait3A_266 = tpu.memref_squeeze %dma_wait3A_265 : memref<1x128xi32, #tpu.memory_space<vmem>> -> memref<128xi32, #tpu.memory_space<vmem>>
      %dma_wait3A_267 = arith.constant 0 : i32
      %dma_wait3A_268 = arith.constant 0 : i32
      %dma_wait3A_269 = tpu.memref_slice %arg6[%dma_wait3A_267, %dma_wait3A_268] : memref<10240x128xf32, #tpu.memory_space<vmem_shared>> -> memref<10240x128xf32, #tpu.memory_space<vmem_shared>>
      tpu.wait_indirect_dma semaphore(%arg13 : memref<!tpu.dma_semaphore, #tpu.memory_space<semaphore_mem>>) src(%arg9 : memref<128x128xf32, #tpu.memory_space<vmem>>) dst(%dma_wait3A_269 : memref<10240x128xf32, #tpu.memory_space<vmem_shared>>)
      %add3A_270 = arith.constant 3 : i32
      %add3A_271 = arith.addi %mul3A_79, %add3A_270 : i32
      %add3A_272 = arith.constant 1 : i32
      %add3A_273 = arith.addi %add3A_271, %add3A_272 : i32
      %dma_start3A_274 = arith.constant 0 : i32
      %dma_start3A_275 = arith.constant 0 : i32
      %dma_start3A_276 = tpu.memref_slice %arg9[%dma_start3A_274, %dma_start3A_275] : memref<128x128xf32, #tpu.memory_space<vmem>> -> memref<32x128xf32, #tpu.memory_space<vmem>>
      %dma_start3A_277 = arith.constant 0 : i32
      %dma_start3A_278 = tpu.memref_slice %arg7[%add3A_273, %dma_start3A_277] : memref<16x128xi32, #tpu.memory_space<vmem>> -> memref<1x32xi32, #tpu.memory_space<vmem>>
      %dma_start3A_279 = tpu.memref_squeeze %dma_start3A_278 : memref<1x32xi32, #tpu.memory_space<vmem>> -> memref<32xi32, #tpu.memory_space<vmem>>
      %dma_start3A_280 = arith.constant 0 : i32
      %dma_start3A_281 = arith.constant 0 : i32
      %dma_start3A_282 = tpu.memref_slice %arg2[%dma_start3A_280, %dma_start3A_281] : memref<20480x128xf32, #tpu.memory_space<hbm>> -> memref<20480x128xf32, #tpu.memory_space<hbm>>
      tpu.enqueue_indirect_dma source(%dma_start3A_282 : memref<20480x128xf32, #tpu.memory_space<hbm>>) target(%dma_start3A_276 : memref<32x128xf32, #tpu.memory_space<vmem>>) offsets(%dma_start3A_279 : memref<32xi32, #tpu.memory_space<vmem>>) semaphore(%arg11 : memref<!tpu.dma_semaphore, #tpu.memory_space<semaphore_mem>>)
      %dma_start3A_283 = arith.constant 32 : i32
      %dma_start3A_284 = arith.constant 0 : i32
      %dma_start3A_285 = tpu.memref_slice %arg9[%dma_start3A_283, %dma_start3A_284] : memref<128x128xf32, #tpu.memory_space<vmem>> -> memref<32x128xf32, #tpu.memory_space<vmem>>
      %dma_start3A_286 = arith.constant 32 : i32
      %dma_start3A_287 = tpu.memref_slice %arg7[%add3A_273, %dma_start3A_286] : memref<16x128xi32, #tpu.memory_space<vmem>> -> memref<1x32xi32, #tpu.memory_space<vmem>>
      %dma_start3A_288 = tpu.memref_squeeze %dma_start3A_287 : memref<1x32xi32, #tpu.memory_space<vmem>> -> memref<32xi32, #tpu.memory_space<vmem>>
      %dma_start3A_289 = arith.constant 0 : i32
      %dma_start3A_290 = arith.constant 0 : i32
      %dma_start3A_291 = tpu.memref_slice %arg2[%dma_start3A_289, %dma_start3A_290] : memref<20480x128xf32, #tpu.memory_space<hbm>> -> memref<20480x128xf32, #tpu.memory_space<hbm>>
      tpu.enqueue_indirect_dma source(%dma_start3A_291 : memref<20480x128xf32, #tpu.memory_space<hbm>>) target(%dma_start3A_285 : memref<32x128xf32, #tpu.memory_space<vmem>>) offsets(%dma_start3A_288 : memref<32xi32, #tpu.memory_space<vmem>>) semaphore(%arg11 : memref<!tpu.dma_semaphore, #tpu.memory_space<semaphore_mem>>)
      %dma_start3A_292 = arith.constant 64 : i32
      %dma_start3A_293 = arith.constant 0 : i32
      %dma_start3A_294 = tpu.memref_slice %arg9[%dma_start3A_292, %dma_start3A_293] : memref<128x128xf32, #tpu.memory_space<vmem>> -> memref<32x128xf32, #tpu.memory_space<vmem>>
      %dma_start3A_295 = arith.constant 64 : i32
      %dma_start3A_296 = tpu.memref_slice %arg7[%add3A_273, %dma_start3A_295] : memref<16x128xi32, #tpu.memory_space<vmem>> -> memref<1x32xi32, #tpu.memory_space<vmem>>
      %dma_start3A_297 = tpu.memref_squeeze %dma_start3A_296 : memref<1x32xi32, #tpu.memory_space<vmem>> -> memref<32xi32, #tpu.memory_space<vmem>>
      %dma_start3A_298 = arith.constant 0 : i32
      %dma_start3A_299 = arith.constant 0 : i32
      %dma_start3A_300 = tpu.memref_slice %arg2[%dma_start3A_298, %dma_start3A_299] : memref<20480x128xf32, #tpu.memory_space<hbm>> -> memref<20480x128xf32, #tpu.memory_space<hbm>>
      tpu.enqueue_indirect_dma source(%dma_start3A_300 : memref<20480x128xf32, #tpu.memory_space<hbm>>) target(%dma_start3A_294 : memref<32x128xf32, #tpu.memory_space<vmem>>) offsets(%dma_start3A_297 : memref<32xi32, #tpu.memory_space<vmem>>) semaphore(%arg11 : memref<!tpu.dma_semaphore, #tpu.memory_space<semaphore_mem>>)
      %dma_start3A_301 = arith.constant 96 : i32
      %dma_start3A_302 = arith.constant 0 : i32
      %dma_start3A_303 = tpu.memref_slice %arg9[%dma_start3A_301, %dma_start3A_302] : memref<128x128xf32, #tpu.memory_space<vmem>> -> memref<32x128xf32, #tpu.memory_space<vmem>>
      %dma_start3A_304 = arith.constant 96 : i32
      %dma_start3A_305 = tpu.memref_slice %arg7[%add3A_273, %dma_start3A_304] : memref<16x128xi32, #tpu.memory_space<vmem>> -> memref<1x32xi32, #tpu.memory_space<vmem>>
      %dma_start3A_306 = tpu.memref_squeeze %dma_start3A_305 : memref<1x32xi32, #tpu.memory_space<vmem>> -> memref<32xi32, #tpu.memory_space<vmem>>
      %dma_start3A_307 = arith.constant 0 : i32
      %dma_start3A_308 = arith.constant 0 : i32
      %dma_start3A_309 = tpu.memref_slice %arg2[%dma_start3A_307, %dma_start3A_308] : memref<20480x128xf32, #tpu.memory_space<hbm>> -> memref<20480x128xf32, #tpu.memory_space<hbm>>
      tpu.enqueue_indirect_dma source(%dma_start3A_309 : memref<20480x128xf32, #tpu.memory_space<hbm>>) target(%dma_start3A_303 : memref<32x128xf32, #tpu.memory_space<vmem>>) offsets(%dma_start3A_306 : memref<32xi32, #tpu.memory_space<vmem>>) semaphore(%arg11 : memref<!tpu.dma_semaphore, #tpu.memory_space<semaphore_mem>>)
      %dma_wait3A_310 = arith.constant 0 : i32
      %dma_wait3A_311 = arith.constant 0 : i32
      %dma_wait3A_312 = tpu.memref_slice %arg7[%dma_wait3A_310, %dma_wait3A_311] : memref<16x128xi32, #tpu.memory_space<vmem>> -> memref<1x128xi32, #tpu.memory_space<vmem>>
      %dma_wait3A_313 = tpu.memref_squeeze %dma_wait3A_312 : memref<1x128xi32, #tpu.memory_space<vmem>> -> memref<128xi32, #tpu.memory_space<vmem>>
      %dma_wait3A_314 = arith.constant 0 : i32
      %dma_wait3A_315 = arith.constant 0 : i32
      %dma_wait3A_316 = tpu.memref_slice %arg2[%dma_wait3A_314, %dma_wait3A_315] : memref<20480x128xf32, #tpu.memory_space<hbm>> -> memref<20480x128xf32, #tpu.memory_space<hbm>>
      tpu.wait_indirect_dma semaphore(%arg12 : memref<!tpu.dma_semaphore, #tpu.memory_space<semaphore_mem>>) src(%dma_wait3A_316 : memref<20480x128xf32, #tpu.memory_space<hbm>>) dst(%arg10 : memref<128x128xf32, #tpu.memory_space<vmem>>)
      %add3A_317 = arith.constant 3 : i32
      %add3A_318 = arith.addi %mul3A_79, %add3A_317 : i32
      %dma_start3A_319 = arith.constant 0 : i32
      %dma_start3A_320 = tpu.memref_slice %arg8[%add3A_318, %dma_start3A_319] : memref<16x128xi32, #tpu.memory_space<vmem>> -> memref<1x128xi32, #tpu.memory_space<vmem>>
      %dma_start3A_321 = tpu.memref_squeeze %dma_start3A_320 : memref<1x128xi32, #tpu.memory_space<vmem>> -> memref<128xi32, #tpu.memory_space<vmem>>
      %dma_start3A_322 = arith.constant 0 : i32
      %dma_start3A_323 = arith.constant 0 : i32
      %dma_start3A_324 = tpu.memref_slice %arg6[%dma_start3A_322, %dma_start3A_323] : memref<10240x128xf32, #tpu.memory_space<vmem_shared>> -> memref<10240x128xf32, #tpu.memory_space<vmem_shared>>
      tpu.enqueue_indirect_dma source(%arg10 : memref<128x128xf32, #tpu.memory_space<vmem>>) target(%dma_start3A_324 : memref<10240x128xf32, #tpu.memory_space<vmem_shared>>) offsets(%dma_start3A_321 : memref<128xi32, #tpu.memory_space<vmem>>) semaphore(%arg14 : memref<!tpu.dma_semaphore, #tpu.memory_space<semaphore_mem>>) {add = true}
      %dma_wait3A_325 = arith.constant 0 : i32
      %dma_wait3A_326 = arith.constant 0 : i32
      %dma_wait3A_327 = tpu.memref_slice %arg8[%dma_wait3A_325, %dma_wait3A_326] : memref<16x128xi32, #tpu.memory_space<vmem>> -> memref<1x128xi32, #tpu.memory_space<vmem>>
      %dma_wait3A_328 = tpu.memref_squeeze %dma_wait3A_327 : memref<1x128xi32, #tpu.memory_space<vmem>> -> memref<128xi32, #tpu.memory_space<vmem>>
      %dma_wait3A_329 = arith.constant 0 : i32
      %dma_wait3A_330 = arith.constant 0 : i32
      %dma_wait3A_331 = tpu.memref_slice %arg6[%dma_wait3A_329, %dma_wait3A_330] : memref<10240x128xf32, #tpu.memory_space<vmem_shared>> -> memref<10240x128xf32, #tpu.memory_space<vmem_shared>>
      tpu.wait_indirect_dma semaphore(%arg14 : memref<!tpu.dma_semaphore, #tpu.memory_space<semaphore_mem>>) src(%arg10 : memref<128x128xf32, #tpu.memory_space<vmem>>) dst(%dma_wait3A_331 : memref<10240x128xf32, #tpu.memory_space<vmem_shared>>)
      %add3A_332 = arith.constant 4 : i32
      %add3A_333 = arith.addi %mul3A_79, %add3A_332 : i32
      %add3A_334 = arith.constant 1 : i32
      %add3A_335 = arith.addi %add3A_333, %add3A_334 : i32
      %dma_start3A_336 = arith.constant 0 : i32
      %dma_start3A_337 = arith.constant 0 : i32
      %dma_start3A_338 = tpu.memref_slice %arg10[%dma_start3A_336, %dma_start3A_337] : memref<128x128xf32, #tpu.memory_space<vmem>> -> memref<32x128xf32, #tpu.memory_space<vmem>>
      %dma_start3A_339 = arith.constant 0 : i32
      %dma_start3A_340 = tpu.memref_slice %arg7[%add3A_335, %dma_start3A_339] : memref<16x128xi32, #tpu.memory_space<vmem>> -> memref<1x32xi32, #tpu.memory_space<vmem>>
      %dma_start3A_341 = tpu.memref_squeeze %dma_start3A_340 : memref<1x32xi32, #tpu.memory_space<vmem>> -> memref<32xi32, #tpu.memory_space<vmem>>
      %dma_start3A_342 = arith.constant 0 : i32
      %dma_start3A_343 = arith.constant 0 : i32
      %dma_start3A_344 = tpu.memref_slice %arg2[%dma_start3A_342, %dma_start3A_343] : memref<20480x128xf32, #tpu.memory_space<hbm>> -> memref<20480x128xf32, #tpu.memory_space<hbm>>
      tpu.enqueue_indirect_dma source(%dma_start3A_344 : memref<20480x128xf32, #tpu.memory_space<hbm>>) target(%dma_start3A_338 : memref<32x128xf32, #tpu.memory_space<vmem>>) offsets(%dma_start3A_341 : memref<32xi32, #tpu.memory_space<vmem>>) semaphore(%arg12 : memref<!tpu.dma_semaphore, #tpu.memory_space<semaphore_mem>>)
      %dma_start3A_345 = arith.constant 32 : i32
      %dma_start3A_346 = arith.constant 0 : i32
      %dma_start3A_347 = tpu.memref_slice %arg10[%dma_start3A_345, %dma_start3A_346] : memref<128x128xf32, #tpu.memory_space<vmem>> -> memref<32x128xf32, #tpu.memory_space<vmem>>
      %dma_start3A_348 = arith.constant 32 : i32
      %dma_start3A_349 = tpu.memref_slice %arg7[%add3A_335, %dma_start3A_348] : memref<16x128xi32, #tpu.memory_space<vmem>> -> memref<1x32xi32, #tpu.memory_space<vmem>>
      %dma_start3A_350 = tpu.memref_squeeze %dma_start3A_349 : memref<1x32xi32, #tpu.memory_space<vmem>> -> memref<32xi32, #tpu.memory_space<vmem>>
      %dma_start3A_351 = arith.constant 0 : i32
      %dma_start3A_352 = arith.constant 0 : i32
      %dma_start3A_353 = tpu.memref_slice %arg2[%dma_start3A_351, %dma_start3A_352] : memref<20480x128xf32, #tpu.memory_space<hbm>> -> memref<20480x128xf32, #tpu.memory_space<hbm>>
      tpu.enqueue_indirect_dma source(%dma_start3A_353 : memref<20480x128xf32, #tpu.memory_space<hbm>>) target(%dma_start3A_347 : memref<32x128xf32, #tpu.memory_space<vmem>>) offsets(%dma_start3A_350 : memref<32xi32, #tpu.memory_space<vmem>>) semaphore(%arg12 : memref<!tpu.dma_semaphore, #tpu.memory_space<semaphore_mem>>)
      %dma_start3A_354 = arith.constant 64 : i32
      %dma_start3A_355 = arith.constant 0 : i32
      %dma_start3A_356 = tpu.memref_slice %arg10[%dma_start3A_354, %dma_start3A_355] : memref<128x128xf32, #tpu.memory_space<vmem>> -> memref<32x128xf32, #tpu.memory_space<vmem>>
      %dma_start3A_357 = arith.constant 64 : i32
      %dma_start3A_358 = tpu.memref_slice %arg7[%add3A_335, %dma_start3A_357] : memref<16x128xi32, #tpu.memory_space<vmem>> -> memref<1x32xi32, #tpu.memory_space<vmem>>
      %dma_start3A_359 = tpu.memref_squeeze %dma_start3A_358 : memref<1x32xi32, #tpu.memory_space<vmem>> -> memref<32xi32, #tpu.memory_space<vmem>>
      %dma_start3A_360 = arith.constant 0 : i32
      %dma_start3A_361 = arith.constant 0 : i32
      %dma_start3A_362 = tpu.memref_slice %arg2[%dma_start3A_360, %dma_start3A_361] : memref<20480x128xf32, #tpu.memory_space<hbm>> -> memref<20480x128xf32, #tpu.memory_space<hbm>>
      tpu.enqueue_indirect_dma source(%dma_start3A_362 : memref<20480x128xf32, #tpu.memory_space<hbm>>) target(%dma_start3A_356 : memref<32x128xf32, #tpu.memory_space<vmem>>) offsets(%dma_start3A_359 : memref<32xi32, #tpu.memory_space<vmem>>) semaphore(%arg12 : memref<!tpu.dma_semaphore, #tpu.memory_space<semaphore_mem>>)
      %dma_start3A_363 = arith.constant 96 : i32
      %dma_start3A_364 = arith.constant 0 : i32
      %dma_start3A_365 = tpu.memref_slice %arg10[%dma_start3A_363, %dma_start3A_364] : memref<128x128xf32, #tpu.memory_space<vmem>> -> memref<32x128xf32, #tpu.memory_space<vmem>>
      %dma_start3A_366 = arith.constant 96 : i32
      %dma_start3A_367 = tpu.memref_slice %arg7[%add3A_335, %dma_start3A_366] : memref<16x128xi32, #tpu.memory_space<vmem>> -> memref<1x32xi32, #tpu.memory_space<vmem>>
      %dma_start3A_368 = tpu.memref_squeeze %dma_start3A_367 : memref<1x32xi32, #tpu.memory_space<vmem>> -> memref<32xi32, #tpu.memory_space<vmem>>
      %dma_start3A_369 = arith.constant 0 : i32
      %dma_start3A_370 = arith.constant 0 : i32
      %dma_start3A_371 = tpu.memref_slice %arg2[%dma_start3A_369, %dma_start3A_370] : memref<20480x128xf32, #tpu.memory_space<hbm>> -> memref<20480x128xf32, #tpu.memory_space<hbm>>
      tpu.enqueue_indirect_dma source(%dma_start3A_371 : memref<20480x128xf32, #tpu.memory_space<hbm>>) target(%dma_start3A_365 : memref<32x128xf32, #tpu.memory_space<vmem>>) offsets(%dma_start3A_368 : memref<32xi32, #tpu.memory_space<vmem>>) semaphore(%arg12 : memref<!tpu.dma_semaphore, #tpu.memory_space<semaphore_mem>>)
      %dma_wait3A_372 = arith.constant 0 : i32
      %dma_wait3A_373 = arith.constant 0 : i32
      %dma_wait3A_374 = tpu.memref_slice %arg7[%dma_wait3A_372, %dma_wait3A_373] : memref<16x128xi32, #tpu.memory_space<vmem>> -> memref<1x128xi32, #tpu.memory_space<vmem>>
      %dma_wait3A_375 = tpu.memref_squeeze %dma_wait3A_374 : memref<1x128xi32, #tpu.memory_space<vmem>> -> memref<128xi32, #tpu.memory_space<vmem>>
      %dma_wait3A_376 = arith.constant 0 : i32
      %dma_wait3A_377 = arith.constant 0 : i32
      %dma_wait3A_378 = tpu.memref_slice %arg2[%dma_wait3A_376, %dma_wait3A_377] : memref<20480x128xf32, #tpu.memory_space<hbm>> -> memref<20480x128xf32, #tpu.memory_space<hbm>>
      tpu.wait_indirect_dma semaphore(%arg11 : memref<!tpu.dma_semaphore, #tpu.memory_space<semaphore_mem>>) src(%dma_wait3A_378 : memref<20480x128xf32, #tpu.memory_space<hbm>>) dst(%arg9 : memref<128x128xf32, #tpu.memory_space<vmem>>)
      %add3A_379 = arith.constant 4 : i32
      %add3A_380 = arith.addi %mul3A_79, %add3A_379 : i32
      %dma_start3A_381 = arith.constant 0 : i32
      %dma_start3A_382 = tpu.memref_slice %arg8[%add3A_380, %dma_start3A_381] : memref<16x128xi32, #tpu.memory_space<vmem>> -> memref<1x128xi32, #tpu.memory_space<vmem>>
      %dma_start3A_383 = tpu.memref_squeeze %dma_start3A_382 : memref<1x128xi32, #tpu.memory_space<vmem>> -> memref<128xi32, #tpu.memory_space<vmem>>
      %dma_start3A_384 = arith.constant 0 : i32
      %dma_start3A_385 = arith.constant 0 : i32
      %dma_start3A_386 = tpu.memref_slice %arg6[%dma_start3A_384, %dma_start3A_385] : memref<10240x128xf32, #tpu.memory_space<vmem_shared>> -> memref<10240x128xf32, #tpu.memory_space<vmem_shared>>
      tpu.enqueue_indirect_dma source(%arg9 : memref<128x128xf32, #tpu.memory_space<vmem>>) target(%dma_start3A_386 : memref<10240x128xf32, #tpu.memory_space<vmem_shared>>) offsets(%dma_start3A_383 : memref<128xi32, #tpu.memory_space<vmem>>) semaphore(%arg13 : memref<!tpu.dma_semaphore, #tpu.memory_space<semaphore_mem>>) {add = true}
      %dma_wait3A_387 = arith.constant 0 : i32
      %dma_wait3A_388 = arith.constant 0 : i32
      %dma_wait3A_389 = tpu.memref_slice %arg8[%dma_wait3A_387, %dma_wait3A_388] : memref<16x128xi32, #tpu.memory_space<vmem>> -> memref<1x128xi32, #tpu.memory_space<vmem>>
      %dma_wait3A_390 = tpu.memref_squeeze %dma_wait3A_389 : memref<1x128xi32, #tpu.memory_space<vmem>> -> memref<128xi32, #tpu.memory_space<vmem>>
      %dma_wait3A_391 = arith.constant 0 : i32
      %dma_wait3A_392 = arith.constant 0 : i32
      %dma_wait3A_393 = tpu.memref_slice %arg6[%dma_wait3A_391, %dma_wait3A_392] : memref<10240x128xf32, #tpu.memory_space<vmem_shared>> -> memref<10240x128xf32, #tpu.memory_space<vmem_shared>>
      tpu.wait_indirect_dma semaphore(%arg13 : memref<!tpu.dma_semaphore, #tpu.memory_space<semaphore_mem>>) src(%arg9 : memref<128x128xf32, #tpu.memory_space<vmem>>) dst(%dma_wait3A_393 : memref<10240x128xf32, #tpu.memory_space<vmem_shared>>)
      %add3A_394 = arith.constant 5 : i32
      %add3A_395 = arith.addi %mul3A_79, %add3A_394 : i32
      %add3A_396 = arith.constant 1 : i32
      %add3A_397 = arith.addi %add3A_395, %add3A_396 : i32
      %dma_start3A_398 = arith.constant 0 : i32
      %dma_start3A_399 = arith.constant 0 : i32
      %dma_start3A_400 = tpu.memref_slice %arg9[%dma_start3A_398, %dma_start3A_399] : memref<128x128xf32, #tpu.memory_space<vmem>> -> memref<32x128xf32, #tpu.memory_space<vmem>>
      %dma_start3A_401 = arith.constant 0 : i32
      %dma_start3A_402 = tpu.memref_slice %arg7[%add3A_397, %dma_start3A_401] : memref<16x128xi32, #tpu.memory_space<vmem>> -> memref<1x32xi32, #tpu.memory_space<vmem>>
      %dma_start3A_403 = tpu.memref_squeeze %dma_start3A_402 : memref<1x32xi32, #tpu.memory_space<vmem>> -> memref<32xi32, #tpu.memory_space<vmem>>
      %dma_start3A_404 = arith.constant 0 : i32
      %dma_start3A_405 = arith.constant 0 : i32
      %dma_start3A_406 = tpu.memref_slice %arg2[%dma_start3A_404, %dma_start3A_405] : memref<20480x128xf32, #tpu.memory_space<hbm>> -> memref<20480x128xf32, #tpu.memory_space<hbm>>
      tpu.enqueue_indirect_dma source(%dma_start3A_406 : memref<20480x128xf32, #tpu.memory_space<hbm>>) target(%dma_start3A_400 : memref<32x128xf32, #tpu.memory_space<vmem>>) offsets(%dma_start3A_403 : memref<32xi32, #tpu.memory_space<vmem>>) semaphore(%arg11 : memref<!tpu.dma_semaphore, #tpu.memory_space<semaphore_mem>>)
      %dma_start3A_407 = arith.constant 32 : i32
      %dma_start3A_408 = arith.constant 0 : i32
      %dma_start3A_409 = tpu.memref_slice %arg9[%dma_start3A_407, %dma_start3A_408] : memref<128x128xf32, #tpu.memory_space<vmem>> -> memref<32x128xf32, #tpu.memory_space<vmem>>
      %dma_start3A_410 = arith.constant 32 : i32
      %dma_start3A_411 = tpu.memref_slice %arg7[%add3A_397, %dma_start3A_410] : memref<16x128xi32, #tpu.memory_space<vmem>> -> memref<1x32xi32, #tpu.memory_space<vmem>>
      %dma_start3A_412 = tpu.memref_squeeze %dma_start3A_411 : memref<1x32xi32, #tpu.memory_space<vmem>> -> memref<32xi32, #tpu.memory_space<vmem>>
      %dma_start3A_413 = arith.constant 0 : i32
      %dma_start3A_414 = arith.constant 0 : i32
      %dma_start3A_415 = tpu.memref_slice %arg2[%dma_start3A_413, %dma_start3A_414] : memref<20480x128xf32, #tpu.memory_space<hbm>> -> memref<20480x128xf32, #tpu.memory_space<hbm>>
      tpu.enqueue_indirect_dma source(%dma_start3A_415 : memref<20480x128xf32, #tpu.memory_space<hbm>>) target(%dma_start3A_409 : memref<32x128xf32, #tpu.memory_space<vmem>>) offsets(%dma_start3A_412 : memref<32xi32, #tpu.memory_space<vmem>>) semaphore(%arg11 : memref<!tpu.dma_semaphore, #tpu.memory_space<semaphore_mem>>)
      %dma_start3A_416 = arith.constant 64 : i32
      %dma_start3A_417 = arith.constant 0 : i32
      %dma_start3A_418 = tpu.memref_slice %arg9[%dma_start3A_416, %dma_start3A_417] : memref<128x128xf32, #tpu.memory_space<vmem>> -> memref<32x128xf32, #tpu.memory_space<vmem>>
      %dma_start3A_419 = arith.constant 64 : i32
      %dma_start3A_420 = tpu.memref_slice %arg7[%add3A_397, %dma_start3A_419] : memref<16x128xi32, #tpu.memory_space<vmem>> -> memref<1x32xi32, #tpu.memory_space<vmem>>
      %dma_start3A_421 = tpu.memref_squeeze %dma_start3A_420 : memref<1x32xi32, #tpu.memory_space<vmem>> -> memref<32xi32, #tpu.memory_space<vmem>>
      %dma_start3A_422 = arith.constant 0 : i32
      %dma_start3A_423 = arith.constant 0 : i32
      %dma_start3A_424 = tpu.memref_slice %arg2[%dma_start3A_422, %dma_start3A_423] : memref<20480x128xf32, #tpu.memory_space<hbm>> -> memref<20480x128xf32, #tpu.memory_space<hbm>>
      tpu.enqueue_indirect_dma source(%dma_start3A_424 : memref<20480x128xf32, #tpu.memory_space<hbm>>) target(%dma_start3A_418 : memref<32x128xf32, #tpu.memory_space<vmem>>) offsets(%dma_start3A_421 : memref<32xi32, #tpu.memory_space<vmem>>) semaphore(%arg11 : memref<!tpu.dma_semaphore, #tpu.memory_space<semaphore_mem>>)
      %dma_start3A_425 = arith.constant 96 : i32
      %dma_start3A_426 = arith.constant 0 : i32
      %dma_start3A_427 = tpu.memref_slice %arg9[%dma_start3A_425, %dma_start3A_426] : memref<128x128xf32, #tpu.memory_space<vmem>> -> memref<32x128xf32, #tpu.memory_space<vmem>>
      %dma_start3A_428 = arith.constant 96 : i32
      %dma_start3A_429 = tpu.memref_slice %arg7[%add3A_397, %dma_start3A_428] : memref<16x128xi32, #tpu.memory_space<vmem>> -> memref<1x32xi32, #tpu.memory_space<vmem>>
      %dma_start3A_430 = tpu.memref_squeeze %dma_start3A_429 : memref<1x32xi32, #tpu.memory_space<vmem>> -> memref<32xi32, #tpu.memory_space<vmem>>
      %dma_start3A_431 = arith.constant 0 : i32
      %dma_start3A_432 = arith.constant 0 : i32
      %dma_start3A_433 = tpu.memref_slice %arg2[%dma_start3A_431, %dma_start3A_432] : memref<20480x128xf32, #tpu.memory_space<hbm>> -> memref<20480x128xf32, #tpu.memory_space<hbm>>
      tpu.enqueue_indirect_dma source(%dma_start3A_433 : memref<20480x128xf32, #tpu.memory_space<hbm>>) target(%dma_start3A_427 : memref<32x128xf32, #tpu.memory_space<vmem>>) offsets(%dma_start3A_430 : memref<32xi32, #tpu.memory_space<vmem>>) semaphore(%arg11 : memref<!tpu.dma_semaphore, #tpu.memory_space<semaphore_mem>>)
      %dma_wait3A_434 = arith.constant 0 : i32
      %dma_wait3A_435 = arith.constant 0 : i32
      %dma_wait3A_436 = tpu.memref_slice %arg7[%dma_wait3A_434, %dma_wait3A_435] : memref<16x128xi32, #tpu.memory_space<vmem>> -> memref<1x128xi32, #tpu.memory_space<vmem>>
      %dma_wait3A_437 = tpu.memref_squeeze %dma_wait3A_436 : memref<1x128xi32, #tpu.memory_space<vmem>> -> memref<128xi32, #tpu.memory_space<vmem>>
      %dma_wait3A_438 = arith.constant 0 : i32
      %dma_wait3A_439 = arith.constant 0 : i32
      %dma_wait3A_440 = tpu.memref_slice %arg2[%dma_wait3A_438, %dma_wait3A_439] : memref<20480x128xf32, #tpu.memory_space<hbm>> -> memref<20480x128xf32, #tpu.memory_space<hbm>>
      tpu.wait_indirect_dma semaphore(%arg12 : memref<!tpu.dma_semaphore, #tpu.memory_space<semaphore_mem>>) src(%dma_wait3A_440 : memref<20480x128xf32, #tpu.memory_space<hbm>>) dst(%arg10 : memref<128x128xf32, #tpu.memory_space<vmem>>)
      %add3A_441 = arith.constant 5 : i32
      %add3A_442 = arith.addi %mul3A_79, %add3A_441 : i32
      %dma_start3A_443 = arith.constant 0 : i32
      %dma_start3A_444 = tpu.memref_slice %arg8[%add3A_442, %dma_start3A_443] : memref<16x128xi32, #tpu.memory_space<vmem>> -> memref<1x128xi32, #tpu.memory_space<vmem>>
      %dma_start3A_445 = tpu.memref_squeeze %dma_start3A_444 : memref<1x128xi32, #tpu.memory_space<vmem>> -> memref<128xi32, #tpu.memory_space<vmem>>
      %dma_start3A_446 = arith.constant 0 : i32
      %dma_start3A_447 = arith.constant 0 : i32
      %dma_start3A_448 = tpu.memref_slice %arg6[%dma_start3A_446, %dma_start3A_447] : memref<10240x128xf32, #tpu.memory_space<vmem_shared>> -> memref<10240x128xf32, #tpu.memory_space<vmem_shared>>
      tpu.enqueue_indirect_dma source(%arg10 : memref<128x128xf32, #tpu.memory_space<vmem>>) target(%dma_start3A_448 : memref<10240x128xf32, #tpu.memory_space<vmem_shared>>) offsets(%dma_start3A_445 : memref<128xi32, #tpu.memory_space<vmem>>) semaphore(%arg14 : memref<!tpu.dma_semaphore, #tpu.memory_space<semaphore_mem>>) {add = true}
      %dma_wait3A_449 = arith.constant 0 : i32
      %dma_wait3A_450 = arith.constant 0 : i32
      %dma_wait3A_451 = tpu.memref_slice %arg8[%dma_wait3A_449, %dma_wait3A_450] : memref<16x128xi32, #tpu.memory_space<vmem>> -> memref<1x128xi32, #tpu.memory_space<vmem>>
      %dma_wait3A_452 = tpu.memref_squeeze %dma_wait3A_451 : memref<1x128xi32, #tpu.memory_space<vmem>> -> memref<128xi32, #tpu.memory_space<vmem>>
      %dma_wait3A_453 = arith.constant 0 : i32
      %dma_wait3A_454 = arith.constant 0 : i32
      %dma_wait3A_455 = tpu.memref_slice %arg6[%dma_wait3A_453, %dma_wait3A_454] : memref<10240x128xf32, #tpu.memory_space<vmem_shared>> -> memref<10240x128xf32, #tpu.memory_space<vmem_shared>>
      tpu.wait_indirect_dma semaphore(%arg14 : memref<!tpu.dma_semaphore, #tpu.memory_space<semaphore_mem>>) src(%arg10 : memref<128x128xf32, #tpu.memory_space<vmem>>) dst(%dma_wait3A_455 : memref<10240x128xf32, #tpu.memory_space<vmem_shared>>)
      %add3A_456 = arith.constant 6 : i32
      %add3A_457 = arith.addi %mul3A_79, %add3A_456 : i32
      %add3A_458 = arith.constant 1 : i32
      %add3A_459 = arith.addi %add3A_457, %add3A_458 : i32
      %dma_start3A_460 = arith.constant 0 : i32
      %dma_start3A_461 = arith.constant 0 : i32
      %dma_start3A_462 = tpu.memref_slice %arg10[%dma_start3A_460, %dma_start3A_461] : memref<128x128xf32, #tpu.memory_space<vmem>> -> memref<32x128xf32, #tpu.memory_space<vmem>>
      %dma_start3A_463 = arith.constant 0 : i32
      %dma_start3A_464 = tpu.memref_slice %arg7[%add3A_459, %dma_start3A_463] : memref<16x128xi32, #tpu.memory_space<vmem>> -> memref<1x32xi32, #tpu.memory_space<vmem>>
      %dma_start3A_465 = tpu.memref_squeeze %dma_start3A_464 : memref<1x32xi32, #tpu.memory_space<vmem>> -> memref<32xi32, #tpu.memory_space<vmem>>
      %dma_start3A_466 = arith.constant 0 : i32
      %dma_start3A_467 = arith.constant 0 : i32
      %dma_start3A_468 = tpu.memref_slice %arg2[%dma_start3A_466, %dma_start3A_467] : memref<20480x128xf32, #tpu.memory_space<hbm>> -> memref<20480x128xf32, #tpu.memory_space<hbm>>
      tpu.enqueue_indirect_dma source(%dma_start3A_468 : memref<20480x128xf32, #tpu.memory_space<hbm>>) target(%dma_start3A_462 : memref<32x128xf32, #tpu.memory_space<vmem>>) offsets(%dma_start3A_465 : memref<32xi32, #tpu.memory_space<vmem>>) semaphore(%arg12 : memref<!tpu.dma_semaphore, #tpu.memory_space<semaphore_mem>>)
      %dma_start3A_469 = arith.constant 32 : i32
      %dma_start3A_470 = arith.constant 0 : i32
      %dma_start3A_471 = tpu.memref_slice %arg10[%dma_start3A_469, %dma_start3A_470] : memref<128x128xf32, #tpu.memory_space<vmem>> -> memref<32x128xf32, #tpu.memory_space<vmem>>
      %dma_start3A_472 = arith.constant 32 : i32
      %dma_start3A_473 = tpu.memref_slice %arg7[%add3A_459, %dma_start3A_472] : memref<16x128xi32, #tpu.memory_space<vmem>> -> memref<1x32xi32, #tpu.memory_space<vmem>>
      %dma_start3A_474 = tpu.memref_squeeze %dma_start3A_473 : memref<1x32xi32, #tpu.memory_space<vmem>> -> memref<32xi32, #tpu.memory_space<vmem>>
      %dma_start3A_475 = arith.constant 0 : i32
      %dma_start3A_476 = arith.constant 0 : i32
      %dma_start3A_477 = tpu.memref_slice %arg2[%dma_start3A_475, %dma_start3A_476] : memref<20480x128xf32, #tpu.memory_space<hbm>> -> memref<20480x128xf32, #tpu.memory_space<hbm>>
      tpu.enqueue_indirect_dma source(%dma_start3A_477 : memref<20480x128xf32, #tpu.memory_space<hbm>>) target(%dma_start3A_471 : memref<32x128xf32, #tpu.memory_space<vmem>>) offsets(%dma_start3A_474 : memref<32xi32, #tpu.memory_space<vmem>>) semaphore(%arg12 : memref<!tpu.dma_semaphore, #tpu.memory_space<semaphore_mem>>)
      %dma_start3A_478 = arith.constant 64 : i32
      %dma_start3A_479 = arith.constant 0 : i32
      %dma_start3A_480 = tpu.memref_slice %arg10[%dma_start3A_478, %dma_start3A_479] : memref<128x128xf32, #tpu.memory_space<vmem>> -> memref<32x128xf32, #tpu.memory_space<vmem>>
      %dma_start3A_481 = arith.constant 64 : i32
      %dma_start3A_482 = tpu.memref_slice %arg7[%add3A_459, %dma_start3A_481] : memref<16x128xi32, #tpu.memory_space<vmem>> -> memref<1x32xi32, #tpu.memory_space<vmem>>
      %dma_start3A_483 = tpu.memref_squeeze %dma_start3A_482 : memref<1x32xi32, #tpu.memory_space<vmem>> -> memref<32xi32, #tpu.memory_space<vmem>>
      %dma_start3A_484 = arith.constant 0 : i32
      %dma_start3A_485 = arith.constant 0 : i32
      %dma_start3A_486 = tpu.memref_slice %arg2[%dma_start3A_484, %dma_start3A_485] : memref<20480x128xf32, #tpu.memory_space<hbm>> -> memref<20480x128xf32, #tpu.memory_space<hbm>>
      tpu.enqueue_indirect_dma source(%dma_start3A_486 : memref<20480x128xf32, #tpu.memory_space<hbm>>) target(%dma_start3A_480 : memref<32x128xf32, #tpu.memory_space<vmem>>) offsets(%dma_start3A_483 : memref<32xi32, #tpu.memory_space<vmem>>) semaphore(%arg12 : memref<!tpu.dma_semaphore, #tpu.memory_space<semaphore_mem>>)
      %dma_start3A_487 = arith.constant 96 : i32
      %dma_start3A_488 = arith.constant 0 : i32
      %dma_start3A_489 = tpu.memref_slice %arg10[%dma_start3A_487, %dma_start3A_488] : memref<128x128xf32, #tpu.memory_space<vmem>> -> memref<32x128xf32, #tpu.memory_space<vmem>>
      %dma_start3A_490 = arith.constant 96 : i32
      %dma_start3A_491 = tpu.memref_slice %arg7[%add3A_459, %dma_start3A_490] : memref<16x128xi32, #tpu.memory_space<vmem>> -> memref<1x32xi32, #tpu.memory_space<vmem>>
      %dma_start3A_492 = tpu.memref_squeeze %dma_start3A_491 : memref<1x32xi32, #tpu.memory_space<vmem>> -> memref<32xi32, #tpu.memory_space<vmem>>
      %dma_start3A_493 = arith.constant 0 : i32
      %dma_start3A_494 = arith.constant 0 : i32
      %dma_start3A_495 = tpu.memref_slice %arg2[%dma_start3A_493, %dma_start3A_494] : memref<20480x128xf32, #tpu.memory_space<hbm>> -> memref<20480x128xf32, #tpu.memory_space<hbm>>
      tpu.enqueue_indirect_dma source(%dma_start3A_495 : memref<20480x128xf32, #tpu.memory_space<hbm>>) target(%dma_start3A_489 : memref<32x128xf32, #tpu.memory_space<vmem>>) offsets(%dma_start3A_492 : memref<32xi32, #tpu.memory_space<vmem>>) semaphore(%arg12 : memref<!tpu.dma_semaphore, #tpu.memory_space<semaphore_mem>>)
      %dma_wait3A_496 = arith.constant 0 : i32
      %dma_wait3A_497 = arith.constant 0 : i32
      %dma_wait3A_498 = tpu.memref_slice %arg7[%dma_wait3A_496, %dma_wait3A_497] : memref<16x128xi32, #tpu.memory_space<vmem>> -> memref<1x128xi32, #tpu.memory_space<vmem>>
      %dma_wait3A_499 = tpu.memref_squeeze %dma_wait3A_498 : memref<1x128xi32, #tpu.memory_space<vmem>> -> memref<128xi32, #tpu.memory_space<vmem>>
      %dma_wait3A_500 = arith.constant 0 : i32
      %dma_wait3A_501 = arith.constant 0 : i32
      %dma_wait3A_502 = tpu.memref_slice %arg2[%dma_wait3A_500, %dma_wait3A_501] : memref<20480x128xf32, #tpu.memory_space<hbm>> -> memref<20480x128xf32, #tpu.memory_space<hbm>>
      tpu.wait_indirect_dma semaphore(%arg11 : memref<!tpu.dma_semaphore, #tpu.memory_space<semaphore_mem>>) src(%dma_wait3A_502 : memref<20480x128xf32, #tpu.memory_space<hbm>>) dst(%arg9 : memref<128x128xf32, #tpu.memory_space<vmem>>)
      %add3A_503 = arith.constant 6 : i32
      %add3A_504 = arith.addi %mul3A_79, %add3A_503 : i32
      %dma_start3A_505 = arith.constant 0 : i32
      %dma_start3A_506 = tpu.memref_slice %arg8[%add3A_504, %dma_start3A_505] : memref<16x128xi32, #tpu.memory_space<vmem>> -> memref<1x128xi32, #tpu.memory_space<vmem>>
      %dma_start3A_507 = tpu.memref_squeeze %dma_start3A_506 : memref<1x128xi32, #tpu.memory_space<vmem>> -> memref<128xi32, #tpu.memory_space<vmem>>
      %dma_start3A_508 = arith.constant 0 : i32
      %dma_start3A_509 = arith.constant 0 : i32
      %dma_start3A_510 = tpu.memref_slice %arg6[%dma_start3A_508, %dma_start3A_509] : memref<10240x128xf32, #tpu.memory_space<vmem_shared>> -> memref<10240x128xf32, #tpu.memory_space<vmem_shared>>
      tpu.enqueue_indirect_dma source(%arg9 : memref<128x128xf32, #tpu.memory_space<vmem>>) target(%dma_start3A_510 : memref<10240x128xf32, #tpu.memory_space<vmem_shared>>) offsets(%dma_start3A_507 : memref<128xi32, #tpu.memory_space<vmem>>) semaphore(%arg13 : memref<!tpu.dma_semaphore, #tpu.memory_space<semaphore_mem>>) {add = true}
      %dma_wait3A_511 = arith.constant 0 : i32
      %dma_wait3A_512 = arith.constant 0 : i32
      %dma_wait3A_513 = tpu.memref_slice %arg8[%dma_wait3A_511, %dma_wait3A_512] : memref<16x128xi32, #tpu.memory_space<vmem>> -> memref<1x128xi32, #tpu.memory_space<vmem>>
      %dma_wait3A_514 = tpu.memref_squeeze %dma_wait3A_513 : memref<1x128xi32, #tpu.memory_space<vmem>> -> memref<128xi32, #tpu.memory_space<vmem>>
      %dma_wait3A_515 = arith.constant 0 : i32
      %dma_wait3A_516 = arith.constant 0 : i32
      %dma_wait3A_517 = tpu.memref_slice %arg6[%dma_wait3A_515, %dma_wait3A_516] : memref<10240x128xf32, #tpu.memory_space<vmem_shared>> -> memref<10240x128xf32, #tpu.memory_space<vmem_shared>>
      tpu.wait_indirect_dma semaphore(%arg13 : memref<!tpu.dma_semaphore, #tpu.memory_space<semaphore_mem>>) src(%arg9 : memref<128x128xf32, #tpu.memory_space<vmem>>) dst(%dma_wait3A_517 : memref<10240x128xf32, #tpu.memory_space<vmem_shared>>)
      %lt3A_518 = arith.constant 9 : i32
      %lt3A_519 = arith.cmpi slt, %scan3A_65, %lt3A_518 : i32
      %convert_element_type3A_520 = arith.extui %lt3A_519 : i1 to i32
      %cond3A_521 = arith.constant 0 : i32
      %cond3A_522 = arith.cmpi ne, %convert_element_type3A_520, %cond3A_521 : i32
      scf.if %cond3A_522 {
        %dma_wait3A_538 = arith.constant 0 : i32
        %dma_wait3A_539 = arith.constant 0 : i32
        %dma_wait3A_540 = tpu.memref_slice %arg7[%dma_wait3A_538, %dma_wait3A_539] : memref<16x128xi32, #tpu.memory_space<vmem>> -> memref<8x128xi32, #tpu.memory_space<vmem>>
        %dma_wait3A_541 = arith.constant 0 : i32
        %dma_wait3A_542 = tpu.memref_slice %arg3[%add3A_10, %dma_wait3A_541] : memref<5120x128xi32, #tpu.memory_space<hbm>> -> memref<8x128xi32, #tpu.memory_space<hbm>>
        %dma_wait3A_543 = arith.constant 0 : i32
        %dma_wait3A_544 = arith.constant 0 : i32
        %dma_wait3A_545 = tpu.memref_slice %arg7[%dma_wait3A_543, %dma_wait3A_544] : memref<16x128xi32, #tpu.memory_space<vmem>> -> memref<8x128xi32, #tpu.memory_space<vmem>>
        %dma_wait3A_546 = arith.constant 0 : i32
        %dma_wait3A_547 = tpu.memref_slice %arg3[%add3A_10, %dma_wait3A_546] : memref<5120x128xi32, #tpu.memory_space<hbm>> -> memref<8x128xi32, #tpu.memory_space<hbm>>
        tpu.wait_dma2 semaphore(%arg15 : memref<!tpu.dma_semaphore, #tpu.memory_space<semaphore_mem>>) src(%dma_wait3A_547 : memref<8x128xi32, #tpu.memory_space<hbm>>) dst(%dma_wait3A_545 : memref<8x128xi32, #tpu.memory_space<vmem>>)
        %dma_wait3A_548 = arith.constant 0 : i32
        %dma_wait3A_549 = arith.constant 0 : i32
        %dma_wait3A_550 = tpu.memref_slice %arg8[%dma_wait3A_548, %dma_wait3A_549] : memref<16x128xi32, #tpu.memory_space<vmem>> -> memref<8x128xi32, #tpu.memory_space<vmem>>
        %dma_wait3A_551 = arith.constant 0 : i32
        %dma_wait3A_552 = tpu.memref_slice %arg4[%add3A, %dma_wait3A_551] : memref<2560x128xi32, #tpu.memory_space<hbm>> -> memref<8x128xi32, #tpu.memory_space<hbm>>
        %dma_wait3A_553 = arith.constant 0 : i32
        %dma_wait3A_554 = arith.constant 0 : i32
        %dma_wait3A_555 = tpu.memref_slice %arg8[%dma_wait3A_553, %dma_wait3A_554] : memref<16x128xi32, #tpu.memory_space<vmem>> -> memref<8x128xi32, #tpu.memory_space<vmem>>
        %dma_wait3A_556 = arith.constant 0 : i32
        %dma_wait3A_557 = tpu.memref_slice %arg4[%add3A, %dma_wait3A_556] : memref<2560x128xi32, #tpu.memory_space<hbm>> -> memref<8x128xi32, #tpu.memory_space<hbm>>
        tpu.wait_dma2 semaphore(%arg16 : memref<!tpu.dma_semaphore, #tpu.memory_space<semaphore_mem>>) src(%dma_wait3A_557 : memref<8x128xi32, #tpu.memory_space<hbm>>) dst(%dma_wait3A_555 : memref<8x128xi32, #tpu.memory_space<vmem>>)
        %add3A_558 = arith.constant 1 : i32
        %add3A_559 = arith.addi %scan3A_65, %add3A_558 : i32
        %jit3A_560 = arith.constant 2 : i32
        %eq3A_561 = arith.constant 0 : i32
        %eq3A_562 = arith.cmpi eq, %jit3A_560, %eq3A_561 : i32
        %jit3A_563 = arith.constant 1 : i32
        %select_n3A_564 = arith.select %eq3A_562, %jit3A_563, %jit3A_560 : i32
        %rem3A_565 = arith.remsi %add3A_559, %select_n3A_564 : i32
        %ne3A_566 = arith.constant 0 : i32
        %ne3A_567 = arith.cmpi ne, %rem3A_565, %ne3A_566 : i32
        %lt3A_568 = arith.constant 0 : i32
        %lt3A_569 = arith.cmpi slt, %rem3A_565, %lt3A_568 : i32
        %lt3A_570 = arith.constant 0 : i32
        %lt3A_571 = arith.cmpi slt, %select_n3A_564, %lt3A_570 : i32
        %ne3A_572 = arith.xori %lt3A_569, %lt3A_571 : i1
        %and3A_573 = arith.andi %ne3A_572, %ne3A_567 : i1
        %add3A_574 = arith.addi %rem3A_565, %select_n3A_564 : i32
        %select_n3A_575 = arith.select %and3A_573, %add3A_574, %rem3A_565 : i32
        %mul3A_576 = arith.constant 8 : i32
        %mul3A_577 = arith.muli %select_n3A_575, %mul3A_576 : i32
        %dma_start3A_578 = arith.constant 0 : i32
        %dma_start3A_579 = arith.constant 0 : i32
        %dma_start3A_580 = tpu.memref_slice %arg9[%dma_start3A_578, %dma_start3A_579] : memref<128x128xf32, #tpu.memory_space<vmem>> -> memref<32x128xf32, #tpu.memory_space<vmem>>
        %dma_start3A_581 = arith.constant 0 : i32
        %dma_start3A_582 = tpu.memref_slice %arg7[%mul3A_577, %dma_start3A_581] : memref<16x128xi32, #tpu.memory_space<vmem>> -> memref<1x32xi32, #tpu.memory_space<vmem>>
        %dma_start3A_583 = tpu.memref_squeeze %dma_start3A_582 : memref<1x32xi32, #tpu.memory_space<vmem>> -> memref<32xi32, #tpu.memory_space<vmem>>
        %dma_start3A_584 = arith.constant 0 : i32
        %dma_start3A_585 = arith.constant 0 : i32
        %dma_start3A_586 = tpu.memref_slice %arg2[%dma_start3A_584, %dma_start3A_585] : memref<20480x128xf32, #tpu.memory_space<hbm>> -> memref<20480x128xf32, #tpu.memory_space<hbm>>
        tpu.enqueue_indirect_dma source(%dma_start3A_586 : memref<20480x128xf32, #tpu.memory_space<hbm>>) target(%dma_start3A_580 : memref<32x128xf32, #tpu.memory_space<vmem>>) offsets(%dma_start3A_583 : memref<32xi32, #tpu.memory_space<vmem>>) semaphore(%arg11 : memref<!tpu.dma_semaphore, #tpu.memory_space<semaphore_mem>>)
        %dma_start3A_587 = arith.constant 32 : i32
        %dma_start3A_588 = arith.constant 0 : i32
        %dma_start3A_589 = tpu.memref_slice %arg9[%dma_start3A_587, %dma_start3A_588] : memref<128x128xf32, #tpu.memory_space<vmem>> -> memref<32x128xf32, #tpu.memory_space<vmem>>
        %dma_start3A_590 = arith.constant 32 : i32
        %dma_start3A_591 = tpu.memref_slice %arg7[%mul3A_577, %dma_start3A_590] : memref<16x128xi32, #tpu.memory_space<vmem>> -> memref<1x32xi32, #tpu.memory_space<vmem>>
        %dma_start3A_592 = tpu.memref_squeeze %dma_start3A_591 : memref<1x32xi32, #tpu.memory_space<vmem>> -> memref<32xi32, #tpu.memory_space<vmem>>
        %dma_start3A_593 = arith.constant 0 : i32
        %dma_start3A_594 = arith.constant 0 : i32
        %dma_start3A_595 = tpu.memref_slice %arg2[%dma_start3A_593, %dma_start3A_594] : memref<20480x128xf32, #tpu.memory_space<hbm>> -> memref<20480x128xf32, #tpu.memory_space<hbm>>
        tpu.enqueue_indirect_dma source(%dma_start3A_595 : memref<20480x128xf32, #tpu.memory_space<hbm>>) target(%dma_start3A_589 : memref<32x128xf32, #tpu.memory_space<vmem>>) offsets(%dma_start3A_592 : memref<32xi32, #tpu.memory_space<vmem>>) semaphore(%arg11 : memref<!tpu.dma_semaphore, #tpu.memory_space<semaphore_mem>>)
        %dma_start3A_596 = arith.constant 64 : i32
        %dma_start3A_597 = arith.constant 0 : i32
        %dma_start3A_598 = tpu.memref_slice %arg9[%dma_start3A_596, %dma_start3A_597] : memref<128x128xf32, #tpu.memory_space<vmem>> -> memref<32x128xf32, #tpu.memory_space<vmem>>
        %dma_start3A_599 = arith.constant 64 : i32
        %dma_start3A_600 = tpu.memref_slice %arg7[%mul3A_577, %dma_start3A_599] : memref<16x128xi32, #tpu.memory_space<vmem>> -> memref<1x32xi32, #tpu.memory_space<vmem>>
        %dma_start3A_601 = tpu.memref_squeeze %dma_start3A_600 : memref<1x32xi32, #tpu.memory_space<vmem>> -> memref<32xi32, #tpu.memory_space<vmem>>
        %dma_start3A_602 = arith.constant 0 : i32
        %dma_start3A_603 = arith.constant 0 : i32
        %dma_start3A_604 = tpu.memref_slice %arg2[%dma_start3A_602, %dma_start3A_603] : memref<20480x128xf32, #tpu.memory_space<hbm>> -> memref<20480x128xf32, #tpu.memory_space<hbm>>
        tpu.enqueue_indirect_dma source(%dma_start3A_604 : memref<20480x128xf32, #tpu.memory_space<hbm>>) target(%dma_start3A_598 : memref<32x128xf32, #tpu.memory_space<vmem>>) offsets(%dma_start3A_601 : memref<32xi32, #tpu.memory_space<vmem>>) semaphore(%arg11 : memref<!tpu.dma_semaphore, #tpu.memory_space<semaphore_mem>>)
        %dma_start3A_605 = arith.constant 96 : i32
        %dma_start3A_606 = arith.constant 0 : i32
        %dma_start3A_607 = tpu.memref_slice %arg9[%dma_start3A_605, %dma_start3A_606] : memref<128x128xf32, #tpu.memory_space<vmem>> -> memref<32x128xf32, #tpu.memory_space<vmem>>
        %dma_start3A_608 = arith.constant 96 : i32
        %dma_start3A_609 = tpu.memref_slice %arg7[%mul3A_577, %dma_start3A_608] : memref<16x128xi32, #tpu.memory_space<vmem>> -> memref<1x32xi32, #tpu.memory_space<vmem>>
        %dma_start3A_610 = tpu.memref_squeeze %dma_start3A_609 : memref<1x32xi32, #tpu.memory_space<vmem>> -> memref<32xi32, #tpu.memory_space<vmem>>
        %dma_start3A_611 = arith.constant 0 : i32
        %dma_start3A_612 = arith.constant 0 : i32
        %dma_start3A_613 = tpu.memref_slice %arg2[%dma_start3A_611, %dma_start3A_612] : memref<20480x128xf32, #tpu.memory_space<hbm>> -> memref<20480x128xf32, #tpu.memory_space<hbm>>
        tpu.enqueue_indirect_dma source(%dma_start3A_613 : memref<20480x128xf32, #tpu.memory_space<hbm>>) target(%dma_start3A_607 : memref<32x128xf32, #tpu.memory_space<vmem>>) offsets(%dma_start3A_610 : memref<32xi32, #tpu.memory_space<vmem>>) semaphore(%arg11 : memref<!tpu.dma_semaphore, #tpu.memory_space<semaphore_mem>>)
      } else {
      }
      %dma_wait3A_523 = arith.constant 0 : i32
      %dma_wait3A_524 = arith.constant 0 : i32
      %dma_wait3A_525 = tpu.memref_slice %arg7[%dma_wait3A_523, %dma_wait3A_524] : memref<16x128xi32, #tpu.memory_space<vmem>> -> memref<1x128xi32, #tpu.memory_space<vmem>>
      %dma_wait3A_526 = tpu.memref_squeeze %dma_wait3A_525 : memref<1x128xi32, #tpu.memory_space<vmem>> -> memref<128xi32, #tpu.memory_space<vmem>>
      %dma_wait3A_527 = arith.constant 0 : i32
      %dma_wait3A_528 = arith.constant 0 : i32
      %dma_wait3A_529 = tpu.memref_slice %arg2[%dma_wait3A_527, %dma_wait3A_528] : memref<20480x128xf32, #tpu.memory_space<hbm>> -> memref<20480x128xf32, #tpu.memory_space<hbm>>
      tpu.wait_indirect_dma semaphore(%arg12 : memref<!tpu.dma_semaphore, #tpu.memory_space<semaphore_mem>>) src(%dma_wait3A_529 : memref<20480x128xf32, #tpu.memory_space<hbm>>) dst(%arg10 : memref<128x128xf32, #tpu.memory_space<vmem>>)
      %add3A_530 = arith.constant 7 : i32
      %add3A_531 = arith.addi %mul3A_79, %add3A_530 : i32
      %dma_start3A_532 = arith.constant 0 : i32
      %dma_start3A_533 = tpu.memref_slice %arg8[%add3A_531, %dma_start3A_532] : memref<16x128xi32, #tpu.memory_space<vmem>> -> memref<1x128xi32, #tpu.memory_space<vmem>>
      %dma_start3A_534 = tpu.memref_squeeze %dma_start3A_533 : memref<1x128xi32, #tpu.memory_space<vmem>> -> memref<128xi32, #tpu.memory_space<vmem>>
      %dma_start3A_535 = arith.constant 0 : i32
      %dma_start3A_536 = arith.constant 0 : i32
      %dma_start3A_537 = tpu.memref_slice %arg6[%dma_start3A_535, %dma_start3A_536] : memref<10240x128xf32, #tpu.memory_space<vmem_shared>> -> memref<10240x128xf32, #tpu.memory_space<vmem_shared>>
      tpu.enqueue_indirect_dma source(%arg10 : memref<128x128xf32, #tpu.memory_space<vmem>>) target(%dma_start3A_537 : memref<10240x128xf32, #tpu.memory_space<vmem_shared>>) offsets(%dma_start3A_534 : memref<128xi32, #tpu.memory_space<vmem>>) semaphore(%arg14 : memref<!tpu.dma_semaphore, #tpu.memory_space<semaphore_mem>>) {add = true}
    }
    %scan3A_54 = arith.constant 10 : i32
    %dma_wait3A = arith.constant 0 : i32
    %dma_wait3A_55 = arith.constant 0 : i32
    %dma_wait3A_56 = tpu.memref_slice %arg8[%dma_wait3A, %dma_wait3A_55] : memref<16x128xi32, #tpu.memory_space<vmem>> -> memref<1x128xi32, #tpu.memory_space<vmem>>
    %dma_wait3A_57 = tpu.memref_squeeze %dma_wait3A_56 : memref<1x128xi32, #tpu.memory_space<vmem>> -> memref<128xi32, #tpu.memory_space<vmem>>
    %dma_wait3A_58 = arith.constant 0 : i32
    %dma_wait3A_59 = arith.constant 0 : i32
    %dma_wait3A_60 = tpu.memref_slice %arg6[%dma_wait3A_58, %dma_wait3A_59] : memref<10240x128xf32, #tpu.memory_space<vmem_shared>> -> memref<10240x128xf32, #tpu.memory_space<vmem_shared>>
    tpu.wait_indirect_dma semaphore(%arg14 : memref<!tpu.dma_semaphore, #tpu.memory_space<semaphore_mem>>) src(%arg10 : memref<128x128xf32, #tpu.memory_space<vmem>>) dst(%dma_wait3A_60 : memref<10240x128xf32, #tpu.memory_space<vmem_shared>>)
    %barrier3A_61 = arith.constant 0 : index
    tpu.barrier barrier_id(%barrier3A_61)
    %mul3A_62 = arith.constant 10240 : i32
    %mul3A_63 = arith.muli %arg0, %mul3A_62 : i32
    %add3A_64 = arith.addi %mul3A_63, %mul3A_0 : i32
    "tpu.region"() ({
      %run_scoped3A = tpu.sem_alloc : memref<!tpu.dma_semaphore, #tpu.memory_space<semaphore_mem>>
      %dma_start3A_65 = arith.constant 0 : i32
      %dma_start3A_66 = tpu.memref_slice %arg5[%add3A_64, %dma_start3A_65] : memref<20480x128xf32, #tpu.memory_space<hbm>> -> memref<640x128xf32, #tpu.memory_space<hbm>>
      %dma_start3A_67 = arith.constant 0 : i32
      %dma_start3A_68 = tpu.memref_slice %arg6[%mul3A_0, %dma_start3A_67] : memref<10240x128xf32, #tpu.memory_space<vmem_shared>> -> memref<640x128xf32, #tpu.memory_space<vmem_shared>>
      tpu.enqueue_dma source(%dma_start3A_68 : memref<640x128xf32, #tpu.memory_space<vmem_shared>>) target(%dma_start3A_66 : memref<640x128xf32, #tpu.memory_space<hbm>>) target_semaphore(%run_scoped3A : memref<!tpu.dma_semaphore, #tpu.memory_space<semaphore_mem>>)
      %dma_wait3A_69 = arith.constant 0 : i32
      %dma_wait3A_70 = tpu.memref_slice %arg5[%add3A_64, %dma_wait3A_69] : memref<20480x128xf32, #tpu.memory_space<hbm>> -> memref<640x128xf32, #tpu.memory_space<hbm>>
      %dma_wait3A_71 = arith.constant 0 : i32
      %dma_wait3A_72 = tpu.memref_slice %arg6[%mul3A_0, %dma_wait3A_71] : memref<10240x128xf32, #tpu.memory_space<vmem_shared>> -> memref<640x128xf32, #tpu.memory_space<vmem_shared>>
      tpu.wait_dma2 semaphore(%run_scoped3A : memref<!tpu.dma_semaphore, #tpu.memory_space<semaphore_mem>>) src(%dma_wait3A_72 : memref<640x128xf32, #tpu.memory_space<vmem_shared>>) dst(%dma_wait3A_70 : memref<640x128xf32, #tpu.memory_space<hbm>>)
      tpu.yield
    }) : () -> ()
    return
  }
}

#map = affine_map<(d0, d1) -> (0, 0)>
module attributes {stable_mosaic.version = 14 : i64} {
  func.func @_deg_kernel(%arg0: i32, %arg1: i32, %arg2: memref<2560x128xi32, #tpu.memory_space<hbm>>, %arg3: memref<10240x128xf32, #tpu.memory_space<hbm>>, %arg4: memref<20480x128xf32, #tpu.memory_space<hbm>>, %arg5: memref<10240x128xf32, #tpu.memory_space<vmem_shared>>, %arg6: memref<80x128xi32, #tpu.memory_space<vmem>>, %arg7: memref<128x128xf32, #tpu.memory_space<vmem>>, %arg8: memref<!tpu.dma_semaphore, #tpu.memory_space<semaphore_mem>>, %arg9: memref<!tpu.dma_semaphore, #tpu.memory_space<semaphore_mem>>, %arg10: memref<!tpu.dma_semaphore, #tpu.memory_space<semaphore_mem>>, %arg11: memref<!tpu.dma_semaphore, #tpu.memory_space<semaphore_mem>>) attributes {dimension_semantics = [#tpu.dimension_semantics<core_parallel>, #tpu.dimension_semantics<subcore_parallel>], iteration_bounds = array<i64: 2, 16>, scalar_prefetch = 0 : i64, scratch_operands = 7 : i64, tpu.core_type = #tpu.core_type<sc_vector_subcore>, window_params = [{transform_indices = #map}, {transform_indices = #map}, {transform_indices = #map}]} {
    %mul3A = arith.constant 640 : i32
    %mul3A_0 = arith.muli %arg1, %mul3A : i32
    "tpu.region"() ({
      %run_scoped3A = tpu.sem_alloc : memref<!tpu.dma_semaphore, #tpu.memory_space<semaphore_mem>>
      %dma_start3A = arith.constant 0 : i32
      %dma_start3A_41 = tpu.memref_slice %arg5[%mul3A_0, %dma_start3A] : memref<10240x128xf32, #tpu.memory_space<vmem_shared>> -> memref<640x128xf32, #tpu.memory_space<vmem_shared>>
      %dma_start3A_42 = arith.constant 0 : i32
      %dma_start3A_43 = tpu.memref_slice %arg3[%mul3A_0, %dma_start3A_42] : memref<10240x128xf32, #tpu.memory_space<hbm>> -> memref<640x128xf32, #tpu.memory_space<hbm>>
      tpu.enqueue_dma source(%dma_start3A_43 : memref<640x128xf32, #tpu.memory_space<hbm>>) target(%dma_start3A_41 : memref<640x128xf32, #tpu.memory_space<vmem_shared>>) target_semaphore(%run_scoped3A : memref<!tpu.dma_semaphore, #tpu.memory_space<semaphore_mem>>)
      %dma_wait3A_44 = arith.constant 0 : i32
      %dma_wait3A_45 = tpu.memref_slice %arg5[%mul3A_0, %dma_wait3A_44] : memref<10240x128xf32, #tpu.memory_space<vmem_shared>> -> memref<640x128xf32, #tpu.memory_space<vmem_shared>>
      %dma_wait3A_46 = arith.constant 0 : i32
      %dma_wait3A_47 = tpu.memref_slice %arg3[%mul3A_0, %dma_wait3A_46] : memref<10240x128xf32, #tpu.memory_space<hbm>> -> memref<640x128xf32, #tpu.memory_space<hbm>>
      tpu.wait_dma2 semaphore(%run_scoped3A : memref<!tpu.dma_semaphore, #tpu.memory_space<semaphore_mem>>) src(%dma_wait3A_47 : memref<640x128xf32, #tpu.memory_space<hbm>>) dst(%dma_wait3A_45 : memref<640x128xf32, #tpu.memory_space<vmem_shared>>)
      tpu.yield
    }) : () -> ()
    "tpu.region"() ({
      %run_scoped3A = tpu.sem_alloc : memref<!tpu.dma_semaphore, #tpu.memory_space<semaphore_mem>>
      %dma_start3A = arith.constant 0 : i32
      %dma_start3A_41 = arith.constant 0 : i32
      %dma_start3A_42 = tpu.memref_slice %arg3[%dma_start3A, %dma_start3A_41] : memref<10240x128xf32, #tpu.memory_space<hbm>> -> memref<128x128xf32, #tpu.memory_space<hbm>>
      %dma_start3A_43 = arith.constant 0 : i32
      %dma_start3A_44 = arith.constant 0 : i32
      %dma_start3A_45 = tpu.memref_slice %arg3[%dma_start3A_43, %dma_start3A_44] : memref<10240x128xf32, #tpu.memory_space<hbm>> -> memref<128x128xf32, #tpu.memory_space<hbm>>
      tpu.enqueue_dma source(%dma_start3A_45 : memref<128x128xf32, #tpu.memory_space<hbm>>) target(%arg7 : memref<128x128xf32, #tpu.memory_space<vmem>>) target_semaphore(%run_scoped3A : memref<!tpu.dma_semaphore, #tpu.memory_space<semaphore_mem>>)
      %dma_wait3A_46 = arith.constant 0 : i32
      %dma_wait3A_47 = arith.constant 0 : i32
      %dma_wait3A_48 = tpu.memref_slice %arg3[%dma_wait3A_46, %dma_wait3A_47] : memref<10240x128xf32, #tpu.memory_space<hbm>> -> memref<128x128xf32, #tpu.memory_space<hbm>>
      %dma_wait3A_49 = arith.constant 0 : i32
      %dma_wait3A_50 = arith.constant 0 : i32
      %dma_wait3A_51 = tpu.memref_slice %arg3[%dma_wait3A_49, %dma_wait3A_50] : memref<10240x128xf32, #tpu.memory_space<hbm>> -> memref<128x128xf32, #tpu.memory_space<hbm>>
      tpu.wait_dma2 semaphore(%run_scoped3A : memref<!tpu.dma_semaphore, #tpu.memory_space<semaphore_mem>>) src(%dma_wait3A_51 : memref<128x128xf32, #tpu.memory_space<hbm>>) dst(%arg7 : memref<128x128xf32, #tpu.memory_space<vmem>>)
      tpu.yield
    }) : () -> ()
    %mul3A_1 = arith.constant 1280 : i32
    %mul3A_2 = arith.muli %arg0, %mul3A_1 : i32
    %mul3A_3 = arith.constant 80 : i32
    %mul3A_4 = arith.muli %arg1, %mul3A_3 : i32
    %add3A = arith.addi %mul3A_2, %mul3A_4 : i32
    "tpu.region"() ({
      %run_scoped3A = tpu.sem_alloc : memref<!tpu.dma_semaphore, #tpu.memory_space<semaphore_mem>>
      %dma_start3A = arith.constant 0 : i32
      %dma_start3A_41 = tpu.memref_slice %arg2[%add3A, %dma_start3A] : memref<2560x128xi32, #tpu.memory_space<hbm>> -> memref<80x128xi32, #tpu.memory_space<hbm>>
      %dma_start3A_42 = arith.constant 0 : i32
      %dma_start3A_43 = tpu.memref_slice %arg2[%add3A, %dma_start3A_42] : memref<2560x128xi32, #tpu.memory_space<hbm>> -> memref<80x128xi32, #tpu.memory_space<hbm>>
      tpu.enqueue_dma source(%dma_start3A_43 : memref<80x128xi32, #tpu.memory_space<hbm>>) target(%arg6 : memref<80x128xi32, #tpu.memory_space<vmem>>) target_semaphore(%run_scoped3A : memref<!tpu.dma_semaphore, #tpu.memory_space<semaphore_mem>>)
      %dma_wait3A_44 = arith.constant 0 : i32
      %dma_wait3A_45 = tpu.memref_slice %arg2[%add3A, %dma_wait3A_44] : memref<2560x128xi32, #tpu.memory_space<hbm>> -> memref<80x128xi32, #tpu.memory_space<hbm>>
      %dma_wait3A_46 = arith.constant 0 : i32
      %dma_wait3A_47 = tpu.memref_slice %arg2[%add3A, %dma_wait3A_46] : memref<2560x128xi32, #tpu.memory_space<hbm>> -> memref<80x128xi32, #tpu.memory_space<hbm>>
      tpu.wait_dma2 semaphore(%run_scoped3A : memref<!tpu.dma_semaphore, #tpu.memory_space<semaphore_mem>>) src(%dma_wait3A_47 : memref<80x128xi32, #tpu.memory_space<hbm>>) dst(%arg6 : memref<80x128xi32, #tpu.memory_space<vmem>>)
      tpu.yield
    }) : () -> ()
    %barrier3A = arith.constant 0 : index
    tpu.barrier barrier_id(%barrier3A)
    %scan3A = arith.constant 0 : i32
    %scan3A_5 = arith.constant 0 : i32
    %scan3A_6 = arith.constant 20 : i32
    %scan3A_7 = arith.addi %scan3A_5, %scan3A_6 : i32
    %scan3A_8 = arith.constant 1 : i32
    scf.for %scan3A_41 = %scan3A_5 to %scan3A_7 step %scan3A_8  : i32 {
      %ge3A = arith.constant 1 : i32
      %ge3A_42 = arith.cmpi sge, %scan3A_41, %ge3A : i32
      %convert_element_type3A = arith.extui %ge3A_42 : i1 to i32
      %cond3A = arith.constant 0 : i32
      %cond3A_43 = arith.cmpi ne, %convert_element_type3A, %cond3A : i32
      scf.if %cond3A_43 {
        %dma_wait3A_98 = arith.constant 0 : i32
        %dma_wait3A_99 = arith.constant 0 : i32
        %dma_wait3A_100 = tpu.memref_slice %arg6[%dma_wait3A_98, %dma_wait3A_99] : memref<80x128xi32, #tpu.memory_space<vmem>> -> memref<1x128xi32, #tpu.memory_space<vmem>>
        %dma_wait3A_101 = tpu.memref_squeeze %dma_wait3A_100 : memref<1x128xi32, #tpu.memory_space<vmem>> -> memref<128xi32, #tpu.memory_space<vmem>>
        %dma_wait3A_102 = arith.constant 0 : i32
        %dma_wait3A_103 = arith.constant 0 : i32
        %dma_wait3A_104 = tpu.memref_slice %arg5[%dma_wait3A_102, %dma_wait3A_103] : memref<10240x128xf32, #tpu.memory_space<vmem_shared>> -> memref<10240x128xf32, #tpu.memory_space<vmem_shared>>
        tpu.wait_indirect_dma semaphore(%arg8 : memref<!tpu.dma_semaphore, #tpu.memory_space<semaphore_mem>>) src(%arg7 : memref<128x128xf32, #tpu.memory_space<vmem>>) dst(%dma_wait3A_104 : memref<10240x128xf32, #tpu.memory_space<vmem_shared>>)
      } else {
      }
      %mul3A_44 = arith.constant 4 : i32
      %mul3A_45 = arith.muli %scan3A_41, %mul3A_44 : i32
      %add3A_46 = arith.constant 0 : i32
      %add3A_47 = arith.addi %mul3A_45, %add3A_46 : i32
      %dma_start3A = arith.constant 0 : i32
      %dma_start3A_48 = tpu.memref_slice %arg6[%add3A_47, %dma_start3A] : memref<80x128xi32, #tpu.memory_space<vmem>> -> memref<1x128xi32, #tpu.memory_space<vmem>>
      %dma_start3A_49 = tpu.memref_squeeze %dma_start3A_48 : memref<1x128xi32, #tpu.memory_space<vmem>> -> memref<128xi32, #tpu.memory_space<vmem>>
      %dma_start3A_50 = arith.constant 0 : i32
      %dma_start3A_51 = arith.constant 0 : i32
      %dma_start3A_52 = tpu.memref_slice %arg5[%dma_start3A_50, %dma_start3A_51] : memref<10240x128xf32, #tpu.memory_space<vmem_shared>> -> memref<10240x128xf32, #tpu.memory_space<vmem_shared>>
      tpu.enqueue_indirect_dma source(%arg7 : memref<128x128xf32, #tpu.memory_space<vmem>>) target(%dma_start3A_52 : memref<10240x128xf32, #tpu.memory_space<vmem_shared>>) offsets(%dma_start3A_49 : memref<128xi32, #tpu.memory_space<vmem>>) semaphore(%arg8 : memref<!tpu.dma_semaphore, #tpu.memory_space<semaphore_mem>>) {add = true}
      %ge3A_53 = arith.constant 1 : i32
      %ge3A_54 = arith.cmpi sge, %scan3A_41, %ge3A_53 : i32
      %convert_element_type3A_55 = arith.extui %ge3A_54 : i1 to i32
      %cond3A_56 = arith.constant 0 : i32
      %cond3A_57 = arith.cmpi ne, %convert_element_type3A_55, %cond3A_56 : i32
      scf.if %cond3A_57 {
        %dma_wait3A_98 = arith.constant 0 : i32
        %dma_wait3A_99 = arith.constant 0 : i32
        %dma_wait3A_100 = tpu.memref_slice %arg6[%dma_wait3A_98, %dma_wait3A_99] : memref<80x128xi32, #tpu.memory_space<vmem>> -> memref<1x128xi32, #tpu.memory_space<vmem>>
        %dma_wait3A_101 = tpu.memref_squeeze %dma_wait3A_100 : memref<1x128xi32, #tpu.memory_space<vmem>> -> memref<128xi32, #tpu.memory_space<vmem>>
        %dma_wait3A_102 = arith.constant 0 : i32
        %dma_wait3A_103 = arith.constant 0 : i32
        %dma_wait3A_104 = tpu.memref_slice %arg5[%dma_wait3A_102, %dma_wait3A_103] : memref<10240x128xf32, #tpu.memory_space<vmem_shared>> -> memref<10240x128xf32, #tpu.memory_space<vmem_shared>>
        tpu.wait_indirect_dma semaphore(%arg9 : memref<!tpu.dma_semaphore, #tpu.memory_space<semaphore_mem>>) src(%arg7 : memref<128x128xf32, #tpu.memory_space<vmem>>) dst(%dma_wait3A_104 : memref<10240x128xf32, #tpu.memory_space<vmem_shared>>)
      } else {
      }
      %mul3A_58 = arith.constant 4 : i32
      %mul3A_59 = arith.muli %scan3A_41, %mul3A_58 : i32
      %add3A_60 = arith.constant 1 : i32
      %add3A_61 = arith.addi %mul3A_59, %add3A_60 : i32
      %dma_start3A_62 = arith.constant 0 : i32
      %dma_start3A_63 = tpu.memref_slice %arg6[%add3A_61, %dma_start3A_62] : memref<80x128xi32, #tpu.memory_space<vmem>> -> memref<1x128xi32, #tpu.memory_space<vmem>>
      %dma_start3A_64 = tpu.memref_squeeze %dma_start3A_63 : memref<1x128xi32, #tpu.memory_space<vmem>> -> memref<128xi32, #tpu.memory_space<vmem>>
      %dma_start3A_65 = arith.constant 0 : i32
      %dma_start3A_66 = arith.constant 0 : i32
      %dma_start3A_67 = tpu.memref_slice %arg5[%dma_start3A_65, %dma_start3A_66] : memref<10240x128xf32, #tpu.memory_space<vmem_shared>> -> memref<10240x128xf32, #tpu.memory_space<vmem_shared>>
      tpu.enqueue_indirect_dma source(%arg7 : memref<128x128xf32, #tpu.memory_space<vmem>>) target(%dma_start3A_67 : memref<10240x128xf32, #tpu.memory_space<vmem_shared>>) offsets(%dma_start3A_64 : memref<128xi32, #tpu.memory_space<vmem>>) semaphore(%arg9 : memref<!tpu.dma_semaphore, #tpu.memory_space<semaphore_mem>>) {add = true}
      %ge3A_68 = arith.constant 1 : i32
      %ge3A_69 = arith.cmpi sge, %scan3A_41, %ge3A_68 : i32
      %convert_element_type3A_70 = arith.extui %ge3A_69 : i1 to i32
      %cond3A_71 = arith.constant 0 : i32
      %cond3A_72 = arith.cmpi ne, %convert_element_type3A_70, %cond3A_71 : i32
      scf.if %cond3A_72 {
        %dma_wait3A_98 = arith.constant 0 : i32
        %dma_wait3A_99 = arith.constant 0 : i32
        %dma_wait3A_100 = tpu.memref_slice %arg6[%dma_wait3A_98, %dma_wait3A_99] : memref<80x128xi32, #tpu.memory_space<vmem>> -> memref<1x128xi32, #tpu.memory_space<vmem>>
        %dma_wait3A_101 = tpu.memref_squeeze %dma_wait3A_100 : memref<1x128xi32, #tpu.memory_space<vmem>> -> memref<128xi32, #tpu.memory_space<vmem>>
        %dma_wait3A_102 = arith.constant 0 : i32
        %dma_wait3A_103 = arith.constant 0 : i32
        %dma_wait3A_104 = tpu.memref_slice %arg5[%dma_wait3A_102, %dma_wait3A_103] : memref<10240x128xf32, #tpu.memory_space<vmem_shared>> -> memref<10240x128xf32, #tpu.memory_space<vmem_shared>>
        tpu.wait_indirect_dma semaphore(%arg10 : memref<!tpu.dma_semaphore, #tpu.memory_space<semaphore_mem>>) src(%arg7 : memref<128x128xf32, #tpu.memory_space<vmem>>) dst(%dma_wait3A_104 : memref<10240x128xf32, #tpu.memory_space<vmem_shared>>)
      } else {
      }
      %mul3A_73 = arith.constant 4 : i32
      %mul3A_74 = arith.muli %scan3A_41, %mul3A_73 : i32
      %add3A_75 = arith.constant 2 : i32
      %add3A_76 = arith.addi %mul3A_74, %add3A_75 : i32
      %dma_start3A_77 = arith.constant 0 : i32
      %dma_start3A_78 = tpu.memref_slice %arg6[%add3A_76, %dma_start3A_77] : memref<80x128xi32, #tpu.memory_space<vmem>> -> memref<1x128xi32, #tpu.memory_space<vmem>>
      %dma_start3A_79 = tpu.memref_squeeze %dma_start3A_78 : memref<1x128xi32, #tpu.memory_space<vmem>> -> memref<128xi32, #tpu.memory_space<vmem>>
      %dma_start3A_80 = arith.constant 0 : i32
      %dma_start3A_81 = arith.constant 0 : i32
      %dma_start3A_82 = tpu.memref_slice %arg5[%dma_start3A_80, %dma_start3A_81] : memref<10240x128xf32, #tpu.memory_space<vmem_shared>> -> memref<10240x128xf32, #tpu.memory_space<vmem_shared>>
      tpu.enqueue_indirect_dma source(%arg7 : memref<128x128xf32, #tpu.memory_space<vmem>>) target(%dma_start3A_82 : memref<10240x128xf32, #tpu.memory_space<vmem_shared>>) offsets(%dma_start3A_79 : memref<128xi32, #tpu.memory_space<vmem>>) semaphore(%arg10 : memref<!tpu.dma_semaphore, #tpu.memory_space<semaphore_mem>>) {add = true}
      %ge3A_83 = arith.constant 1 : i32
      %ge3A_84 = arith.cmpi sge, %scan3A_41, %ge3A_83 : i32
      %convert_element_type3A_85 = arith.extui %ge3A_84 : i1 to i32
      %cond3A_86 = arith.constant 0 : i32
      %cond3A_87 = arith.cmpi ne, %convert_element_type3A_85, %cond3A_86 : i32
      scf.if %cond3A_87 {
        %dma_wait3A_98 = arith.constant 0 : i32
        %dma_wait3A_99 = arith.constant 0 : i32
        %dma_wait3A_100 = tpu.memref_slice %arg6[%dma_wait3A_98, %dma_wait3A_99] : memref<80x128xi32, #tpu.memory_space<vmem>> -> memref<1x128xi32, #tpu.memory_space<vmem>>
        %dma_wait3A_101 = tpu.memref_squeeze %dma_wait3A_100 : memref<1x128xi32, #tpu.memory_space<vmem>> -> memref<128xi32, #tpu.memory_space<vmem>>
        %dma_wait3A_102 = arith.constant 0 : i32
        %dma_wait3A_103 = arith.constant 0 : i32
        %dma_wait3A_104 = tpu.memref_slice %arg5[%dma_wait3A_102, %dma_wait3A_103] : memref<10240x128xf32, #tpu.memory_space<vmem_shared>> -> memref<10240x128xf32, #tpu.memory_space<vmem_shared>>
        tpu.wait_indirect_dma semaphore(%arg11 : memref<!tpu.dma_semaphore, #tpu.memory_space<semaphore_mem>>) src(%arg7 : memref<128x128xf32, #tpu.memory_space<vmem>>) dst(%dma_wait3A_104 : memref<10240x128xf32, #tpu.memory_space<vmem_shared>>)
      } else {
      }
      %mul3A_88 = arith.constant 4 : i32
      %mul3A_89 = arith.muli %scan3A_41, %mul3A_88 : i32
      %add3A_90 = arith.constant 3 : i32
      %add3A_91 = arith.addi %mul3A_89, %add3A_90 : i32
      %dma_start3A_92 = arith.constant 0 : i32
      %dma_start3A_93 = tpu.memref_slice %arg6[%add3A_91, %dma_start3A_92] : memref<80x128xi32, #tpu.memory_space<vmem>> -> memref<1x128xi32, #tpu.memory_space<vmem>>
      %dma_start3A_94 = tpu.memref_squeeze %dma_start3A_93 : memref<1x128xi32, #tpu.memory_space<vmem>> -> memref<128xi32, #tpu.memory_space<vmem>>
      %dma_start3A_95 = arith.constant 0 : i32
      %dma_start3A_96 = arith.constant 0 : i32
      %dma_start3A_97 = tpu.memref_slice %arg5[%dma_start3A_95, %dma_start3A_96] : memref<10240x128xf32, #tpu.memory_space<vmem_shared>> -> memref<10240x128xf32, #tpu.memory_space<vmem_shared>>
      tpu.enqueue_indirect_dma source(%arg7 : memref<128x128xf32, #tpu.memory_space<vmem>>) target(%dma_start3A_97 : memref<10240x128xf32, #tpu.memory_space<vmem_shared>>) offsets(%dma_start3A_94 : memref<128xi32, #tpu.memory_space<vmem>>) semaphore(%arg11 : memref<!tpu.dma_semaphore, #tpu.memory_space<semaphore_mem>>) {add = true}
    }
    %scan3A_9 = arith.constant 20 : i32
    %dma_wait3A = arith.constant 0 : i32
    %dma_wait3A_10 = arith.constant 0 : i32
    %dma_wait3A_11 = tpu.memref_slice %arg6[%dma_wait3A, %dma_wait3A_10] : memref<80x128xi32, #tpu.memory_space<vmem>> -> memref<1x128xi32, #tpu.memory_space<vmem>>
    %dma_wait3A_12 = tpu.memref_squeeze %dma_wait3A_11 : memref<1x128xi32, #tpu.memory_space<vmem>> -> memref<128xi32, #tpu.memory_space<vmem>>
    %dma_wait3A_13 = arith.constant 0 : i32
    %dma_wait3A_14 = arith.constant 0 : i32
    %dma_wait3A_15 = tpu.memref_slice %arg5[%dma_wait3A_13, %dma_wait3A_14] : memref<10240x128xf32, #tpu.memory_space<vmem_shared>> -> memref<10240x128xf32, #tpu.memory_space<vmem_shared>>
    tpu.wait_indirect_dma semaphore(%arg8 : memref<!tpu.dma_semaphore, #tpu.memory_space<semaphore_mem>>) src(%arg7 : memref<128x128xf32, #tpu.memory_space<vmem>>) dst(%dma_wait3A_15 : memref<10240x128xf32, #tpu.memory_space<vmem_shared>>)
    %dma_wait3A_16 = arith.constant 0 : i32
    %dma_wait3A_17 = arith.constant 0 : i32
    %dma_wait3A_18 = tpu.memref_slice %arg6[%dma_wait3A_16, %dma_wait3A_17] : memref<80x128xi32, #tpu.memory_space<vmem>> -> memref<1x128xi32, #tpu.memory_space<vmem>>
    %dma_wait3A_19 = tpu.memref_squeeze %dma_wait3A_18 : memref<1x128xi32, #tpu.memory_space<vmem>> -> memref<128xi32, #tpu.memory_space<vmem>>
    %dma_wait3A_20 = arith.constant 0 : i32
    %dma_wait3A_21 = arith.constant 0 : i32
    %dma_wait3A_22 = tpu.memref_slice %arg5[%dma_wait3A_20, %dma_wait3A_21] : memref<10240x128xf32, #tpu.memory_space<vmem_shared>> -> memref<10240x128xf32, #tpu.memory_space<vmem_shared>>
    tpu.wait_indirect_dma semaphore(%arg9 : memref<!tpu.dma_semaphore, #tpu.memory_space<semaphore_mem>>) src(%arg7 : memref<128x128xf32, #tpu.memory_space<vmem>>) dst(%dma_wait3A_22 : memref<10240x128xf32, #tpu.memory_space<vmem_shared>>)
    %dma_wait3A_23 = arith.constant 0 : i32
    %dma_wait3A_24 = arith.constant 0 : i32
    %dma_wait3A_25 = tpu.memref_slice %arg6[%dma_wait3A_23, %dma_wait3A_24] : memref<80x128xi32, #tpu.memory_space<vmem>> -> memref<1x128xi32, #tpu.memory_space<vmem>>
    %dma_wait3A_26 = tpu.memref_squeeze %dma_wait3A_25 : memref<1x128xi32, #tpu.memory_space<vmem>> -> memref<128xi32, #tpu.memory_space<vmem>>
    %dma_wait3A_27 = arith.constant 0 : i32
    %dma_wait3A_28 = arith.constant 0 : i32
    %dma_wait3A_29 = tpu.memref_slice %arg5[%dma_wait3A_27, %dma_wait3A_28] : memref<10240x128xf32, #tpu.memory_space<vmem_shared>> -> memref<10240x128xf32, #tpu.memory_space<vmem_shared>>
    tpu.wait_indirect_dma semaphore(%arg10 : memref<!tpu.dma_semaphore, #tpu.memory_space<semaphore_mem>>) src(%arg7 : memref<128x128xf32, #tpu.memory_space<vmem>>) dst(%dma_wait3A_29 : memref<10240x128xf32, #tpu.memory_space<vmem_shared>>)
    %dma_wait3A_30 = arith.constant 0 : i32
    %dma_wait3A_31 = arith.constant 0 : i32
    %dma_wait3A_32 = tpu.memref_slice %arg6[%dma_wait3A_30, %dma_wait3A_31] : memref<80x128xi32, #tpu.memory_space<vmem>> -> memref<1x128xi32, #tpu.memory_space<vmem>>
    %dma_wait3A_33 = tpu.memref_squeeze %dma_wait3A_32 : memref<1x128xi32, #tpu.memory_space<vmem>> -> memref<128xi32, #tpu.memory_space<vmem>>
    %dma_wait3A_34 = arith.constant 0 : i32
    %dma_wait3A_35 = arith.constant 0 : i32
    %dma_wait3A_36 = tpu.memref_slice %arg5[%dma_wait3A_34, %dma_wait3A_35] : memref<10240x128xf32, #tpu.memory_space<vmem_shared>> -> memref<10240x128xf32, #tpu.memory_space<vmem_shared>>
    tpu.wait_indirect_dma semaphore(%arg11 : memref<!tpu.dma_semaphore, #tpu.memory_space<semaphore_mem>>) src(%arg7 : memref<128x128xf32, #tpu.memory_space<vmem>>) dst(%dma_wait3A_36 : memref<10240x128xf32, #tpu.memory_space<vmem_shared>>)
    %barrier3A_37 = arith.constant 0 : index
    tpu.barrier barrier_id(%barrier3A_37)
    %mul3A_38 = arith.constant 10240 : i32
    %mul3A_39 = arith.muli %arg0, %mul3A_38 : i32
    %add3A_40 = arith.addi %mul3A_39, %mul3A_0 : i32
    "tpu.region"() ({
      %run_scoped3A = tpu.sem_alloc : memref<!tpu.dma_semaphore, #tpu.memory_space<semaphore_mem>>
      %dma_start3A = arith.constant 0 : i32
      %dma_start3A_41 = tpu.memref_slice %arg4[%add3A_40, %dma_start3A] : memref<20480x128xf32, #tpu.memory_space<hbm>> -> memref<640x128xf32, #tpu.memory_space<hbm>>
      %dma_start3A_42 = arith.constant 0 : i32
      %dma_start3A_43 = tpu.memref_slice %arg5[%mul3A_0, %dma_start3A_42] : memref<10240x128xf32, #tpu.memory_space<vmem_shared>> -> memref<640x128xf32, #tpu.memory_space<vmem_shared>>
      tpu.enqueue_dma source(%dma_start3A_43 : memref<640x128xf32, #tpu.memory_space<vmem_shared>>) target(%dma_start3A_41 : memref<640x128xf32, #tpu.memory_space<hbm>>) target_semaphore(%run_scoped3A : memref<!tpu.dma_semaphore, #tpu.memory_space<semaphore_mem>>)
      %dma_wait3A_44 = arith.constant 0 : i32
      %dma_wait3A_45 = tpu.memref_slice %arg4[%add3A_40, %dma_wait3A_44] : memref<20480x128xf32, #tpu.memory_space<hbm>> -> memref<640x128xf32, #tpu.memory_space<hbm>>
      %dma_wait3A_46 = arith.constant 0 : i32
      %dma_wait3A_47 = tpu.memref_slice %arg5[%mul3A_0, %dma_wait3A_46] : memref<10240x128xf32, #tpu.memory_space<vmem_shared>> -> memref<640x128xf32, #tpu.memory_space<vmem_shared>>
      tpu.wait_dma2 semaphore(%run_scoped3A : memref<!tpu.dma_semaphore, #tpu.memory_space<semaphore_mem>>) src(%dma_wait3A_47 : memref<640x128xf32, #tpu.memory_space<vmem_shared>>) dst(%dma_wait3A_45 : memref<640x128xf32, #tpu.memory_space<hbm>>)
      tpu.yield
    }) : () -> ()
    return
  }
}

#map = affine_map<(d0, d1) -> (0, 0)>
module attributes {stable_mosaic.version = 14 : i64} {
  func.func @_scatter_es(%arg0: i32, %arg1: i32, %arg2: memref<20480x128xf32, #tpu.memory_space<hbm>>, %arg3: memref<5120x128xi32, #tpu.memory_space<hbm>>, %arg4: memref<2560x128xi32, #tpu.memory_space<hbm>>, %arg5: memref<20480x128xf32, #tpu.memory_space<hbm>>, %arg6: memref<10240x128xf32, #tpu.memory_space<vmem_shared>>, %arg7: memref<16x128xi32, #tpu.memory_space<vmem>>, %arg8: memref<16x128xi32, #tpu.memory_space<vmem>>, %arg9: memref<128x128xf32, #tpu.memory_space<vmem>>, %arg10: memref<128x128xf32, #tpu.memory_space<vmem>>, %arg11: memref<!tpu.dma_semaphore, #tpu.memory_space<semaphore_mem>>, %arg12: memref<!tpu.dma_semaphore, #tpu.memory_space<semaphore_mem>>, %arg13: memref<!tpu.dma_semaphore, #tpu.memory_space<semaphore_mem>>, %arg14: memref<!tpu.dma_semaphore, #tpu.memory_space<semaphore_mem>>, %arg15: memref<!tpu.dma_semaphore, #tpu.memory_space<semaphore_mem>>, %arg16: memref<!tpu.dma_semaphore, #tpu.memory_space<semaphore_mem>>) attributes {dimension_semantics = [#tpu.dimension_semantics<core_parallel>, #tpu.dimension_semantics<subcore_parallel>], iteration_bounds = array<i64: 2, 16>, scalar_prefetch = 0 : i64, scratch_operands = 11 : i64, tpu.core_type = #tpu.core_type<sc_vector_subcore>, window_params = [{transform_indices = #map}, {transform_indices = #map}, {transform_indices = #map}, {transform_indices = #map}]} {
    %mul3A = arith.constant 640 : i32
    %mul3A_0 = arith.muli %arg1, %mul3A : i32
    %mul3A_1 = arith.constant 1280 : i32
    %mul3A_2 = arith.muli %arg0, %mul3A_1 : i32
    %mul3A_3 = arith.constant 80 : i32
    %mul3A_4 = arith.muli %arg1, %mul3A_3 : i32
    %add3A = arith.addi %mul3A_2, %mul3A_4 : i32
    %mul3A_5 = arith.constant 10240 : i32
    %mul3A_6 = arith.muli %arg0, %mul3A_5 : i32
    %add3A_7 = arith.addi %mul3A_6, %mul3A_0 : i32
    "tpu.region"() ({
      %run_scoped3A = tpu.sem_alloc : memref<!tpu.dma_semaphore, #tpu.memory_space<semaphore_mem>>
      %dma_start3A_65 = arith.constant 0 : i32
      %dma_start3A_66 = tpu.memref_slice %arg6[%mul3A_0, %dma_start3A_65] : memref<10240x128xf32, #tpu.memory_space<vmem_shared>> -> memref<640x128xf32, #tpu.memory_space<vmem_shared>>
      %dma_start3A_67 = arith.constant 0 : i32
      %dma_start3A_68 = tpu.memref_slice %arg2[%add3A_7, %dma_start3A_67] : memref<20480x128xf32, #tpu.memory_space<hbm>> -> memref<640x128xf32, #tpu.memory_space<hbm>>
      tpu.enqueue_dma source(%dma_start3A_68 : memref<640x128xf32, #tpu.memory_space<hbm>>) target(%dma_start3A_66 : memref<640x128xf32, #tpu.memory_space<vmem_shared>>) target_semaphore(%run_scoped3A : memref<!tpu.dma_semaphore, #tpu.memory_space<semaphore_mem>>)
      %dma_wait3A_69 = arith.constant 0 : i32
      %dma_wait3A_70 = tpu.memref_slice %arg6[%mul3A_0, %dma_wait3A_69] : memref<10240x128xf32, #tpu.memory_space<vmem_shared>> -> memref<640x128xf32, #tpu.memory_space<vmem_shared>>
      %dma_wait3A_71 = arith.constant 0 : i32
      %dma_wait3A_72 = tpu.memref_slice %arg2[%add3A_7, %dma_wait3A_71] : memref<20480x128xf32, #tpu.memory_space<hbm>> -> memref<640x128xf32, #tpu.memory_space<hbm>>
      tpu.wait_dma2 semaphore(%run_scoped3A : memref<!tpu.dma_semaphore, #tpu.memory_space<semaphore_mem>>) src(%dma_wait3A_72 : memref<640x128xf32, #tpu.memory_space<hbm>>) dst(%dma_wait3A_70 : memref<640x128xf32, #tpu.memory_space<vmem_shared>>)
      tpu.yield
    }) : () -> ()
    %barrier3A = arith.constant 0 : index
    tpu.barrier barrier_id(%barrier3A)
    %mul3A_8 = arith.constant 2560 : i32
    %mul3A_9 = arith.muli %arg0, %mul3A_8 : i32
    %add3A_10 = arith.addi %mul3A_9, %add3A : i32
    "tpu.region"() ({
      %run_scoped3A = tpu.sem_alloc : memref<!tpu.dma_semaphore, #tpu.memory_space<semaphore_mem>>
      %dma_start3A_65 = arith.constant 0 : i32
      %dma_start3A_66 = arith.constant 0 : i32
      %dma_start3A_67 = tpu.memref_slice %arg7[%dma_start3A_65, %dma_start3A_66] : memref<16x128xi32, #tpu.memory_space<vmem>> -> memref<8x128xi32, #tpu.memory_space<vmem>>
      %dma_start3A_68 = arith.constant 0 : i32
      %dma_start3A_69 = tpu.memref_slice %arg3[%add3A_10, %dma_start3A_68] : memref<5120x128xi32, #tpu.memory_space<hbm>> -> memref<8x128xi32, #tpu.memory_space<hbm>>
      %dma_start3A_70 = arith.constant 0 : i32
      %dma_start3A_71 = arith.constant 0 : i32
      %dma_start3A_72 = tpu.memref_slice %arg7[%dma_start3A_70, %dma_start3A_71] : memref<16x128xi32, #tpu.memory_space<vmem>> -> memref<8x128xi32, #tpu.memory_space<vmem>>
      %dma_start3A_73 = arith.constant 0 : i32
      %dma_start3A_74 = tpu.memref_slice %arg3[%add3A_10, %dma_start3A_73] : memref<5120x128xi32, #tpu.memory_space<hbm>> -> memref<8x128xi32, #tpu.memory_space<hbm>>
      tpu.enqueue_dma source(%dma_start3A_74 : memref<8x128xi32, #tpu.memory_space<hbm>>) target(%dma_start3A_72 : memref<8x128xi32, #tpu.memory_space<vmem>>) target_semaphore(%run_scoped3A : memref<!tpu.dma_semaphore, #tpu.memory_space<semaphore_mem>>)
      %dma_wait3A_75 = arith.constant 0 : i32
      %dma_wait3A_76 = arith.constant 0 : i32
      %dma_wait3A_77 = tpu.memref_slice %arg7[%dma_wait3A_75, %dma_wait3A_76] : memref<16x128xi32, #tpu.memory_space<vmem>> -> memref<8x128xi32, #tpu.memory_space<vmem>>
      %dma_wait3A_78 = arith.constant 0 : i32
      %dma_wait3A_79 = tpu.memref_slice %arg3[%add3A_10, %dma_wait3A_78] : memref<5120x128xi32, #tpu.memory_space<hbm>> -> memref<8x128xi32, #tpu.memory_space<hbm>>
      %dma_wait3A_80 = arith.constant 0 : i32
      %dma_wait3A_81 = arith.constant 0 : i32
      %dma_wait3A_82 = tpu.memref_slice %arg7[%dma_wait3A_80, %dma_wait3A_81] : memref<16x128xi32, #tpu.memory_space<vmem>> -> memref<8x128xi32, #tpu.memory_space<vmem>>
      %dma_wait3A_83 = arith.constant 0 : i32
      %dma_wait3A_84 = tpu.memref_slice %arg3[%add3A_10, %dma_wait3A_83] : memref<5120x128xi32, #tpu.memory_space<hbm>> -> memref<8x128xi32, #tpu.memory_space<hbm>>
      tpu.wait_dma2 semaphore(%run_scoped3A : memref<!tpu.dma_semaphore, #tpu.memory_space<semaphore_mem>>) src(%dma_wait3A_84 : memref<8x128xi32, #tpu.memory_space<hbm>>) dst(%dma_wait3A_82 : memref<8x128xi32, #tpu.memory_space<vmem>>)
      tpu.yield
    }) : () -> ()
    "tpu.region"() ({
      %run_scoped3A = tpu.sem_alloc : memref<!tpu.dma_semaphore, #tpu.memory_space<semaphore_mem>>
      %dma_start3A_65 = arith.constant 0 : i32
      %dma_start3A_66 = arith.constant 0 : i32
      %dma_start3A_67 = tpu.memref_slice %arg8[%dma_start3A_65, %dma_start3A_66] : memref<16x128xi32, #tpu.memory_space<vmem>> -> memref<8x128xi32, #tpu.memory_space<vmem>>
      %dma_start3A_68 = arith.constant 0 : i32
      %dma_start3A_69 = tpu.memref_slice %arg4[%add3A, %dma_start3A_68] : memref<2560x128xi32, #tpu.memory_space<hbm>> -> memref<8x128xi32, #tpu.memory_space<hbm>>
      %dma_start3A_70 = arith.constant 0 : i32
      %dma_start3A_71 = arith.constant 0 : i32
      %dma_start3A_72 = tpu.memref_slice %arg8[%dma_start3A_70, %dma_start3A_71] : memref<16x128xi32, #tpu.memory_space<vmem>> -> memref<8x128xi32, #tpu.memory_space<vmem>>
      %dma_start3A_73 = arith.constant 0 : i32
      %dma_start3A_74 = tpu.memref_slice %arg4[%add3A, %dma_start3A_73] : memref<2560x128xi32, #tpu.memory_space<hbm>> -> memref<8x128xi32, #tpu.memory_space<hbm>>
      tpu.enqueue_dma source(%dma_start3A_74 : memref<8x128xi32, #tpu.memory_space<hbm>>) target(%dma_start3A_72 : memref<8x128xi32, #tpu.memory_space<vmem>>) target_semaphore(%run_scoped3A : memref<!tpu.dma_semaphore, #tpu.memory_space<semaphore_mem>>)
      %dma_wait3A_75 = arith.constant 0 : i32
      %dma_wait3A_76 = arith.constant 0 : i32
      %dma_wait3A_77 = tpu.memref_slice %arg8[%dma_wait3A_75, %dma_wait3A_76] : memref<16x128xi32, #tpu.memory_space<vmem>> -> memref<8x128xi32, #tpu.memory_space<vmem>>
      %dma_wait3A_78 = arith.constant 0 : i32
      %dma_wait3A_79 = tpu.memref_slice %arg4[%add3A, %dma_wait3A_78] : memref<2560x128xi32, #tpu.memory_space<hbm>> -> memref<8x128xi32, #tpu.memory_space<hbm>>
      %dma_wait3A_80 = arith.constant 0 : i32
      %dma_wait3A_81 = arith.constant 0 : i32
      %dma_wait3A_82 = tpu.memref_slice %arg8[%dma_wait3A_80, %dma_wait3A_81] : memref<16x128xi32, #tpu.memory_space<vmem>> -> memref<8x128xi32, #tpu.memory_space<vmem>>
      %dma_wait3A_83 = arith.constant 0 : i32
      %dma_wait3A_84 = tpu.memref_slice %arg4[%add3A, %dma_wait3A_83] : memref<2560x128xi32, #tpu.memory_space<hbm>> -> memref<8x128xi32, #tpu.memory_space<hbm>>
      tpu.wait_dma2 semaphore(%run_scoped3A : memref<!tpu.dma_semaphore, #tpu.memory_space<semaphore_mem>>) src(%dma_wait3A_84 : memref<8x128xi32, #tpu.memory_space<hbm>>) dst(%dma_wait3A_82 : memref<8x128xi32, #tpu.memory_space<vmem>>)
      tpu.yield
    }) : () -> ()
    %dma_start3A = arith.constant 0 : i32
    %dma_start3A_11 = arith.constant 0 : i32
    %dma_start3A_12 = arith.constant 0 : i32
    %dma_start3A_13 = tpu.memref_slice %arg9[%dma_start3A_11, %dma_start3A_12] : memref<128x128xf32, #tpu.memory_space<vmem>> -> memref<32x128xf32, #tpu.memory_space<vmem>>
    %dma_start3A_14 = arith.constant 0 : i32
    %dma_start3A_15 = tpu.memref_slice %arg7[%dma_start3A, %dma_start3A_14] : memref<16x128xi32, #tpu.memory_space<vmem>> -> memref<1x32xi32, #tpu.memory_space<vmem>>
    %dma_start3A_16 = tpu.memref_squeeze %dma_start3A_15 : memref<1x32xi32, #tpu.memory_space<vmem>> -> memref<32xi32, #tpu.memory_space<vmem>>
    %dma_start3A_17 = arith.constant 0 : i32
    %dma_start3A_18 = arith.constant 0 : i32
    %dma_start3A_19 = tpu.memref_slice %arg2[%dma_start3A_17, %dma_start3A_18] : memref<20480x128xf32, #tpu.memory_space<hbm>> -> memref<20480x128xf32, #tpu.memory_space<hbm>>
    tpu.enqueue_indirect_dma source(%dma_start3A_19 : memref<20480x128xf32, #tpu.memory_space<hbm>>) target(%dma_start3A_13 : memref<32x128xf32, #tpu.memory_space<vmem>>) offsets(%dma_start3A_16 : memref<32xi32, #tpu.memory_space<vmem>>) semaphore(%arg11 : memref<!tpu.dma_semaphore, #tpu.memory_space<semaphore_mem>>)
    %dma_start3A_20 = arith.constant 0 : i32
    %dma_start3A_21 = arith.constant 32 : i32
    %dma_start3A_22 = arith.constant 0 : i32
    %dma_start3A_23 = tpu.memref_slice %arg9[%dma_start3A_21, %dma_start3A_22] : memref<128x128xf32, #tpu.memory_space<vmem>> -> memref<32x128xf32, #tpu.memory_space<vmem>>
    %dma_start3A_24 = arith.constant 32 : i32
    %dma_start3A_25 = tpu.memref_slice %arg7[%dma_start3A_20, %dma_start3A_24] : memref<16x128xi32, #tpu.memory_space<vmem>> -> memref<1x32xi32, #tpu.memory_space<vmem>>
    %dma_start3A_26 = tpu.memref_squeeze %dma_start3A_25 : memref<1x32xi32, #tpu.memory_space<vmem>> -> memref<32xi32, #tpu.memory_space<vmem>>
    %dma_start3A_27 = arith.constant 0 : i32
    %dma_start3A_28 = arith.constant 0 : i32
    %dma_start3A_29 = tpu.memref_slice %arg2[%dma_start3A_27, %dma_start3A_28] : memref<20480x128xf32, #tpu.memory_space<hbm>> -> memref<20480x128xf32, #tpu.memory_space<hbm>>
    tpu.enqueue_indirect_dma source(%dma_start3A_29 : memref<20480x128xf32, #tpu.memory_space<hbm>>) target(%dma_start3A_23 : memref<32x128xf32, #tpu.memory_space<vmem>>) offsets(%dma_start3A_26 : memref<32xi32, #tpu.memory_space<vmem>>) semaphore(%arg11 : memref<!tpu.dma_semaphore, #tpu.memory_space<semaphore_mem>>)
    %dma_start3A_30 = arith.constant 0 : i32
    %dma_start3A_31 = arith.constant 64 : i32
    %dma_start3A_32 = arith.constant 0 : i32
    %dma_start3A_33 = tpu.memref_slice %arg9[%dma_start3A_31, %dma_start3A_32] : memref<128x128xf32, #tpu.memory_space<vmem>> -> memref<32x128xf32, #tpu.memory_space<vmem>>
    %dma_start3A_34 = arith.constant 64 : i32
    %dma_start3A_35 = tpu.memref_slice %arg7[%dma_start3A_30, %dma_start3A_34] : memref<16x128xi32, #tpu.memory_space<vmem>> -> memref<1x32xi32, #tpu.memory_space<vmem>>
    %dma_start3A_36 = tpu.memref_squeeze %dma_start3A_35 : memref<1x32xi32, #tpu.memory_space<vmem>> -> memref<32xi32, #tpu.memory_space<vmem>>
    %dma_start3A_37 = arith.constant 0 : i32
    %dma_start3A_38 = arith.constant 0 : i32
    %dma_start3A_39 = tpu.memref_slice %arg2[%dma_start3A_37, %dma_start3A_38] : memref<20480x128xf32, #tpu.memory_space<hbm>> -> memref<20480x128xf32, #tpu.memory_space<hbm>>
    tpu.enqueue_indirect_dma source(%dma_start3A_39 : memref<20480x128xf32, #tpu.memory_space<hbm>>) target(%dma_start3A_33 : memref<32x128xf32, #tpu.memory_space<vmem>>) offsets(%dma_start3A_36 : memref<32xi32, #tpu.memory_space<vmem>>) semaphore(%arg11 : memref<!tpu.dma_semaphore, #tpu.memory_space<semaphore_mem>>)
    %dma_start3A_40 = arith.constant 0 : i32
    %dma_start3A_41 = arith.constant 96 : i32
    %dma_start3A_42 = arith.constant 0 : i32
    %dma_start3A_43 = tpu.memref_slice %arg9[%dma_start3A_41, %dma_start3A_42] : memref<128x128xf32, #tpu.memory_space<vmem>> -> memref<32x128xf32, #tpu.memory_space<vmem>>
    %dma_start3A_44 = arith.constant 96 : i32
    %dma_start3A_45 = tpu.memref_slice %arg7[%dma_start3A_40, %dma_start3A_44] : memref<16x128xi32, #tpu.memory_space<vmem>> -> memref<1x32xi32, #tpu.memory_space<vmem>>
    %dma_start3A_46 = tpu.memref_squeeze %dma_start3A_45 : memref<1x32xi32, #tpu.memory_space<vmem>> -> memref<32xi32, #tpu.memory_space<vmem>>
    %dma_start3A_47 = arith.constant 0 : i32
    %dma_start3A_48 = arith.constant 0 : i32
    %dma_start3A_49 = tpu.memref_slice %arg2[%dma_start3A_47, %dma_start3A_48] : memref<20480x128xf32, #tpu.memory_space<hbm>> -> memref<20480x128xf32, #tpu.memory_space<hbm>>
    tpu.enqueue_indirect_dma source(%dma_start3A_49 : memref<20480x128xf32, #tpu.memory_space<hbm>>) target(%dma_start3A_43 : memref<32x128xf32, #tpu.memory_space<vmem>>) offsets(%dma_start3A_46 : memref<32xi32, #tpu.memory_space<vmem>>) semaphore(%arg11 : memref<!tpu.dma_semaphore, #tpu.memory_space<semaphore_mem>>)
    %scan3A = arith.constant 0 : i32
    %scan3A_50 = arith.constant 0 : i32
    %scan3A_51 = arith.constant 10 : i32
    %scan3A_52 = arith.addi %scan3A_50, %scan3A_51 : i32
    %scan3A_53 = arith.constant 1 : i32
    scf.for %scan3A_65 = %scan3A_50 to %scan3A_52 step %scan3A_53  : i32 {
      %lt3A = arith.constant 9 : i32
      %lt3A_66 = arith.cmpi slt, %scan3A_65, %lt3A : i32
      %convert_element_type3A = arith.extui %lt3A_66 : i1 to i32
      %cond3A = arith.constant 0 : i32
      %cond3A_67 = arith.cmpi ne, %convert_element_type3A, %cond3A : i32
      scf.if %cond3A_67 {
        %add3A_538 = arith.constant 1 : i32
        %add3A_539 = arith.addi %scan3A_65, %add3A_538 : i32
        %jit3A_540 = arith.constant 2 : i32
        %eq3A_541 = arith.constant 0 : i32
        %eq3A_542 = arith.cmpi eq, %jit3A_540, %eq3A_541 : i32
        %jit3A_543 = arith.constant 1 : i32
        %select_n3A_544 = arith.select %eq3A_542, %jit3A_543, %jit3A_540 : i32
        %rem3A_545 = arith.remsi %add3A_539, %select_n3A_544 : i32
        %ne3A_546 = arith.constant 0 : i32
        %ne3A_547 = arith.cmpi ne, %rem3A_545, %ne3A_546 : i32
        %lt3A_548 = arith.constant 0 : i32
        %lt3A_549 = arith.cmpi slt, %rem3A_545, %lt3A_548 : i32
        %lt3A_550 = arith.constant 0 : i32
        %lt3A_551 = arith.cmpi slt, %select_n3A_544, %lt3A_550 : i32
        %ne3A_552 = arith.xori %lt3A_549, %lt3A_551 : i1
        %and3A_553 = arith.andi %ne3A_552, %ne3A_547 : i1
        %add3A_554 = arith.addi %rem3A_545, %select_n3A_544 : i32
        %select_n3A_555 = arith.select %and3A_553, %add3A_554, %rem3A_545 : i32
        %mul3A_556 = arith.constant 8 : i32
        %mul3A_557 = arith.muli %select_n3A_555, %mul3A_556 : i32
        %add3A_558 = arith.constant 1 : i32
        %add3A_559 = arith.addi %scan3A_65, %add3A_558 : i32
        %mul3A_560 = arith.constant 8 : i32
        %mul3A_561 = arith.muli %add3A_559, %mul3A_560 : i32
        %add3A_562 = arith.addi %add3A_10, %mul3A_561 : i32
        %dma_start3A_563 = arith.constant 0 : i32
        %dma_start3A_564 = tpu.memref_slice %arg7[%mul3A_557, %dma_start3A_563] : memref<16x128xi32, #tpu.memory_space<vmem>> -> memref<8x128xi32, #tpu.memory_space<vmem>>
        %dma_start3A_565 = arith.constant 0 : i32
        %dma_start3A_566 = tpu.memref_slice %arg3[%add3A_562, %dma_start3A_565] : memref<5120x128xi32, #tpu.memory_space<hbm>> -> memref<8x128xi32, #tpu.memory_space<hbm>>
        %dma_start3A_567 = arith.constant 0 : i32
        %dma_start3A_568 = tpu.memref_slice %arg7[%mul3A_557, %dma_start3A_567] : memref<16x128xi32, #tpu.memory_space<vmem>> -> memref<8x128xi32, #tpu.memory_space<vmem>>
        %dma_start3A_569 = arith.constant 0 : i32
        %dma_start3A_570 = tpu.memref_slice %arg3[%add3A_562, %dma_start3A_569] : memref<5120x128xi32, #tpu.memory_space<hbm>> -> memref<8x128xi32, #tpu.memory_space<hbm>>
        tpu.enqueue_dma source(%dma_start3A_570 : memref<8x128xi32, #tpu.memory_space<hbm>>) target(%dma_start3A_568 : memref<8x128xi32, #tpu.memory_space<vmem>>) target_semaphore(%arg15 : memref<!tpu.dma_semaphore, #tpu.memory_space<semaphore_mem>>)
        %add3A_571 = arith.constant 1 : i32
        %add3A_572 = arith.addi %scan3A_65, %add3A_571 : i32
        %mul3A_573 = arith.constant 8 : i32
        %mul3A_574 = arith.muli %add3A_572, %mul3A_573 : i32
        %add3A_575 = arith.addi %add3A, %mul3A_574 : i32
        %dma_start3A_576 = arith.constant 0 : i32
        %dma_start3A_577 = tpu.memref_slice %arg8[%mul3A_557, %dma_start3A_576] : memref<16x128xi32, #tpu.memory_space<vmem>> -> memref<8x128xi32, #tpu.memory_space<vmem>>
        %dma_start3A_578 = arith.constant 0 : i32
        %dma_start3A_579 = tpu.memref_slice %arg4[%add3A_575, %dma_start3A_578] : memref<2560x128xi32, #tpu.memory_space<hbm>> -> memref<8x128xi32, #tpu.memory_space<hbm>>
        %dma_start3A_580 = arith.constant 0 : i32
        %dma_start3A_581 = tpu.memref_slice %arg8[%mul3A_557, %dma_start3A_580] : memref<16x128xi32, #tpu.memory_space<vmem>> -> memref<8x128xi32, #tpu.memory_space<vmem>>
        %dma_start3A_582 = arith.constant 0 : i32
        %dma_start3A_583 = tpu.memref_slice %arg4[%add3A_575, %dma_start3A_582] : memref<2560x128xi32, #tpu.memory_space<hbm>> -> memref<8x128xi32, #tpu.memory_space<hbm>>
        tpu.enqueue_dma source(%dma_start3A_583 : memref<8x128xi32, #tpu.memory_space<hbm>>) target(%dma_start3A_581 : memref<8x128xi32, #tpu.memory_space<vmem>>) target_semaphore(%arg16 : memref<!tpu.dma_semaphore, #tpu.memory_space<semaphore_mem>>)
      } else {
      }
      %jit3A = arith.constant 2 : i32
      %eq3A = arith.constant 0 : i32
      %eq3A_68 = arith.cmpi eq, %jit3A, %eq3A : i32
      %jit3A_69 = arith.constant 1 : i32
      %select_n3A = arith.select %eq3A_68, %jit3A_69, %jit3A : i32
      %rem3A = arith.remsi %scan3A_65, %select_n3A : i32
      %ne3A = arith.constant 0 : i32
      %ne3A_70 = arith.cmpi ne, %rem3A, %ne3A : i32
      %lt3A_71 = arith.constant 0 : i32
      %lt3A_72 = arith.cmpi slt, %rem3A, %lt3A_71 : i32
      %lt3A_73 = arith.constant 0 : i32
      %lt3A_74 = arith.cmpi slt, %select_n3A, %lt3A_73 : i32
      %ne3A_75 = arith.xori %lt3A_72, %lt3A_74 : i1
      %and3A = arith.andi %ne3A_75, %ne3A_70 : i1
      %add3A_76 = arith.addi %rem3A, %select_n3A : i32
      %select_n3A_77 = arith.select %and3A, %add3A_76, %rem3A : i32
      %mul3A_78 = arith.constant 8 : i32
      %mul3A_79 = arith.muli %select_n3A_77, %mul3A_78 : i32
      %ge3A = arith.constant 1 : i32
      %ge3A_80 = arith.cmpi sge, %scan3A_65, %ge3A : i32
      %convert_element_type3A_81 = arith.extui %ge3A_80 : i1 to i32
      %cond3A_82 = arith.constant 0 : i32
      %cond3A_83 = arith.cmpi ne, %convert_element_type3A_81, %cond3A_82 : i32
      scf.if %cond3A_83 {
        %dma_wait3A_538 = arith.constant 0 : i32
        %dma_wait3A_539 = arith.constant 0 : i32
        %dma_wait3A_540 = tpu.memref_slice %arg8[%dma_wait3A_538, %dma_wait3A_539] : memref<16x128xi32, #tpu.memory_space<vmem>> -> memref<1x128xi32, #tpu.memory_space<vmem>>
        %dma_wait3A_541 = tpu.memref_squeeze %dma_wait3A_540 : memref<1x128xi32, #tpu.memory_space<vmem>> -> memref<128xi32, #tpu.memory_space<vmem>>
        %dma_wait3A_542 = arith.constant 0 : i32
        %dma_wait3A_543 = arith.constant 0 : i32
        %dma_wait3A_544 = tpu.memref_slice %arg6[%dma_wait3A_542, %dma_wait3A_543] : memref<10240x128xf32, #tpu.memory_space<vmem_shared>> -> memref<10240x128xf32, #tpu.memory_space<vmem_shared>>
        tpu.wait_indirect_dma semaphore(%arg14 : memref<!tpu.dma_semaphore, #tpu.memory_space<semaphore_mem>>) src(%arg10 : memref<128x128xf32, #tpu.memory_space<vmem>>) dst(%dma_wait3A_544 : memref<10240x128xf32, #tpu.memory_space<vmem_shared>>)
      } else {
      }
      %add3A_84 = arith.constant 0 : i32
      %add3A_85 = arith.addi %mul3A_79, %add3A_84 : i32
      %add3A_86 = arith.constant 1 : i32
      %add3A_87 = arith.addi %add3A_85, %add3A_86 : i32
      %dma_start3A_88 = arith.constant 0 : i32
      %dma_start3A_89 = arith.constant 0 : i32
      %dma_start3A_90 = tpu.memref_slice %arg10[%dma_start3A_88, %dma_start3A_89] : memref<128x128xf32, #tpu.memory_space<vmem>> -> memref<32x128xf32, #tpu.memory_space<vmem>>
      %dma_start3A_91 = arith.constant 0 : i32
      %dma_start3A_92 = tpu.memref_slice %arg7[%add3A_87, %dma_start3A_91] : memref<16x128xi32, #tpu.memory_space<vmem>> -> memref<1x32xi32, #tpu.memory_space<vmem>>
      %dma_start3A_93 = tpu.memref_squeeze %dma_start3A_92 : memref<1x32xi32, #tpu.memory_space<vmem>> -> memref<32xi32, #tpu.memory_space<vmem>>
      %dma_start3A_94 = arith.constant 0 : i32
      %dma_start3A_95 = arith.constant 0 : i32
      %dma_start3A_96 = tpu.memref_slice %arg2[%dma_start3A_94, %dma_start3A_95] : memref<20480x128xf32, #tpu.memory_space<hbm>> -> memref<20480x128xf32, #tpu.memory_space<hbm>>
      tpu.enqueue_indirect_dma source(%dma_start3A_96 : memref<20480x128xf32, #tpu.memory_space<hbm>>) target(%dma_start3A_90 : memref<32x128xf32, #tpu.memory_space<vmem>>) offsets(%dma_start3A_93 : memref<32xi32, #tpu.memory_space<vmem>>) semaphore(%arg12 : memref<!tpu.dma_semaphore, #tpu.memory_space<semaphore_mem>>)
      %dma_start3A_97 = arith.constant 32 : i32
      %dma_start3A_98 = arith.constant 0 : i32
      %dma_start3A_99 = tpu.memref_slice %arg10[%dma_start3A_97, %dma_start3A_98] : memref<128x128xf32, #tpu.memory_space<vmem>> -> memref<32x128xf32, #tpu.memory_space<vmem>>
      %dma_start3A_100 = arith.constant 32 : i32
      %dma_start3A_101 = tpu.memref_slice %arg7[%add3A_87, %dma_start3A_100] : memref<16x128xi32, #tpu.memory_space<vmem>> -> memref<1x32xi32, #tpu.memory_space<vmem>>
      %dma_start3A_102 = tpu.memref_squeeze %dma_start3A_101 : memref<1x32xi32, #tpu.memory_space<vmem>> -> memref<32xi32, #tpu.memory_space<vmem>>
      %dma_start3A_103 = arith.constant 0 : i32
      %dma_start3A_104 = arith.constant 0 : i32
      %dma_start3A_105 = tpu.memref_slice %arg2[%dma_start3A_103, %dma_start3A_104] : memref<20480x128xf32, #tpu.memory_space<hbm>> -> memref<20480x128xf32, #tpu.memory_space<hbm>>
      tpu.enqueue_indirect_dma source(%dma_start3A_105 : memref<20480x128xf32, #tpu.memory_space<hbm>>) target(%dma_start3A_99 : memref<32x128xf32, #tpu.memory_space<vmem>>) offsets(%dma_start3A_102 : memref<32xi32, #tpu.memory_space<vmem>>) semaphore(%arg12 : memref<!tpu.dma_semaphore, #tpu.memory_space<semaphore_mem>>)
      %dma_start3A_106 = arith.constant 64 : i32
      %dma_start3A_107 = arith.constant 0 : i32
      %dma_start3A_108 = tpu.memref_slice %arg10[%dma_start3A_106, %dma_start3A_107] : memref<128x128xf32, #tpu.memory_space<vmem>> -> memref<32x128xf32, #tpu.memory_space<vmem>>
      %dma_start3A_109 = arith.constant 64 : i32
      %dma_start3A_110 = tpu.memref_slice %arg7[%add3A_87, %dma_start3A_109] : memref<16x128xi32, #tpu.memory_space<vmem>> -> memref<1x32xi32, #tpu.memory_space<vmem>>
      %dma_start3A_111 = tpu.memref_squeeze %dma_start3A_110 : memref<1x32xi32, #tpu.memory_space<vmem>> -> memref<32xi32, #tpu.memory_space<vmem>>
      %dma_start3A_112 = arith.constant 0 : i32
      %dma_start3A_113 = arith.constant 0 : i32
      %dma_start3A_114 = tpu.memref_slice %arg2[%dma_start3A_112, %dma_start3A_113] : memref<20480x128xf32, #tpu.memory_space<hbm>> -> memref<20480x128xf32, #tpu.memory_space<hbm>>
      tpu.enqueue_indirect_dma source(%dma_start3A_114 : memref<20480x128xf32, #tpu.memory_space<hbm>>) target(%dma_start3A_108 : memref<32x128xf32, #tpu.memory_space<vmem>>) offsets(%dma_start3A_111 : memref<32xi32, #tpu.memory_space<vmem>>) semaphore(%arg12 : memref<!tpu.dma_semaphore, #tpu.memory_space<semaphore_mem>>)
      %dma_start3A_115 = arith.constant 96 : i32
      %dma_start3A_116 = arith.constant 0 : i32
      %dma_start3A_117 = tpu.memref_slice %arg10[%dma_start3A_115, %dma_start3A_116] : memref<128x128xf32, #tpu.memory_space<vmem>> -> memref<32x128xf32, #tpu.memory_space<vmem>>
      %dma_start3A_118 = arith.constant 96 : i32
      %dma_start3A_119 = tpu.memref_slice %arg7[%add3A_87, %dma_start3A_118] : memref<16x128xi32, #tpu.memory_space<vmem>> -> memref<1x32xi32, #tpu.memory_space<vmem>>
      %dma_start3A_120 = tpu.memref_squeeze %dma_start3A_119 : memref<1x32xi32, #tpu.memory_space<vmem>> -> memref<32xi32, #tpu.memory_space<vmem>>
      %dma_start3A_121 = arith.constant 0 : i32
      %dma_start3A_122 = arith.constant 0 : i32
      %dma_start3A_123 = tpu.memref_slice %arg2[%dma_start3A_121, %dma_start3A_122] : memref<20480x128xf32, #tpu.memory_space<hbm>> -> memref<20480x128xf32, #tpu.memory_space<hbm>>
      tpu.enqueue_indirect_dma source(%dma_start3A_123 : memref<20480x128xf32, #tpu.memory_space<hbm>>) target(%dma_start3A_117 : memref<32x128xf32, #tpu.memory_space<vmem>>) offsets(%dma_start3A_120 : memref<32xi32, #tpu.memory_space<vmem>>) semaphore(%arg12 : memref<!tpu.dma_semaphore, #tpu.memory_space<semaphore_mem>>)
      %dma_wait3A_124 = arith.constant 0 : i32
      %dma_wait3A_125 = arith.constant 0 : i32
      %dma_wait3A_126 = tpu.memref_slice %arg7[%dma_wait3A_124, %dma_wait3A_125] : memref<16x128xi32, #tpu.memory_space<vmem>> -> memref<1x128xi32, #tpu.memory_space<vmem>>
      %dma_wait3A_127 = tpu.memref_squeeze %dma_wait3A_126 : memref<1x128xi32, #tpu.memory_space<vmem>> -> memref<128xi32, #tpu.memory_space<vmem>>
      %dma_wait3A_128 = arith.constant 0 : i32
      %dma_wait3A_129 = arith.constant 0 : i32
      %dma_wait3A_130 = tpu.memref_slice %arg2[%dma_wait3A_128, %dma_wait3A_129] : memref<20480x128xf32, #tpu.memory_space<hbm>> -> memref<20480x128xf32, #tpu.memory_space<hbm>>
      tpu.wait_indirect_dma semaphore(%arg11 : memref<!tpu.dma_semaphore, #tpu.memory_space<semaphore_mem>>) src(%dma_wait3A_130 : memref<20480x128xf32, #tpu.memory_space<hbm>>) dst(%arg9 : memref<128x128xf32, #tpu.memory_space<vmem>>)
      %add3A_131 = arith.constant 0 : i32
      %add3A_132 = arith.addi %mul3A_79, %add3A_131 : i32
      %dma_start3A_133 = arith.constant 0 : i32
      %dma_start3A_134 = tpu.memref_slice %arg8[%add3A_132, %dma_start3A_133] : memref<16x128xi32, #tpu.memory_space<vmem>> -> memref<1x128xi32, #tpu.memory_space<vmem>>
      %dma_start3A_135 = tpu.memref_squeeze %dma_start3A_134 : memref<1x128xi32, #tpu.memory_space<vmem>> -> memref<128xi32, #tpu.memory_space<vmem>>
      %dma_start3A_136 = arith.constant 0 : i32
      %dma_start3A_137 = arith.constant 0 : i32
      %dma_start3A_138 = tpu.memref_slice %arg6[%dma_start3A_136, %dma_start3A_137] : memref<10240x128xf32, #tpu.memory_space<vmem_shared>> -> memref<10240x128xf32, #tpu.memory_space<vmem_shared>>
      tpu.enqueue_indirect_dma source(%arg9 : memref<128x128xf32, #tpu.memory_space<vmem>>) target(%dma_start3A_138 : memref<10240x128xf32, #tpu.memory_space<vmem_shared>>) offsets(%dma_start3A_135 : memref<128xi32, #tpu.memory_space<vmem>>) semaphore(%arg13 : memref<!tpu.dma_semaphore, #tpu.memory_space<semaphore_mem>>) {add = true}
      %dma_wait3A_139 = arith.constant 0 : i32
      %dma_wait3A_140 = arith.constant 0 : i32
      %dma_wait3A_141 = tpu.memref_slice %arg8[%dma_wait3A_139, %dma_wait3A_140] : memref<16x128xi32, #tpu.memory_space<vmem>> -> memref<1x128xi32, #tpu.memory_space<vmem>>
      %dma_wait3A_142 = tpu.memref_squeeze %dma_wait3A_141 : memref<1x128xi32, #tpu.memory_space<vmem>> -> memref<128xi32, #tpu.memory_space<vmem>>
      %dma_wait3A_143 = arith.constant 0 : i32
      %dma_wait3A_144 = arith.constant 0 : i32
      %dma_wait3A_145 = tpu.memref_slice %arg6[%dma_wait3A_143, %dma_wait3A_144] : memref<10240x128xf32, #tpu.memory_space<vmem_shared>> -> memref<10240x128xf32, #tpu.memory_space<vmem_shared>>
      tpu.wait_indirect_dma semaphore(%arg13 : memref<!tpu.dma_semaphore, #tpu.memory_space<semaphore_mem>>) src(%arg9 : memref<128x128xf32, #tpu.memory_space<vmem>>) dst(%dma_wait3A_145 : memref<10240x128xf32, #tpu.memory_space<vmem_shared>>)
      %add3A_146 = arith.constant 1 : i32
      %add3A_147 = arith.addi %mul3A_79, %add3A_146 : i32
      %add3A_148 = arith.constant 1 : i32
      %add3A_149 = arith.addi %add3A_147, %add3A_148 : i32
      %dma_start3A_150 = arith.constant 0 : i32
      %dma_start3A_151 = arith.constant 0 : i32
      %dma_start3A_152 = tpu.memref_slice %arg9[%dma_start3A_150, %dma_start3A_151] : memref<128x128xf32, #tpu.memory_space<vmem>> -> memref<32x128xf32, #tpu.memory_space<vmem>>
      %dma_start3A_153 = arith.constant 0 : i32
      %dma_start3A_154 = tpu.memref_slice %arg7[%add3A_149, %dma_start3A_153] : memref<16x128xi32, #tpu.memory_space<vmem>> -> memref<1x32xi32, #tpu.memory_space<vmem>>
      %dma_start3A_155 = tpu.memref_squeeze %dma_start3A_154 : memref<1x32xi32, #tpu.memory_space<vmem>> -> memref<32xi32, #tpu.memory_space<vmem>>
      %dma_start3A_156 = arith.constant 0 : i32
      %dma_start3A_157 = arith.constant 0 : i32
      %dma_start3A_158 = tpu.memref_slice %arg2[%dma_start3A_156, %dma_start3A_157] : memref<20480x128xf32, #tpu.memory_space<hbm>> -> memref<20480x128xf32, #tpu.memory_space<hbm>>
      tpu.enqueue_indirect_dma source(%dma_start3A_158 : memref<20480x128xf32, #tpu.memory_space<hbm>>) target(%dma_start3A_152 : memref<32x128xf32, #tpu.memory_space<vmem>>) offsets(%dma_start3A_155 : memref<32xi32, #tpu.memory_space<vmem>>) semaphore(%arg11 : memref<!tpu.dma_semaphore, #tpu.memory_space<semaphore_mem>>)
      %dma_start3A_159 = arith.constant 32 : i32
      %dma_start3A_160 = arith.constant 0 : i32
      %dma_start3A_161 = tpu.memref_slice %arg9[%dma_start3A_159, %dma_start3A_160] : memref<128x128xf32, #tpu.memory_space<vmem>> -> memref<32x128xf32, #tpu.memory_space<vmem>>
      %dma_start3A_162 = arith.constant 32 : i32
      %dma_start3A_163 = tpu.memref_slice %arg7[%add3A_149, %dma_start3A_162] : memref<16x128xi32, #tpu.memory_space<vmem>> -> memref<1x32xi32, #tpu.memory_space<vmem>>
      %dma_start3A_164 = tpu.memref_squeeze %dma_start3A_163 : memref<1x32xi32, #tpu.memory_space<vmem>> -> memref<32xi32, #tpu.memory_space<vmem>>
      %dma_start3A_165 = arith.constant 0 : i32
      %dma_start3A_166 = arith.constant 0 : i32
      %dma_start3A_167 = tpu.memref_slice %arg2[%dma_start3A_165, %dma_start3A_166] : memref<20480x128xf32, #tpu.memory_space<hbm>> -> memref<20480x128xf32, #tpu.memory_space<hbm>>
      tpu.enqueue_indirect_dma source(%dma_start3A_167 : memref<20480x128xf32, #tpu.memory_space<hbm>>) target(%dma_start3A_161 : memref<32x128xf32, #tpu.memory_space<vmem>>) offsets(%dma_start3A_164 : memref<32xi32, #tpu.memory_space<vmem>>) semaphore(%arg11 : memref<!tpu.dma_semaphore, #tpu.memory_space<semaphore_mem>>)
      %dma_start3A_168 = arith.constant 64 : i32
      %dma_start3A_169 = arith.constant 0 : i32
      %dma_start3A_170 = tpu.memref_slice %arg9[%dma_start3A_168, %dma_start3A_169] : memref<128x128xf32, #tpu.memory_space<vmem>> -> memref<32x128xf32, #tpu.memory_space<vmem>>
      %dma_start3A_171 = arith.constant 64 : i32
      %dma_start3A_172 = tpu.memref_slice %arg7[%add3A_149, %dma_start3A_171] : memref<16x128xi32, #tpu.memory_space<vmem>> -> memref<1x32xi32, #tpu.memory_space<vmem>>
      %dma_start3A_173 = tpu.memref_squeeze %dma_start3A_172 : memref<1x32xi32, #tpu.memory_space<vmem>> -> memref<32xi32, #tpu.memory_space<vmem>>
      %dma_start3A_174 = arith.constant 0 : i32
      %dma_start3A_175 = arith.constant 0 : i32
      %dma_start3A_176 = tpu.memref_slice %arg2[%dma_start3A_174, %dma_start3A_175] : memref<20480x128xf32, #tpu.memory_space<hbm>> -> memref<20480x128xf32, #tpu.memory_space<hbm>>
      tpu.enqueue_indirect_dma source(%dma_start3A_176 : memref<20480x128xf32, #tpu.memory_space<hbm>>) target(%dma_start3A_170 : memref<32x128xf32, #tpu.memory_space<vmem>>) offsets(%dma_start3A_173 : memref<32xi32, #tpu.memory_space<vmem>>) semaphore(%arg11 : memref<!tpu.dma_semaphore, #tpu.memory_space<semaphore_mem>>)
      %dma_start3A_177 = arith.constant 96 : i32
      %dma_start3A_178 = arith.constant 0 : i32
      %dma_start3A_179 = tpu.memref_slice %arg9[%dma_start3A_177, %dma_start3A_178] : memref<128x128xf32, #tpu.memory_space<vmem>> -> memref<32x128xf32, #tpu.memory_space<vmem>>
      %dma_start3A_180 = arith.constant 96 : i32
      %dma_start3A_181 = tpu.memref_slice %arg7[%add3A_149, %dma_start3A_180] : memref<16x128xi32, #tpu.memory_space<vmem>> -> memref<1x32xi32, #tpu.memory_space<vmem>>
      %dma_start3A_182 = tpu.memref_squeeze %dma_start3A_181 : memref<1x32xi32, #tpu.memory_space<vmem>> -> memref<32xi32, #tpu.memory_space<vmem>>
      %dma_start3A_183 = arith.constant 0 : i32
      %dma_start3A_184 = arith.constant 0 : i32
      %dma_start3A_185 = tpu.memref_slice %arg2[%dma_start3A_183, %dma_start3A_184] : memref<20480x128xf32, #tpu.memory_space<hbm>> -> memref<20480x128xf32, #tpu.memory_space<hbm>>
      tpu.enqueue_indirect_dma source(%dma_start3A_185 : memref<20480x128xf32, #tpu.memory_space<hbm>>) target(%dma_start3A_179 : memref<32x128xf32, #tpu.memory_space<vmem>>) offsets(%dma_start3A_182 : memref<32xi32, #tpu.memory_space<vmem>>) semaphore(%arg11 : memref<!tpu.dma_semaphore, #tpu.memory_space<semaphore_mem>>)
      %dma_wait3A_186 = arith.constant 0 : i32
      %dma_wait3A_187 = arith.constant 0 : i32
      %dma_wait3A_188 = tpu.memref_slice %arg7[%dma_wait3A_186, %dma_wait3A_187] : memref<16x128xi32, #tpu.memory_space<vmem>> -> memref<1x128xi32, #tpu.memory_space<vmem>>
      %dma_wait3A_189 = tpu.memref_squeeze %dma_wait3A_188 : memref<1x128xi32, #tpu.memory_space<vmem>> -> memref<128xi32, #tpu.memory_space<vmem>>
      %dma_wait3A_190 = arith.constant 0 : i32
      %dma_wait3A_191 = arith.constant 0 : i32
      %dma_wait3A_192 = tpu.memref_slice %arg2[%dma_wait3A_190, %dma_wait3A_191] : memref<20480x128xf32, #tpu.memory_space<hbm>> -> memref<20480x128xf32, #tpu.memory_space<hbm>>
      tpu.wait_indirect_dma semaphore(%arg12 : memref<!tpu.dma_semaphore, #tpu.memory_space<semaphore_mem>>) src(%dma_wait3A_192 : memref<20480x128xf32, #tpu.memory_space<hbm>>) dst(%arg10 : memref<128x128xf32, #tpu.memory_space<vmem>>)
      %add3A_193 = arith.constant 1 : i32
      %add3A_194 = arith.addi %mul3A_79, %add3A_193 : i32
      %dma_start3A_195 = arith.constant 0 : i32
      %dma_start3A_196 = tpu.memref_slice %arg8[%add3A_194, %dma_start3A_195] : memref<16x128xi32, #tpu.memory_space<vmem>> -> memref<1x128xi32, #tpu.memory_space<vmem>>
      %dma_start3A_197 = tpu.memref_squeeze %dma_start3A_196 : memref<1x128xi32, #tpu.memory_space<vmem>> -> memref<128xi32, #tpu.memory_space<vmem>>
      %dma_start3A_198 = arith.constant 0 : i32
      %dma_start3A_199 = arith.constant 0 : i32
      %dma_start3A_200 = tpu.memref_slice %arg6[%dma_start3A_198, %dma_start3A_199] : memref<10240x128xf32, #tpu.memory_space<vmem_shared>> -> memref<10240x128xf32, #tpu.memory_space<vmem_shared>>
      tpu.enqueue_indirect_dma source(%arg10 : memref<128x128xf32, #tpu.memory_space<vmem>>) target(%dma_start3A_200 : memref<10240x128xf32, #tpu.memory_space<vmem_shared>>) offsets(%dma_start3A_197 : memref<128xi32, #tpu.memory_space<vmem>>) semaphore(%arg14 : memref<!tpu.dma_semaphore, #tpu.memory_space<semaphore_mem>>) {add = true}
      %dma_wait3A_201 = arith.constant 0 : i32
      %dma_wait3A_202 = arith.constant 0 : i32
      %dma_wait3A_203 = tpu.memref_slice %arg8[%dma_wait3A_201, %dma_wait3A_202] : memref<16x128xi32, #tpu.memory_space<vmem>> -> memref<1x128xi32, #tpu.memory_space<vmem>>
      %dma_wait3A_204 = tpu.memref_squeeze %dma_wait3A_203 : memref<1x128xi32, #tpu.memory_space<vmem>> -> memref<128xi32, #tpu.memory_space<vmem>>
      %dma_wait3A_205 = arith.constant 0 : i32
      %dma_wait3A_206 = arith.constant 0 : i32
      %dma_wait3A_207 = tpu.memref_slice %arg6[%dma_wait3A_205, %dma_wait3A_206] : memref<10240x128xf32, #tpu.memory_space<vmem_shared>> -> memref<10240x128xf32, #tpu.memory_space<vmem_shared>>
      tpu.wait_indirect_dma semaphore(%arg14 : memref<!tpu.dma_semaphore, #tpu.memory_space<semaphore_mem>>) src(%arg10 : memref<128x128xf32, #tpu.memory_space<vmem>>) dst(%dma_wait3A_207 : memref<10240x128xf32, #tpu.memory_space<vmem_shared>>)
      %add3A_208 = arith.constant 2 : i32
      %add3A_209 = arith.addi %mul3A_79, %add3A_208 : i32
      %add3A_210 = arith.constant 1 : i32
      %add3A_211 = arith.addi %add3A_209, %add3A_210 : i32
      %dma_start3A_212 = arith.constant 0 : i32
      %dma_start3A_213 = arith.constant 0 : i32
      %dma_start3A_214 = tpu.memref_slice %arg10[%dma_start3A_212, %dma_start3A_213] : memref<128x128xf32, #tpu.memory_space<vmem>> -> memref<32x128xf32, #tpu.memory_space<vmem>>
      %dma_start3A_215 = arith.constant 0 : i32
      %dma_start3A_216 = tpu.memref_slice %arg7[%add3A_211, %dma_start3A_215] : memref<16x128xi32, #tpu.memory_space<vmem>> -> memref<1x32xi32, #tpu.memory_space<vmem>>
      %dma_start3A_217 = tpu.memref_squeeze %dma_start3A_216 : memref<1x32xi32, #tpu.memory_space<vmem>> -> memref<32xi32, #tpu.memory_space<vmem>>
      %dma_start3A_218 = arith.constant 0 : i32
      %dma_start3A_219 = arith.constant 0 : i32
      %dma_start3A_220 = tpu.memref_slice %arg2[%dma_start3A_218, %dma_start3A_219] : memref<20480x128xf32, #tpu.memory_space<hbm>> -> memref<20480x128xf32, #tpu.memory_space<hbm>>
      tpu.enqueue_indirect_dma source(%dma_start3A_220 : memref<20480x128xf32, #tpu.memory_space<hbm>>) target(%dma_start3A_214 : memref<32x128xf32, #tpu.memory_space<vmem>>) offsets(%dma_start3A_217 : memref<32xi32, #tpu.memory_space<vmem>>) semaphore(%arg12 : memref<!tpu.dma_semaphore, #tpu.memory_space<semaphore_mem>>)
      %dma_start3A_221 = arith.constant 32 : i32
      %dma_start3A_222 = arith.constant 0 : i32
      %dma_start3A_223 = tpu.memref_slice %arg10[%dma_start3A_221, %dma_start3A_222] : memref<128x128xf32, #tpu.memory_space<vmem>> -> memref<32x128xf32, #tpu.memory_space<vmem>>
      %dma_start3A_224 = arith.constant 32 : i32
      %dma_start3A_225 = tpu.memref_slice %arg7[%add3A_211, %dma_start3A_224] : memref<16x128xi32, #tpu.memory_space<vmem>> -> memref<1x32xi32, #tpu.memory_space<vmem>>
      %dma_start3A_226 = tpu.memref_squeeze %dma_start3A_225 : memref<1x32xi32, #tpu.memory_space<vmem>> -> memref<32xi32, #tpu.memory_space<vmem>>
      %dma_start3A_227 = arith.constant 0 : i32
      %dma_start3A_228 = arith.constant 0 : i32
      %dma_start3A_229 = tpu.memref_slice %arg2[%dma_start3A_227, %dma_start3A_228] : memref<20480x128xf32, #tpu.memory_space<hbm>> -> memref<20480x128xf32, #tpu.memory_space<hbm>>
      tpu.enqueue_indirect_dma source(%dma_start3A_229 : memref<20480x128xf32, #tpu.memory_space<hbm>>) target(%dma_start3A_223 : memref<32x128xf32, #tpu.memory_space<vmem>>) offsets(%dma_start3A_226 : memref<32xi32, #tpu.memory_space<vmem>>) semaphore(%arg12 : memref<!tpu.dma_semaphore, #tpu.memory_space<semaphore_mem>>)
      %dma_start3A_230 = arith.constant 64 : i32
      %dma_start3A_231 = arith.constant 0 : i32
      %dma_start3A_232 = tpu.memref_slice %arg10[%dma_start3A_230, %dma_start3A_231] : memref<128x128xf32, #tpu.memory_space<vmem>> -> memref<32x128xf32, #tpu.memory_space<vmem>>
      %dma_start3A_233 = arith.constant 64 : i32
      %dma_start3A_234 = tpu.memref_slice %arg7[%add3A_211, %dma_start3A_233] : memref<16x128xi32, #tpu.memory_space<vmem>> -> memref<1x32xi32, #tpu.memory_space<vmem>>
      %dma_start3A_235 = tpu.memref_squeeze %dma_start3A_234 : memref<1x32xi32, #tpu.memory_space<vmem>> -> memref<32xi32, #tpu.memory_space<vmem>>
      %dma_start3A_236 = arith.constant 0 : i32
      %dma_start3A_237 = arith.constant 0 : i32
      %dma_start3A_238 = tpu.memref_slice %arg2[%dma_start3A_236, %dma_start3A_237] : memref<20480x128xf32, #tpu.memory_space<hbm>> -> memref<20480x128xf32, #tpu.memory_space<hbm>>
      tpu.enqueue_indirect_dma source(%dma_start3A_238 : memref<20480x128xf32, #tpu.memory_space<hbm>>) target(%dma_start3A_232 : memref<32x128xf32, #tpu.memory_space<vmem>>) offsets(%dma_start3A_235 : memref<32xi32, #tpu.memory_space<vmem>>) semaphore(%arg12 : memref<!tpu.dma_semaphore, #tpu.memory_space<semaphore_mem>>)
      %dma_start3A_239 = arith.constant 96 : i32
      %dma_start3A_240 = arith.constant 0 : i32
      %dma_start3A_241 = tpu.memref_slice %arg10[%dma_start3A_239, %dma_start3A_240] : memref<128x128xf32, #tpu.memory_space<vmem>> -> memref<32x128xf32, #tpu.memory_space<vmem>>
      %dma_start3A_242 = arith.constant 96 : i32
      %dma_start3A_243 = tpu.memref_slice %arg7[%add3A_211, %dma_start3A_242] : memref<16x128xi32, #tpu.memory_space<vmem>> -> memref<1x32xi32, #tpu.memory_space<vmem>>
      %dma_start3A_244 = tpu.memref_squeeze %dma_start3A_243 : memref<1x32xi32, #tpu.memory_space<vmem>> -> memref<32xi32, #tpu.memory_space<vmem>>
      %dma_start3A_245 = arith.constant 0 : i32
      %dma_start3A_246 = arith.constant 0 : i32
      %dma_start3A_247 = tpu.memref_slice %arg2[%dma_start3A_245, %dma_start3A_246] : memref<20480x128xf32, #tpu.memory_space<hbm>> -> memref<20480x128xf32, #tpu.memory_space<hbm>>
      tpu.enqueue_indirect_dma source(%dma_start3A_247 : memref<20480x128xf32, #tpu.memory_space<hbm>>) target(%dma_start3A_241 : memref<32x128xf32, #tpu.memory_space<vmem>>) offsets(%dma_start3A_244 : memref<32xi32, #tpu.memory_space<vmem>>) semaphore(%arg12 : memref<!tpu.dma_semaphore, #tpu.memory_space<semaphore_mem>>)
      %dma_wait3A_248 = arith.constant 0 : i32
      %dma_wait3A_249 = arith.constant 0 : i32
      %dma_wait3A_250 = tpu.memref_slice %arg7[%dma_wait3A_248, %dma_wait3A_249] : memref<16x128xi32, #tpu.memory_space<vmem>> -> memref<1x128xi32, #tpu.memory_space<vmem>>
      %dma_wait3A_251 = tpu.memref_squeeze %dma_wait3A_250 : memref<1x128xi32, #tpu.memory_space<vmem>> -> memref<128xi32, #tpu.memory_space<vmem>>
      %dma_wait3A_252 = arith.constant 0 : i32
      %dma_wait3A_253 = arith.constant 0 : i32
      %dma_wait3A_254 = tpu.memref_slice %arg2[%dma_wait3A_252, %dma_wait3A_253] : memref<20480x128xf32, #tpu.memory_space<hbm>> -> memref<20480x128xf32, #tpu.memory_space<hbm>>
      tpu.wait_indirect_dma semaphore(%arg11 : memref<!tpu.dma_semaphore, #tpu.memory_space<semaphore_mem>>) src(%dma_wait3A_254 : memref<20480x128xf32, #tpu.memory_space<hbm>>) dst(%arg9 : memref<128x128xf32, #tpu.memory_space<vmem>>)
      %add3A_255 = arith.constant 2 : i32
      %add3A_256 = arith.addi %mul3A_79, %add3A_255 : i32
      %dma_start3A_257 = arith.constant 0 : i32
      %dma_start3A_258 = tpu.memref_slice %arg8[%add3A_256, %dma_start3A_257] : memref<16x128xi32, #tpu.memory_space<vmem>> -> memref<1x128xi32, #tpu.memory_space<vmem>>
      %dma_start3A_259 = tpu.memref_squeeze %dma_start3A_258 : memref<1x128xi32, #tpu.memory_space<vmem>> -> memref<128xi32, #tpu.memory_space<vmem>>
      %dma_start3A_260 = arith.constant 0 : i32
      %dma_start3A_261 = arith.constant 0 : i32
      %dma_start3A_262 = tpu.memref_slice %arg6[%dma_start3A_260, %dma_start3A_261] : memref<10240x128xf32, #tpu.memory_space<vmem_shared>> -> memref<10240x128xf32, #tpu.memory_space<vmem_shared>>
      tpu.enqueue_indirect_dma source(%arg9 : memref<128x128xf32, #tpu.memory_space<vmem>>) target(%dma_start3A_262 : memref<10240x128xf32, #tpu.memory_space<vmem_shared>>) offsets(%dma_start3A_259 : memref<128xi32, #tpu.memory_space<vmem>>) semaphore(%arg13 : memref<!tpu.dma_semaphore, #tpu.memory_space<semaphore_mem>>) {add = true}
      %dma_wait3A_263 = arith.constant 0 : i32
      %dma_wait3A_264 = arith.constant 0 : i32
      %dma_wait3A_265 = tpu.memref_slice %arg8[%dma_wait3A_263, %dma_wait3A_264] : memref<16x128xi32, #tpu.memory_space<vmem>> -> memref<1x128xi32, #tpu.memory_space<vmem>>
      %dma_wait3A_266 = tpu.memref_squeeze %dma_wait3A_265 : memref<1x128xi32, #tpu.memory_space<vmem>> -> memref<128xi32, #tpu.memory_space<vmem>>
      %dma_wait3A_267 = arith.constant 0 : i32
      %dma_wait3A_268 = arith.constant 0 : i32
      %dma_wait3A_269 = tpu.memref_slice %arg6[%dma_wait3A_267, %dma_wait3A_268] : memref<10240x128xf32, #tpu.memory_space<vmem_shared>> -> memref<10240x128xf32, #tpu.memory_space<vmem_shared>>
      tpu.wait_indirect_dma semaphore(%arg13 : memref<!tpu.dma_semaphore, #tpu.memory_space<semaphore_mem>>) src(%arg9 : memref<128x128xf32, #tpu.memory_space<vmem>>) dst(%dma_wait3A_269 : memref<10240x128xf32, #tpu.memory_space<vmem_shared>>)
      %add3A_270 = arith.constant 3 : i32
      %add3A_271 = arith.addi %mul3A_79, %add3A_270 : i32
      %add3A_272 = arith.constant 1 : i32
      %add3A_273 = arith.addi %add3A_271, %add3A_272 : i32
      %dma_start3A_274 = arith.constant 0 : i32
      %dma_start3A_275 = arith.constant 0 : i32
      %dma_start3A_276 = tpu.memref_slice %arg9[%dma_start3A_274, %dma_start3A_275] : memref<128x128xf32, #tpu.memory_space<vmem>> -> memref<32x128xf32, #tpu.memory_space<vmem>>
      %dma_start3A_277 = arith.constant 0 : i32
      %dma_start3A_278 = tpu.memref_slice %arg7[%add3A_273, %dma_start3A_277] : memref<16x128xi32, #tpu.memory_space<vmem>> -> memref<1x32xi32, #tpu.memory_space<vmem>>
      %dma_start3A_279 = tpu.memref_squeeze %dma_start3A_278 : memref<1x32xi32, #tpu.memory_space<vmem>> -> memref<32xi32, #tpu.memory_space<vmem>>
      %dma_start3A_280 = arith.constant 0 : i32
      %dma_start3A_281 = arith.constant 0 : i32
      %dma_start3A_282 = tpu.memref_slice %arg2[%dma_start3A_280, %dma_start3A_281] : memref<20480x128xf32, #tpu.memory_space<hbm>> -> memref<20480x128xf32, #tpu.memory_space<hbm>>
      tpu.enqueue_indirect_dma source(%dma_start3A_282 : memref<20480x128xf32, #tpu.memory_space<hbm>>) target(%dma_start3A_276 : memref<32x128xf32, #tpu.memory_space<vmem>>) offsets(%dma_start3A_279 : memref<32xi32, #tpu.memory_space<vmem>>) semaphore(%arg11 : memref<!tpu.dma_semaphore, #tpu.memory_space<semaphore_mem>>)
      %dma_start3A_283 = arith.constant 32 : i32
      %dma_start3A_284 = arith.constant 0 : i32
      %dma_start3A_285 = tpu.memref_slice %arg9[%dma_start3A_283, %dma_start3A_284] : memref<128x128xf32, #tpu.memory_space<vmem>> -> memref<32x128xf32, #tpu.memory_space<vmem>>
      %dma_start3A_286 = arith.constant 32 : i32
      %dma_start3A_287 = tpu.memref_slice %arg7[%add3A_273, %dma_start3A_286] : memref<16x128xi32, #tpu.memory_space<vmem>> -> memref<1x32xi32, #tpu.memory_space<vmem>>
      %dma_start3A_288 = tpu.memref_squeeze %dma_start3A_287 : memref<1x32xi32, #tpu.memory_space<vmem>> -> memref<32xi32, #tpu.memory_space<vmem>>
      %dma_start3A_289 = arith.constant 0 : i32
      %dma_start3A_290 = arith.constant 0 : i32
      %dma_start3A_291 = tpu.memref_slice %arg2[%dma_start3A_289, %dma_start3A_290] : memref<20480x128xf32, #tpu.memory_space<hbm>> -> memref<20480x128xf32, #tpu.memory_space<hbm>>
      tpu.enqueue_indirect_dma source(%dma_start3A_291 : memref<20480x128xf32, #tpu.memory_space<hbm>>) target(%dma_start3A_285 : memref<32x128xf32, #tpu.memory_space<vmem>>) offsets(%dma_start3A_288 : memref<32xi32, #tpu.memory_space<vmem>>) semaphore(%arg11 : memref<!tpu.dma_semaphore, #tpu.memory_space<semaphore_mem>>)
      %dma_start3A_292 = arith.constant 64 : i32
      %dma_start3A_293 = arith.constant 0 : i32
      %dma_start3A_294 = tpu.memref_slice %arg9[%dma_start3A_292, %dma_start3A_293] : memref<128x128xf32, #tpu.memory_space<vmem>> -> memref<32x128xf32, #tpu.memory_space<vmem>>
      %dma_start3A_295 = arith.constant 64 : i32
      %dma_start3A_296 = tpu.memref_slice %arg7[%add3A_273, %dma_start3A_295] : memref<16x128xi32, #tpu.memory_space<vmem>> -> memref<1x32xi32, #tpu.memory_space<vmem>>
      %dma_start3A_297 = tpu.memref_squeeze %dma_start3A_296 : memref<1x32xi32, #tpu.memory_space<vmem>> -> memref<32xi32, #tpu.memory_space<vmem>>
      %dma_start3A_298 = arith.constant 0 : i32
      %dma_start3A_299 = arith.constant 0 : i32
      %dma_start3A_300 = tpu.memref_slice %arg2[%dma_start3A_298, %dma_start3A_299] : memref<20480x128xf32, #tpu.memory_space<hbm>> -> memref<20480x128xf32, #tpu.memory_space<hbm>>
      tpu.enqueue_indirect_dma source(%dma_start3A_300 : memref<20480x128xf32, #tpu.memory_space<hbm>>) target(%dma_start3A_294 : memref<32x128xf32, #tpu.memory_space<vmem>>) offsets(%dma_start3A_297 : memref<32xi32, #tpu.memory_space<vmem>>) semaphore(%arg11 : memref<!tpu.dma_semaphore, #tpu.memory_space<semaphore_mem>>)
      %dma_start3A_301 = arith.constant 96 : i32
      %dma_start3A_302 = arith.constant 0 : i32
      %dma_start3A_303 = tpu.memref_slice %arg9[%dma_start3A_301, %dma_start3A_302] : memref<128x128xf32, #tpu.memory_space<vmem>> -> memref<32x128xf32, #tpu.memory_space<vmem>>
      %dma_start3A_304 = arith.constant 96 : i32
      %dma_start3A_305 = tpu.memref_slice %arg7[%add3A_273, %dma_start3A_304] : memref<16x128xi32, #tpu.memory_space<vmem>> -> memref<1x32xi32, #tpu.memory_space<vmem>>
      %dma_start3A_306 = tpu.memref_squeeze %dma_start3A_305 : memref<1x32xi32, #tpu.memory_space<vmem>> -> memref<32xi32, #tpu.memory_space<vmem>>
      %dma_start3A_307 = arith.constant 0 : i32
      %dma_start3A_308 = arith.constant 0 : i32
      %dma_start3A_309 = tpu.memref_slice %arg2[%dma_start3A_307, %dma_start3A_308] : memref<20480x128xf32, #tpu.memory_space<hbm>> -> memref<20480x128xf32, #tpu.memory_space<hbm>>
      tpu.enqueue_indirect_dma source(%dma_start3A_309 : memref<20480x128xf32, #tpu.memory_space<hbm>>) target(%dma_start3A_303 : memref<32x128xf32, #tpu.memory_space<vmem>>) offsets(%dma_start3A_306 : memref<32xi32, #tpu.memory_space<vmem>>) semaphore(%arg11 : memref<!tpu.dma_semaphore, #tpu.memory_space<semaphore_mem>>)
      %dma_wait3A_310 = arith.constant 0 : i32
      %dma_wait3A_311 = arith.constant 0 : i32
      %dma_wait3A_312 = tpu.memref_slice %arg7[%dma_wait3A_310, %dma_wait3A_311] : memref<16x128xi32, #tpu.memory_space<vmem>> -> memref<1x128xi32, #tpu.memory_space<vmem>>
      %dma_wait3A_313 = tpu.memref_squeeze %dma_wait3A_312 : memref<1x128xi32, #tpu.memory_space<vmem>> -> memref<128xi32, #tpu.memory_space<vmem>>
      %dma_wait3A_314 = arith.constant 0 : i32
      %dma_wait3A_315 = arith.constant 0 : i32
      %dma_wait3A_316 = tpu.memref_slice %arg2[%dma_wait3A_314, %dma_wait3A_315] : memref<20480x128xf32, #tpu.memory_space<hbm>> -> memref<20480x128xf32, #tpu.memory_space<hbm>>
      tpu.wait_indirect_dma semaphore(%arg12 : memref<!tpu.dma_semaphore, #tpu.memory_space<semaphore_mem>>) src(%dma_wait3A_316 : memref<20480x128xf32, #tpu.memory_space<hbm>>) dst(%arg10 : memref<128x128xf32, #tpu.memory_space<vmem>>)
      %add3A_317 = arith.constant 3 : i32
      %add3A_318 = arith.addi %mul3A_79, %add3A_317 : i32
      %dma_start3A_319 = arith.constant 0 : i32
      %dma_start3A_320 = tpu.memref_slice %arg8[%add3A_318, %dma_start3A_319] : memref<16x128xi32, #tpu.memory_space<vmem>> -> memref<1x128xi32, #tpu.memory_space<vmem>>
      %dma_start3A_321 = tpu.memref_squeeze %dma_start3A_320 : memref<1x128xi32, #tpu.memory_space<vmem>> -> memref<128xi32, #tpu.memory_space<vmem>>
      %dma_start3A_322 = arith.constant 0 : i32
      %dma_start3A_323 = arith.constant 0 : i32
      %dma_start3A_324 = tpu.memref_slice %arg6[%dma_start3A_322, %dma_start3A_323] : memref<10240x128xf32, #tpu.memory_space<vmem_shared>> -> memref<10240x128xf32, #tpu.memory_space<vmem_shared>>
      tpu.enqueue_indirect_dma source(%arg10 : memref<128x128xf32, #tpu.memory_space<vmem>>) target(%dma_start3A_324 : memref<10240x128xf32, #tpu.memory_space<vmem_shared>>) offsets(%dma_start3A_321 : memref<128xi32, #tpu.memory_space<vmem>>) semaphore(%arg14 : memref<!tpu.dma_semaphore, #tpu.memory_space<semaphore_mem>>) {add = true}
      %dma_wait3A_325 = arith.constant 0 : i32
      %dma_wait3A_326 = arith.constant 0 : i32
      %dma_wait3A_327 = tpu.memref_slice %arg8[%dma_wait3A_325, %dma_wait3A_326] : memref<16x128xi32, #tpu.memory_space<vmem>> -> memref<1x128xi32, #tpu.memory_space<vmem>>
      %dma_wait3A_328 = tpu.memref_squeeze %dma_wait3A_327 : memref<1x128xi32, #tpu.memory_space<vmem>> -> memref<128xi32, #tpu.memory_space<vmem>>
      %dma_wait3A_329 = arith.constant 0 : i32
      %dma_wait3A_330 = arith.constant 0 : i32
      %dma_wait3A_331 = tpu.memref_slice %arg6[%dma_wait3A_329, %dma_wait3A_330] : memref<10240x128xf32, #tpu.memory_space<vmem_shared>> -> memref<10240x128xf32, #tpu.memory_space<vmem_shared>>
      tpu.wait_indirect_dma semaphore(%arg14 : memref<!tpu.dma_semaphore, #tpu.memory_space<semaphore_mem>>) src(%arg10 : memref<128x128xf32, #tpu.memory_space<vmem>>) dst(%dma_wait3A_331 : memref<10240x128xf32, #tpu.memory_space<vmem_shared>>)
      %add3A_332 = arith.constant 4 : i32
      %add3A_333 = arith.addi %mul3A_79, %add3A_332 : i32
      %add3A_334 = arith.constant 1 : i32
      %add3A_335 = arith.addi %add3A_333, %add3A_334 : i32
      %dma_start3A_336 = arith.constant 0 : i32
      %dma_start3A_337 = arith.constant 0 : i32
      %dma_start3A_338 = tpu.memref_slice %arg10[%dma_start3A_336, %dma_start3A_337] : memref<128x128xf32, #tpu.memory_space<vmem>> -> memref<32x128xf32, #tpu.memory_space<vmem>>
      %dma_start3A_339 = arith.constant 0 : i32
      %dma_start3A_340 = tpu.memref_slice %arg7[%add3A_335, %dma_start3A_339] : memref<16x128xi32, #tpu.memory_space<vmem>> -> memref<1x32xi32, #tpu.memory_space<vmem>>
      %dma_start3A_341 = tpu.memref_squeeze %dma_start3A_340 : memref<1x32xi32, #tpu.memory_space<vmem>> -> memref<32xi32, #tpu.memory_space<vmem>>
      %dma_start3A_342 = arith.constant 0 : i32
      %dma_start3A_343 = arith.constant 0 : i32
      %dma_start3A_344 = tpu.memref_slice %arg2[%dma_start3A_342, %dma_start3A_343] : memref<20480x128xf32, #tpu.memory_space<hbm>> -> memref<20480x128xf32, #tpu.memory_space<hbm>>
      tpu.enqueue_indirect_dma source(%dma_start3A_344 : memref<20480x128xf32, #tpu.memory_space<hbm>>) target(%dma_start3A_338 : memref<32x128xf32, #tpu.memory_space<vmem>>) offsets(%dma_start3A_341 : memref<32xi32, #tpu.memory_space<vmem>>) semaphore(%arg12 : memref<!tpu.dma_semaphore, #tpu.memory_space<semaphore_mem>>)
      %dma_start3A_345 = arith.constant 32 : i32
      %dma_start3A_346 = arith.constant 0 : i32
      %dma_start3A_347 = tpu.memref_slice %arg10[%dma_start3A_345, %dma_start3A_346] : memref<128x128xf32, #tpu.memory_space<vmem>> -> memref<32x128xf32, #tpu.memory_space<vmem>>
      %dma_start3A_348 = arith.constant 32 : i32
      %dma_start3A_349 = tpu.memref_slice %arg7[%add3A_335, %dma_start3A_348] : memref<16x128xi32, #tpu.memory_space<vmem>> -> memref<1x32xi32, #tpu.memory_space<vmem>>
      %dma_start3A_350 = tpu.memref_squeeze %dma_start3A_349 : memref<1x32xi32, #tpu.memory_space<vmem>> -> memref<32xi32, #tpu.memory_space<vmem>>
      %dma_start3A_351 = arith.constant 0 : i32
      %dma_start3A_352 = arith.constant 0 : i32
      %dma_start3A_353 = tpu.memref_slice %arg2[%dma_start3A_351, %dma_start3A_352] : memref<20480x128xf32, #tpu.memory_space<hbm>> -> memref<20480x128xf32, #tpu.memory_space<hbm>>
      tpu.enqueue_indirect_dma source(%dma_start3A_353 : memref<20480x128xf32, #tpu.memory_space<hbm>>) target(%dma_start3A_347 : memref<32x128xf32, #tpu.memory_space<vmem>>) offsets(%dma_start3A_350 : memref<32xi32, #tpu.memory_space<vmem>>) semaphore(%arg12 : memref<!tpu.dma_semaphore, #tpu.memory_space<semaphore_mem>>)
      %dma_start3A_354 = arith.constant 64 : i32
      %dma_start3A_355 = arith.constant 0 : i32
      %dma_start3A_356 = tpu.memref_slice %arg10[%dma_start3A_354, %dma_start3A_355] : memref<128x128xf32, #tpu.memory_space<vmem>> -> memref<32x128xf32, #tpu.memory_space<vmem>>
      %dma_start3A_357 = arith.constant 64 : i32
      %dma_start3A_358 = tpu.memref_slice %arg7[%add3A_335, %dma_start3A_357] : memref<16x128xi32, #tpu.memory_space<vmem>> -> memref<1x32xi32, #tpu.memory_space<vmem>>
      %dma_start3A_359 = tpu.memref_squeeze %dma_start3A_358 : memref<1x32xi32, #tpu.memory_space<vmem>> -> memref<32xi32, #tpu.memory_space<vmem>>
      %dma_start3A_360 = arith.constant 0 : i32
      %dma_start3A_361 = arith.constant 0 : i32
      %dma_start3A_362 = tpu.memref_slice %arg2[%dma_start3A_360, %dma_start3A_361] : memref<20480x128xf32, #tpu.memory_space<hbm>> -> memref<20480x128xf32, #tpu.memory_space<hbm>>
      tpu.enqueue_indirect_dma source(%dma_start3A_362 : memref<20480x128xf32, #tpu.memory_space<hbm>>) target(%dma_start3A_356 : memref<32x128xf32, #tpu.memory_space<vmem>>) offsets(%dma_start3A_359 : memref<32xi32, #tpu.memory_space<vmem>>) semaphore(%arg12 : memref<!tpu.dma_semaphore, #tpu.memory_space<semaphore_mem>>)
      %dma_start3A_363 = arith.constant 96 : i32
      %dma_start3A_364 = arith.constant 0 : i32
      %dma_start3A_365 = tpu.memref_slice %arg10[%dma_start3A_363, %dma_start3A_364] : memref<128x128xf32, #tpu.memory_space<vmem>> -> memref<32x128xf32, #tpu.memory_space<vmem>>
      %dma_start3A_366 = arith.constant 96 : i32
      %dma_start3A_367 = tpu.memref_slice %arg7[%add3A_335, %dma_start3A_366] : memref<16x128xi32, #tpu.memory_space<vmem>> -> memref<1x32xi32, #tpu.memory_space<vmem>>
      %dma_start3A_368 = tpu.memref_squeeze %dma_start3A_367 : memref<1x32xi32, #tpu.memory_space<vmem>> -> memref<32xi32, #tpu.memory_space<vmem>>
      %dma_start3A_369 = arith.constant 0 : i32
      %dma_start3A_370 = arith.constant 0 : i32
      %dma_start3A_371 = tpu.memref_slice %arg2[%dma_start3A_369, %dma_start3A_370] : memref<20480x128xf32, #tpu.memory_space<hbm>> -> memref<20480x128xf32, #tpu.memory_space<hbm>>
      tpu.enqueue_indirect_dma source(%dma_start3A_371 : memref<20480x128xf32, #tpu.memory_space<hbm>>) target(%dma_start3A_365 : memref<32x128xf32, #tpu.memory_space<vmem>>) offsets(%dma_start3A_368 : memref<32xi32, #tpu.memory_space<vmem>>) semaphore(%arg12 : memref<!tpu.dma_semaphore, #tpu.memory_space<semaphore_mem>>)
      %dma_wait3A_372 = arith.constant 0 : i32
      %dma_wait3A_373 = arith.constant 0 : i32
      %dma_wait3A_374 = tpu.memref_slice %arg7[%dma_wait3A_372, %dma_wait3A_373] : memref<16x128xi32, #tpu.memory_space<vmem>> -> memref<1x128xi32, #tpu.memory_space<vmem>>
      %dma_wait3A_375 = tpu.memref_squeeze %dma_wait3A_374 : memref<1x128xi32, #tpu.memory_space<vmem>> -> memref<128xi32, #tpu.memory_space<vmem>>
      %dma_wait3A_376 = arith.constant 0 : i32
      %dma_wait3A_377 = arith.constant 0 : i32
      %dma_wait3A_378 = tpu.memref_slice %arg2[%dma_wait3A_376, %dma_wait3A_377] : memref<20480x128xf32, #tpu.memory_space<hbm>> -> memref<20480x128xf32, #tpu.memory_space<hbm>>
      tpu.wait_indirect_dma semaphore(%arg11 : memref<!tpu.dma_semaphore, #tpu.memory_space<semaphore_mem>>) src(%dma_wait3A_378 : memref<20480x128xf32, #tpu.memory_space<hbm>>) dst(%arg9 : memref<128x128xf32, #tpu.memory_space<vmem>>)
      %add3A_379 = arith.constant 4 : i32
      %add3A_380 = arith.addi %mul3A_79, %add3A_379 : i32
      %dma_start3A_381 = arith.constant 0 : i32
      %dma_start3A_382 = tpu.memref_slice %arg8[%add3A_380, %dma_start3A_381] : memref<16x128xi32, #tpu.memory_space<vmem>> -> memref<1x128xi32, #tpu.memory_space<vmem>>
      %dma_start3A_383 = tpu.memref_squeeze %dma_start3A_382 : memref<1x128xi32, #tpu.memory_space<vmem>> -> memref<128xi32, #tpu.memory_space<vmem>>
      %dma_start3A_384 = arith.constant 0 : i32
      %dma_start3A_385 = arith.constant 0 : i32
      %dma_start3A_386 = tpu.memref_slice %arg6[%dma_start3A_384, %dma_start3A_385] : memref<10240x128xf32, #tpu.memory_space<vmem_shared>> -> memref<10240x128xf32, #tpu.memory_space<vmem_shared>>
      tpu.enqueue_indirect_dma source(%arg9 : memref<128x128xf32, #tpu.memory_space<vmem>>) target(%dma_start3A_386 : memref<10240x128xf32, #tpu.memory_space<vmem_shared>>) offsets(%dma_start3A_383 : memref<128xi32, #tpu.memory_space<vmem>>) semaphore(%arg13 : memref<!tpu.dma_semaphore, #tpu.memory_space<semaphore_mem>>) {add = true}
      %dma_wait3A_387 = arith.constant 0 : i32
      %dma_wait3A_388 = arith.constant 0 : i32
      %dma_wait3A_389 = tpu.memref_slice %arg8[%dma_wait3A_387, %dma_wait3A_388] : memref<16x128xi32, #tpu.memory_space<vmem>> -> memref<1x128xi32, #tpu.memory_space<vmem>>
      %dma_wait3A_390 = tpu.memref_squeeze %dma_wait3A_389 : memref<1x128xi32, #tpu.memory_space<vmem>> -> memref<128xi32, #tpu.memory_space<vmem>>
      %dma_wait3A_391 = arith.constant 0 : i32
      %dma_wait3A_392 = arith.constant 0 : i32
      %dma_wait3A_393 = tpu.memref_slice %arg6[%dma_wait3A_391, %dma_wait3A_392] : memref<10240x128xf32, #tpu.memory_space<vmem_shared>> -> memref<10240x128xf32, #tpu.memory_space<vmem_shared>>
      tpu.wait_indirect_dma semaphore(%arg13 : memref<!tpu.dma_semaphore, #tpu.memory_space<semaphore_mem>>) src(%arg9 : memref<128x128xf32, #tpu.memory_space<vmem>>) dst(%dma_wait3A_393 : memref<10240x128xf32, #tpu.memory_space<vmem_shared>>)
      %add3A_394 = arith.constant 5 : i32
      %add3A_395 = arith.addi %mul3A_79, %add3A_394 : i32
      %add3A_396 = arith.constant 1 : i32
      %add3A_397 = arith.addi %add3A_395, %add3A_396 : i32
      %dma_start3A_398 = arith.constant 0 : i32
      %dma_start3A_399 = arith.constant 0 : i32
      %dma_start3A_400 = tpu.memref_slice %arg9[%dma_start3A_398, %dma_start3A_399] : memref<128x128xf32, #tpu.memory_space<vmem>> -> memref<32x128xf32, #tpu.memory_space<vmem>>
      %dma_start3A_401 = arith.constant 0 : i32
      %dma_start3A_402 = tpu.memref_slice %arg7[%add3A_397, %dma_start3A_401] : memref<16x128xi32, #tpu.memory_space<vmem>> -> memref<1x32xi32, #tpu.memory_space<vmem>>
      %dma_start3A_403 = tpu.memref_squeeze %dma_start3A_402 : memref<1x32xi32, #tpu.memory_space<vmem>> -> memref<32xi32, #tpu.memory_space<vmem>>
      %dma_start3A_404 = arith.constant 0 : i32
      %dma_start3A_405 = arith.constant 0 : i32
      %dma_start3A_406 = tpu.memref_slice %arg2[%dma_start3A_404, %dma_start3A_405] : memref<20480x128xf32, #tpu.memory_space<hbm>> -> memref<20480x128xf32, #tpu.memory_space<hbm>>
      tpu.enqueue_indirect_dma source(%dma_start3A_406 : memref<20480x128xf32, #tpu.memory_space<hbm>>) target(%dma_start3A_400 : memref<32x128xf32, #tpu.memory_space<vmem>>) offsets(%dma_start3A_403 : memref<32xi32, #tpu.memory_space<vmem>>) semaphore(%arg11 : memref<!tpu.dma_semaphore, #tpu.memory_space<semaphore_mem>>)
      %dma_start3A_407 = arith.constant 32 : i32
      %dma_start3A_408 = arith.constant 0 : i32
      %dma_start3A_409 = tpu.memref_slice %arg9[%dma_start3A_407, %dma_start3A_408] : memref<128x128xf32, #tpu.memory_space<vmem>> -> memref<32x128xf32, #tpu.memory_space<vmem>>
      %dma_start3A_410 = arith.constant 32 : i32
      %dma_start3A_411 = tpu.memref_slice %arg7[%add3A_397, %dma_start3A_410] : memref<16x128xi32, #tpu.memory_space<vmem>> -> memref<1x32xi32, #tpu.memory_space<vmem>>
      %dma_start3A_412 = tpu.memref_squeeze %dma_start3A_411 : memref<1x32xi32, #tpu.memory_space<vmem>> -> memref<32xi32, #tpu.memory_space<vmem>>
      %dma_start3A_413 = arith.constant 0 : i32
      %dma_start3A_414 = arith.constant 0 : i32
      %dma_start3A_415 = tpu.memref_slice %arg2[%dma_start3A_413, %dma_start3A_414] : memref<20480x128xf32, #tpu.memory_space<hbm>> -> memref<20480x128xf32, #tpu.memory_space<hbm>>
      tpu.enqueue_indirect_dma source(%dma_start3A_415 : memref<20480x128xf32, #tpu.memory_space<hbm>>) target(%dma_start3A_409 : memref<32x128xf32, #tpu.memory_space<vmem>>) offsets(%dma_start3A_412 : memref<32xi32, #tpu.memory_space<vmem>>) semaphore(%arg11 : memref<!tpu.dma_semaphore, #tpu.memory_space<semaphore_mem>>)
      %dma_start3A_416 = arith.constant 64 : i32
      %dma_start3A_417 = arith.constant 0 : i32
      %dma_start3A_418 = tpu.memref_slice %arg9[%dma_start3A_416, %dma_start3A_417] : memref<128x128xf32, #tpu.memory_space<vmem>> -> memref<32x128xf32, #tpu.memory_space<vmem>>
      %dma_start3A_419 = arith.constant 64 : i32
      %dma_start3A_420 = tpu.memref_slice %arg7[%add3A_397, %dma_start3A_419] : memref<16x128xi32, #tpu.memory_space<vmem>> -> memref<1x32xi32, #tpu.memory_space<vmem>>
      %dma_start3A_421 = tpu.memref_squeeze %dma_start3A_420 : memref<1x32xi32, #tpu.memory_space<vmem>> -> memref<32xi32, #tpu.memory_space<vmem>>
      %dma_start3A_422 = arith.constant 0 : i32
      %dma_start3A_423 = arith.constant 0 : i32
      %dma_start3A_424 = tpu.memref_slice %arg2[%dma_start3A_422, %dma_start3A_423] : memref<20480x128xf32, #tpu.memory_space<hbm>> -> memref<20480x128xf32, #tpu.memory_space<hbm>>
      tpu.enqueue_indirect_dma source(%dma_start3A_424 : memref<20480x128xf32, #tpu.memory_space<hbm>>) target(%dma_start3A_418 : memref<32x128xf32, #tpu.memory_space<vmem>>) offsets(%dma_start3A_421 : memref<32xi32, #tpu.memory_space<vmem>>) semaphore(%arg11 : memref<!tpu.dma_semaphore, #tpu.memory_space<semaphore_mem>>)
      %dma_start3A_425 = arith.constant 96 : i32
      %dma_start3A_426 = arith.constant 0 : i32
      %dma_start3A_427 = tpu.memref_slice %arg9[%dma_start3A_425, %dma_start3A_426] : memref<128x128xf32, #tpu.memory_space<vmem>> -> memref<32x128xf32, #tpu.memory_space<vmem>>
      %dma_start3A_428 = arith.constant 96 : i32
      %dma_start3A_429 = tpu.memref_slice %arg7[%add3A_397, %dma_start3A_428] : memref<16x128xi32, #tpu.memory_space<vmem>> -> memref<1x32xi32, #tpu.memory_space<vmem>>
      %dma_start3A_430 = tpu.memref_squeeze %dma_start3A_429 : memref<1x32xi32, #tpu.memory_space<vmem>> -> memref<32xi32, #tpu.memory_space<vmem>>
      %dma_start3A_431 = arith.constant 0 : i32
      %dma_start3A_432 = arith.constant 0 : i32
      %dma_start3A_433 = tpu.memref_slice %arg2[%dma_start3A_431, %dma_start3A_432] : memref<20480x128xf32, #tpu.memory_space<hbm>> -> memref<20480x128xf32, #tpu.memory_space<hbm>>
      tpu.enqueue_indirect_dma source(%dma_start3A_433 : memref<20480x128xf32, #tpu.memory_space<hbm>>) target(%dma_start3A_427 : memref<32x128xf32, #tpu.memory_space<vmem>>) offsets(%dma_start3A_430 : memref<32xi32, #tpu.memory_space<vmem>>) semaphore(%arg11 : memref<!tpu.dma_semaphore, #tpu.memory_space<semaphore_mem>>)
      %dma_wait3A_434 = arith.constant 0 : i32
      %dma_wait3A_435 = arith.constant 0 : i32
      %dma_wait3A_436 = tpu.memref_slice %arg7[%dma_wait3A_434, %dma_wait3A_435] : memref<16x128xi32, #tpu.memory_space<vmem>> -> memref<1x128xi32, #tpu.memory_space<vmem>>
      %dma_wait3A_437 = tpu.memref_squeeze %dma_wait3A_436 : memref<1x128xi32, #tpu.memory_space<vmem>> -> memref<128xi32, #tpu.memory_space<vmem>>
      %dma_wait3A_438 = arith.constant 0 : i32
      %dma_wait3A_439 = arith.constant 0 : i32
      %dma_wait3A_440 = tpu.memref_slice %arg2[%dma_wait3A_438, %dma_wait3A_439] : memref<20480x128xf32, #tpu.memory_space<hbm>> -> memref<20480x128xf32, #tpu.memory_space<hbm>>
      tpu.wait_indirect_dma semaphore(%arg12 : memref<!tpu.dma_semaphore, #tpu.memory_space<semaphore_mem>>) src(%dma_wait3A_440 : memref<20480x128xf32, #tpu.memory_space<hbm>>) dst(%arg10 : memref<128x128xf32, #tpu.memory_space<vmem>>)
      %add3A_441 = arith.constant 5 : i32
      %add3A_442 = arith.addi %mul3A_79, %add3A_441 : i32
      %dma_start3A_443 = arith.constant 0 : i32
      %dma_start3A_444 = tpu.memref_slice %arg8[%add3A_442, %dma_start3A_443] : memref<16x128xi32, #tpu.memory_space<vmem>> -> memref<1x128xi32, #tpu.memory_space<vmem>>
      %dma_start3A_445 = tpu.memref_squeeze %dma_start3A_444 : memref<1x128xi32, #tpu.memory_space<vmem>> -> memref<128xi32, #tpu.memory_space<vmem>>
      %dma_start3A_446 = arith.constant 0 : i32
      %dma_start3A_447 = arith.constant 0 : i32
      %dma_start3A_448 = tpu.memref_slice %arg6[%dma_start3A_446, %dma_start3A_447] : memref<10240x128xf32, #tpu.memory_space<vmem_shared>> -> memref<10240x128xf32, #tpu.memory_space<vmem_shared>>
      tpu.enqueue_indirect_dma source(%arg10 : memref<128x128xf32, #tpu.memory_space<vmem>>) target(%dma_start3A_448 : memref<10240x128xf32, #tpu.memory_space<vmem_shared>>) offsets(%dma_start3A_445 : memref<128xi32, #tpu.memory_space<vmem>>) semaphore(%arg14 : memref<!tpu.dma_semaphore, #tpu.memory_space<semaphore_mem>>) {add = true}
      %dma_wait3A_449 = arith.constant 0 : i32
      %dma_wait3A_450 = arith.constant 0 : i32
      %dma_wait3A_451 = tpu.memref_slice %arg8[%dma_wait3A_449, %dma_wait3A_450] : memref<16x128xi32, #tpu.memory_space<vmem>> -> memref<1x128xi32, #tpu.memory_space<vmem>>
      %dma_wait3A_452 = tpu.memref_squeeze %dma_wait3A_451 : memref<1x128xi32, #tpu.memory_space<vmem>> -> memref<128xi32, #tpu.memory_space<vmem>>
      %dma_wait3A_453 = arith.constant 0 : i32
      %dma_wait3A_454 = arith.constant 0 : i32
      %dma_wait3A_455 = tpu.memref_slice %arg6[%dma_wait3A_453, %dma_wait3A_454] : memref<10240x128xf32, #tpu.memory_space<vmem_shared>> -> memref<10240x128xf32, #tpu.memory_space<vmem_shared>>
      tpu.wait_indirect_dma semaphore(%arg14 : memref<!tpu.dma_semaphore, #tpu.memory_space<semaphore_mem>>) src(%arg10 : memref<128x128xf32, #tpu.memory_space<vmem>>) dst(%dma_wait3A_455 : memref<10240x128xf32, #tpu.memory_space<vmem_shared>>)
      %add3A_456 = arith.constant 6 : i32
      %add3A_457 = arith.addi %mul3A_79, %add3A_456 : i32
      %add3A_458 = arith.constant 1 : i32
      %add3A_459 = arith.addi %add3A_457, %add3A_458 : i32
      %dma_start3A_460 = arith.constant 0 : i32
      %dma_start3A_461 = arith.constant 0 : i32
      %dma_start3A_462 = tpu.memref_slice %arg10[%dma_start3A_460, %dma_start3A_461] : memref<128x128xf32, #tpu.memory_space<vmem>> -> memref<32x128xf32, #tpu.memory_space<vmem>>
      %dma_start3A_463 = arith.constant 0 : i32
      %dma_start3A_464 = tpu.memref_slice %arg7[%add3A_459, %dma_start3A_463] : memref<16x128xi32, #tpu.memory_space<vmem>> -> memref<1x32xi32, #tpu.memory_space<vmem>>
      %dma_start3A_465 = tpu.memref_squeeze %dma_start3A_464 : memref<1x32xi32, #tpu.memory_space<vmem>> -> memref<32xi32, #tpu.memory_space<vmem>>
      %dma_start3A_466 = arith.constant 0 : i32
      %dma_start3A_467 = arith.constant 0 : i32
      %dma_start3A_468 = tpu.memref_slice %arg2[%dma_start3A_466, %dma_start3A_467] : memref<20480x128xf32, #tpu.memory_space<hbm>> -> memref<20480x128xf32, #tpu.memory_space<hbm>>
      tpu.enqueue_indirect_dma source(%dma_start3A_468 : memref<20480x128xf32, #tpu.memory_space<hbm>>) target(%dma_start3A_462 : memref<32x128xf32, #tpu.memory_space<vmem>>) offsets(%dma_start3A_465 : memref<32xi32, #tpu.memory_space<vmem>>) semaphore(%arg12 : memref<!tpu.dma_semaphore, #tpu.memory_space<semaphore_mem>>)
      %dma_start3A_469 = arith.constant 32 : i32
      %dma_start3A_470 = arith.constant 0 : i32
      %dma_start3A_471 = tpu.memref_slice %arg10[%dma_start3A_469, %dma_start3A_470] : memref<128x128xf32, #tpu.memory_space<vmem>> -> memref<32x128xf32, #tpu.memory_space<vmem>>
      %dma_start3A_472 = arith.constant 32 : i32
      %dma_start3A_473 = tpu.memref_slice %arg7[%add3A_459, %dma_start3A_472] : memref<16x128xi32, #tpu.memory_space<vmem>> -> memref<1x32xi32, #tpu.memory_space<vmem>>
      %dma_start3A_474 = tpu.memref_squeeze %dma_start3A_473 : memref<1x32xi32, #tpu.memory_space<vmem>> -> memref<32xi32, #tpu.memory_space<vmem>>
      %dma_start3A_475 = arith.constant 0 : i32
      %dma_start3A_476 = arith.constant 0 : i32
      %dma_start3A_477 = tpu.memref_slice %arg2[%dma_start3A_475, %dma_start3A_476] : memref<20480x128xf32, #tpu.memory_space<hbm>> -> memref<20480x128xf32, #tpu.memory_space<hbm>>
      tpu.enqueue_indirect_dma source(%dma_start3A_477 : memref<20480x128xf32, #tpu.memory_space<hbm>>) target(%dma_start3A_471 : memref<32x128xf32, #tpu.memory_space<vmem>>) offsets(%dma_start3A_474 : memref<32xi32, #tpu.memory_space<vmem>>) semaphore(%arg12 : memref<!tpu.dma_semaphore, #tpu.memory_space<semaphore_mem>>)
      %dma_start3A_478 = arith.constant 64 : i32
      %dma_start3A_479 = arith.constant 0 : i32
      %dma_start3A_480 = tpu.memref_slice %arg10[%dma_start3A_478, %dma_start3A_479] : memref<128x128xf32, #tpu.memory_space<vmem>> -> memref<32x128xf32, #tpu.memory_space<vmem>>
      %dma_start3A_481 = arith.constant 64 : i32
      %dma_start3A_482 = tpu.memref_slice %arg7[%add3A_459, %dma_start3A_481] : memref<16x128xi32, #tpu.memory_space<vmem>> -> memref<1x32xi32, #tpu.memory_space<vmem>>
      %dma_start3A_483 = tpu.memref_squeeze %dma_start3A_482 : memref<1x32xi32, #tpu.memory_space<vmem>> -> memref<32xi32, #tpu.memory_space<vmem>>
      %dma_start3A_484 = arith.constant 0 : i32
      %dma_start3A_485 = arith.constant 0 : i32
      %dma_start3A_486 = tpu.memref_slice %arg2[%dma_start3A_484, %dma_start3A_485] : memref<20480x128xf32, #tpu.memory_space<hbm>> -> memref<20480x128xf32, #tpu.memory_space<hbm>>
      tpu.enqueue_indirect_dma source(%dma_start3A_486 : memref<20480x128xf32, #tpu.memory_space<hbm>>) target(%dma_start3A_480 : memref<32x128xf32, #tpu.memory_space<vmem>>) offsets(%dma_start3A_483 : memref<32xi32, #tpu.memory_space<vmem>>) semaphore(%arg12 : memref<!tpu.dma_semaphore, #tpu.memory_space<semaphore_mem>>)
      %dma_start3A_487 = arith.constant 96 : i32
      %dma_start3A_488 = arith.constant 0 : i32
      %dma_start3A_489 = tpu.memref_slice %arg10[%dma_start3A_487, %dma_start3A_488] : memref<128x128xf32, #tpu.memory_space<vmem>> -> memref<32x128xf32, #tpu.memory_space<vmem>>
      %dma_start3A_490 = arith.constant 96 : i32
      %dma_start3A_491 = tpu.memref_slice %arg7[%add3A_459, %dma_start3A_490] : memref<16x128xi32, #tpu.memory_space<vmem>> -> memref<1x32xi32, #tpu.memory_space<vmem>>
      %dma_start3A_492 = tpu.memref_squeeze %dma_start3A_491 : memref<1x32xi32, #tpu.memory_space<vmem>> -> memref<32xi32, #tpu.memory_space<vmem>>
      %dma_start3A_493 = arith.constant 0 : i32
      %dma_start3A_494 = arith.constant 0 : i32
      %dma_start3A_495 = tpu.memref_slice %arg2[%dma_start3A_493, %dma_start3A_494] : memref<20480x128xf32, #tpu.memory_space<hbm>> -> memref<20480x128xf32, #tpu.memory_space<hbm>>
      tpu.enqueue_indirect_dma source(%dma_start3A_495 : memref<20480x128xf32, #tpu.memory_space<hbm>>) target(%dma_start3A_489 : memref<32x128xf32, #tpu.memory_space<vmem>>) offsets(%dma_start3A_492 : memref<32xi32, #tpu.memory_space<vmem>>) semaphore(%arg12 : memref<!tpu.dma_semaphore, #tpu.memory_space<semaphore_mem>>)
      %dma_wait3A_496 = arith.constant 0 : i32
      %dma_wait3A_497 = arith.constant 0 : i32
      %dma_wait3A_498 = tpu.memref_slice %arg7[%dma_wait3A_496, %dma_wait3A_497] : memref<16x128xi32, #tpu.memory_space<vmem>> -> memref<1x128xi32, #tpu.memory_space<vmem>>
      %dma_wait3A_499 = tpu.memref_squeeze %dma_wait3A_498 : memref<1x128xi32, #tpu.memory_space<vmem>> -> memref<128xi32, #tpu.memory_space<vmem>>
      %dma_wait3A_500 = arith.constant 0 : i32
      %dma_wait3A_501 = arith.constant 0 : i32
      %dma_wait3A_502 = tpu.memref_slice %arg2[%dma_wait3A_500, %dma_wait3A_501] : memref<20480x128xf32, #tpu.memory_space<hbm>> -> memref<20480x128xf32, #tpu.memory_space<hbm>>
      tpu.wait_indirect_dma semaphore(%arg11 : memref<!tpu.dma_semaphore, #tpu.memory_space<semaphore_mem>>) src(%dma_wait3A_502 : memref<20480x128xf32, #tpu.memory_space<hbm>>) dst(%arg9 : memref<128x128xf32, #tpu.memory_space<vmem>>)
      %add3A_503 = arith.constant 6 : i32
      %add3A_504 = arith.addi %mul3A_79, %add3A_503 : i32
      %dma_start3A_505 = arith.constant 0 : i32
      %dma_start3A_506 = tpu.memref_slice %arg8[%add3A_504, %dma_start3A_505] : memref<16x128xi32, #tpu.memory_space<vmem>> -> memref<1x128xi32, #tpu.memory_space<vmem>>
      %dma_start3A_507 = tpu.memref_squeeze %dma_start3A_506 : memref<1x128xi32, #tpu.memory_space<vmem>> -> memref<128xi32, #tpu.memory_space<vmem>>
      %dma_start3A_508 = arith.constant 0 : i32
      %dma_start3A_509 = arith.constant 0 : i32
      %dma_start3A_510 = tpu.memref_slice %arg6[%dma_start3A_508, %dma_start3A_509] : memref<10240x128xf32, #tpu.memory_space<vmem_shared>> -> memref<10240x128xf32, #tpu.memory_space<vmem_shared>>
      tpu.enqueue_indirect_dma source(%arg9 : memref<128x128xf32, #tpu.memory_space<vmem>>) target(%dma_start3A_510 : memref<10240x128xf32, #tpu.memory_space<vmem_shared>>) offsets(%dma_start3A_507 : memref<128xi32, #tpu.memory_space<vmem>>) semaphore(%arg13 : memref<!tpu.dma_semaphore, #tpu.memory_space<semaphore_mem>>) {add = true}
      %dma_wait3A_511 = arith.constant 0 : i32
      %dma_wait3A_512 = arith.constant 0 : i32
      %dma_wait3A_513 = tpu.memref_slice %arg8[%dma_wait3A_511, %dma_wait3A_512] : memref<16x128xi32, #tpu.memory_space<vmem>> -> memref<1x128xi32, #tpu.memory_space<vmem>>
      %dma_wait3A_514 = tpu.memref_squeeze %dma_wait3A_513 : memref<1x128xi32, #tpu.memory_space<vmem>> -> memref<128xi32, #tpu.memory_space<vmem>>
      %dma_wait3A_515 = arith.constant 0 : i32
      %dma_wait3A_516 = arith.constant 0 : i32
      %dma_wait3A_517 = tpu.memref_slice %arg6[%dma_wait3A_515, %dma_wait3A_516] : memref<10240x128xf32, #tpu.memory_space<vmem_shared>> -> memref<10240x128xf32, #tpu.memory_space<vmem_shared>>
      tpu.wait_indirect_dma semaphore(%arg13 : memref<!tpu.dma_semaphore, #tpu.memory_space<semaphore_mem>>) src(%arg9 : memref<128x128xf32, #tpu.memory_space<vmem>>) dst(%dma_wait3A_517 : memref<10240x128xf32, #tpu.memory_space<vmem_shared>>)
      %lt3A_518 = arith.constant 9 : i32
      %lt3A_519 = arith.cmpi slt, %scan3A_65, %lt3A_518 : i32
      %convert_element_type3A_520 = arith.extui %lt3A_519 : i1 to i32
      %cond3A_521 = arith.constant 0 : i32
      %cond3A_522 = arith.cmpi ne, %convert_element_type3A_520, %cond3A_521 : i32
      scf.if %cond3A_522 {
        %dma_wait3A_538 = arith.constant 0 : i32
        %dma_wait3A_539 = arith.constant 0 : i32
        %dma_wait3A_540 = tpu.memref_slice %arg7[%dma_wait3A_538, %dma_wait3A_539] : memref<16x128xi32, #tpu.memory_space<vmem>> -> memref<8x128xi32, #tpu.memory_space<vmem>>
        %dma_wait3A_541 = arith.constant 0 : i32
        %dma_wait3A_542 = tpu.memref_slice %arg3[%add3A_10, %dma_wait3A_541] : memref<5120x128xi32, #tpu.memory_space<hbm>> -> memref<8x128xi32, #tpu.memory_space<hbm>>
        %dma_wait3A_543 = arith.constant 0 : i32
        %dma_wait3A_544 = arith.constant 0 : i32
        %dma_wait3A_545 = tpu.memref_slice %arg7[%dma_wait3A_543, %dma_wait3A_544] : memref<16x128xi32, #tpu.memory_space<vmem>> -> memref<8x128xi32, #tpu.memory_space<vmem>>
        %dma_wait3A_546 = arith.constant 0 : i32
        %dma_wait3A_547 = tpu.memref_slice %arg3[%add3A_10, %dma_wait3A_546] : memref<5120x128xi32, #tpu.memory_space<hbm>> -> memref<8x128xi32, #tpu.memory_space<hbm>>
        tpu.wait_dma2 semaphore(%arg15 : memref<!tpu.dma_semaphore, #tpu.memory_space<semaphore_mem>>) src(%dma_wait3A_547 : memref<8x128xi32, #tpu.memory_space<hbm>>) dst(%dma_wait3A_545 : memref<8x128xi32, #tpu.memory_space<vmem>>)
        %dma_wait3A_548 = arith.constant 0 : i32
        %dma_wait3A_549 = arith.constant 0 : i32
        %dma_wait3A_550 = tpu.memref_slice %arg8[%dma_wait3A_548, %dma_wait3A_549] : memref<16x128xi32, #tpu.memory_space<vmem>> -> memref<8x128xi32, #tpu.memory_space<vmem>>
        %dma_wait3A_551 = arith.constant 0 : i32
        %dma_wait3A_552 = tpu.memref_slice %arg4[%add3A, %dma_wait3A_551] : memref<2560x128xi32, #tpu.memory_space<hbm>> -> memref<8x128xi32, #tpu.memory_space<hbm>>
        %dma_wait3A_553 = arith.constant 0 : i32
        %dma_wait3A_554 = arith.constant 0 : i32
        %dma_wait3A_555 = tpu.memref_slice %arg8[%dma_wait3A_553, %dma_wait3A_554] : memref<16x128xi32, #tpu.memory_space<vmem>> -> memref<8x128xi32, #tpu.memory_space<vmem>>
        %dma_wait3A_556 = arith.constant 0 : i32
        %dma_wait3A_557 = tpu.memref_slice %arg4[%add3A, %dma_wait3A_556] : memref<2560x128xi32, #tpu.memory_space<hbm>> -> memref<8x128xi32, #tpu.memory_space<hbm>>
        tpu.wait_dma2 semaphore(%arg16 : memref<!tpu.dma_semaphore, #tpu.memory_space<semaphore_mem>>) src(%dma_wait3A_557 : memref<8x128xi32, #tpu.memory_space<hbm>>) dst(%dma_wait3A_555 : memref<8x128xi32, #tpu.memory_space<vmem>>)
        %add3A_558 = arith.constant 1 : i32
        %add3A_559 = arith.addi %scan3A_65, %add3A_558 : i32
        %jit3A_560 = arith.constant 2 : i32
        %eq3A_561 = arith.constant 0 : i32
        %eq3A_562 = arith.cmpi eq, %jit3A_560, %eq3A_561 : i32
        %jit3A_563 = arith.constant 1 : i32
        %select_n3A_564 = arith.select %eq3A_562, %jit3A_563, %jit3A_560 : i32
        %rem3A_565 = arith.remsi %add3A_559, %select_n3A_564 : i32
        %ne3A_566 = arith.constant 0 : i32
        %ne3A_567 = arith.cmpi ne, %rem3A_565, %ne3A_566 : i32
        %lt3A_568 = arith.constant 0 : i32
        %lt3A_569 = arith.cmpi slt, %rem3A_565, %lt3A_568 : i32
        %lt3A_570 = arith.constant 0 : i32
        %lt3A_571 = arith.cmpi slt, %select_n3A_564, %lt3A_570 : i32
        %ne3A_572 = arith.xori %lt3A_569, %lt3A_571 : i1
        %and3A_573 = arith.andi %ne3A_572, %ne3A_567 : i1
        %add3A_574 = arith.addi %rem3A_565, %select_n3A_564 : i32
        %select_n3A_575 = arith.select %and3A_573, %add3A_574, %rem3A_565 : i32
        %mul3A_576 = arith.constant 8 : i32
        %mul3A_577 = arith.muli %select_n3A_575, %mul3A_576 : i32
        %dma_start3A_578 = arith.constant 0 : i32
        %dma_start3A_579 = arith.constant 0 : i32
        %dma_start3A_580 = tpu.memref_slice %arg9[%dma_start3A_578, %dma_start3A_579] : memref<128x128xf32, #tpu.memory_space<vmem>> -> memref<32x128xf32, #tpu.memory_space<vmem>>
        %dma_start3A_581 = arith.constant 0 : i32
        %dma_start3A_582 = tpu.memref_slice %arg7[%mul3A_577, %dma_start3A_581] : memref<16x128xi32, #tpu.memory_space<vmem>> -> memref<1x32xi32, #tpu.memory_space<vmem>>
        %dma_start3A_583 = tpu.memref_squeeze %dma_start3A_582 : memref<1x32xi32, #tpu.memory_space<vmem>> -> memref<32xi32, #tpu.memory_space<vmem>>
        %dma_start3A_584 = arith.constant 0 : i32
        %dma_start3A_585 = arith.constant 0 : i32
        %dma_start3A_586 = tpu.memref_slice %arg2[%dma_start3A_584, %dma_start3A_585] : memref<20480x128xf32, #tpu.memory_space<hbm>> -> memref<20480x128xf32, #tpu.memory_space<hbm>>
        tpu.enqueue_indirect_dma source(%dma_start3A_586 : memref<20480x128xf32, #tpu.memory_space<hbm>>) target(%dma_start3A_580 : memref<32x128xf32, #tpu.memory_space<vmem>>) offsets(%dma_start3A_583 : memref<32xi32, #tpu.memory_space<vmem>>) semaphore(%arg11 : memref<!tpu.dma_semaphore, #tpu.memory_space<semaphore_mem>>)
        %dma_start3A_587 = arith.constant 32 : i32
        %dma_start3A_588 = arith.constant 0 : i32
        %dma_start3A_589 = tpu.memref_slice %arg9[%dma_start3A_587, %dma_start3A_588] : memref<128x128xf32, #tpu.memory_space<vmem>> -> memref<32x128xf32, #tpu.memory_space<vmem>>
        %dma_start3A_590 = arith.constant 32 : i32
        %dma_start3A_591 = tpu.memref_slice %arg7[%mul3A_577, %dma_start3A_590] : memref<16x128xi32, #tpu.memory_space<vmem>> -> memref<1x32xi32, #tpu.memory_space<vmem>>
        %dma_start3A_592 = tpu.memref_squeeze %dma_start3A_591 : memref<1x32xi32, #tpu.memory_space<vmem>> -> memref<32xi32, #tpu.memory_space<vmem>>
        %dma_start3A_593 = arith.constant 0 : i32
        %dma_start3A_594 = arith.constant 0 : i32
        %dma_start3A_595 = tpu.memref_slice %arg2[%dma_start3A_593, %dma_start3A_594] : memref<20480x128xf32, #tpu.memory_space<hbm>> -> memref<20480x128xf32, #tpu.memory_space<hbm>>
        tpu.enqueue_indirect_dma source(%dma_start3A_595 : memref<20480x128xf32, #tpu.memory_space<hbm>>) target(%dma_start3A_589 : memref<32x128xf32, #tpu.memory_space<vmem>>) offsets(%dma_start3A_592 : memref<32xi32, #tpu.memory_space<vmem>>) semaphore(%arg11 : memref<!tpu.dma_semaphore, #tpu.memory_space<semaphore_mem>>)
        %dma_start3A_596 = arith.constant 64 : i32
        %dma_start3A_597 = arith.constant 0 : i32
        %dma_start3A_598 = tpu.memref_slice %arg9[%dma_start3A_596, %dma_start3A_597] : memref<128x128xf32, #tpu.memory_space<vmem>> -> memref<32x128xf32, #tpu.memory_space<vmem>>
        %dma_start3A_599 = arith.constant 64 : i32
        %dma_start3A_600 = tpu.memref_slice %arg7[%mul3A_577, %dma_start3A_599] : memref<16x128xi32, #tpu.memory_space<vmem>> -> memref<1x32xi32, #tpu.memory_space<vmem>>
        %dma_start3A_601 = tpu.memref_squeeze %dma_start3A_600 : memref<1x32xi32, #tpu.memory_space<vmem>> -> memref<32xi32, #tpu.memory_space<vmem>>
        %dma_start3A_602 = arith.constant 0 : i32
        %dma_start3A_603 = arith.constant 0 : i32
        %dma_start3A_604 = tpu.memref_slice %arg2[%dma_start3A_602, %dma_start3A_603] : memref<20480x128xf32, #tpu.memory_space<hbm>> -> memref<20480x128xf32, #tpu.memory_space<hbm>>
        tpu.enqueue_indirect_dma source(%dma_start3A_604 : memref<20480x128xf32, #tpu.memory_space<hbm>>) target(%dma_start3A_598 : memref<32x128xf32, #tpu.memory_space<vmem>>) offsets(%dma_start3A_601 : memref<32xi32, #tpu.memory_space<vmem>>) semaphore(%arg11 : memref<!tpu.dma_semaphore, #tpu.memory_space<semaphore_mem>>)
        %dma_start3A_605 = arith.constant 96 : i32
        %dma_start3A_606 = arith.constant 0 : i32
        %dma_start3A_607 = tpu.memref_slice %arg9[%dma_start3A_605, %dma_start3A_606] : memref<128x128xf32, #tpu.memory_space<vmem>> -> memref<32x128xf32, #tpu.memory_space<vmem>>
        %dma_start3A_608 = arith.constant 96 : i32
        %dma_start3A_609 = tpu.memref_slice %arg7[%mul3A_577, %dma_start3A_608] : memref<16x128xi32, #tpu.memory_space<vmem>> -> memref<1x32xi32, #tpu.memory_space<vmem>>
        %dma_start3A_610 = tpu.memref_squeeze %dma_start3A_609 : memref<1x32xi32, #tpu.memory_space<vmem>> -> memref<32xi32, #tpu.memory_space<vmem>>
        %dma_start3A_611 = arith.constant 0 : i32
        %dma_start3A_612 = arith.constant 0 : i32
        %dma_start3A_613 = tpu.memref_slice %arg2[%dma_start3A_611, %dma_start3A_612] : memref<20480x128xf32, #tpu.memory_space<hbm>> -> memref<20480x128xf32, #tpu.memory_space<hbm>>
        tpu.enqueue_indirect_dma source(%dma_start3A_613 : memref<20480x128xf32, #tpu.memory_space<hbm>>) target(%dma_start3A_607 : memref<32x128xf32, #tpu.memory_space<vmem>>) offsets(%dma_start3A_610 : memref<32xi32, #tpu.memory_space<vmem>>) semaphore(%arg11 : memref<!tpu.dma_semaphore, #tpu.memory_space<semaphore_mem>>)
      } else {
      }
      %dma_wait3A_523 = arith.constant 0 : i32
      %dma_wait3A_524 = arith.constant 0 : i32
      %dma_wait3A_525 = tpu.memref_slice %arg7[%dma_wait3A_523, %dma_wait3A_524] : memref<16x128xi32, #tpu.memory_space<vmem>> -> memref<1x128xi32, #tpu.memory_space<vmem>>
      %dma_wait3A_526 = tpu.memref_squeeze %dma_wait3A_525 : memref<1x128xi32, #tpu.memory_space<vmem>> -> memref<128xi32, #tpu.memory_space<vmem>>
      %dma_wait3A_527 = arith.constant 0 : i32
      %dma_wait3A_528 = arith.constant 0 : i32
      %dma_wait3A_529 = tpu.memref_slice %arg2[%dma_wait3A_527, %dma_wait3A_528] : memref<20480x128xf32, #tpu.memory_space<hbm>> -> memref<20480x128xf32, #tpu.memory_space<hbm>>
      tpu.wait_indirect_dma semaphore(%arg12 : memref<!tpu.dma_semaphore, #tpu.memory_space<semaphore_mem>>) src(%dma_wait3A_529 : memref<20480x128xf32, #tpu.memory_space<hbm>>) dst(%arg10 : memref<128x128xf32, #tpu.memory_space<vmem>>)
      %add3A_530 = arith.constant 7 : i32
      %add3A_531 = arith.addi %mul3A_79, %add3A_530 : i32
      %dma_start3A_532 = arith.constant 0 : i32
      %dma_start3A_533 = tpu.memref_slice %arg8[%add3A_531, %dma_start3A_532] : memref<16x128xi32, #tpu.memory_space<vmem>> -> memref<1x128xi32, #tpu.memory_space<vmem>>
      %dma_start3A_534 = tpu.memref_squeeze %dma_start3A_533 : memref<1x128xi32, #tpu.memory_space<vmem>> -> memref<128xi32, #tpu.memory_space<vmem>>
      %dma_start3A_535 = arith.constant 0 : i32
      %dma_start3A_536 = arith.constant 0 : i32
      %dma_start3A_537 = tpu.memref_slice %arg6[%dma_start3A_535, %dma_start3A_536] : memref<10240x128xf32, #tpu.memory_space<vmem_shared>> -> memref<10240x128xf32, #tpu.memory_space<vmem_shared>>
      tpu.enqueue_indirect_dma source(%arg10 : memref<128x128xf32, #tpu.memory_space<vmem>>) target(%dma_start3A_537 : memref<10240x128xf32, #tpu.memory_space<vmem_shared>>) offsets(%dma_start3A_534 : memref<128xi32, #tpu.memory_space<vmem>>) semaphore(%arg14 : memref<!tpu.dma_semaphore, #tpu.memory_space<semaphore_mem>>) {add = true}
    }
    %scan3A_54 = arith.constant 10 : i32
    %dma_wait3A = arith.constant 0 : i32
    %dma_wait3A_55 = arith.constant 0 : i32
    %dma_wait3A_56 = tpu.memref_slice %arg8[%dma_wait3A, %dma_wait3A_55] : memref<16x128xi32, #tpu.memory_space<vmem>> -> memref<1x128xi32, #tpu.memory_space<vmem>>
    %dma_wait3A_57 = tpu.memref_squeeze %dma_wait3A_56 : memref<1x128xi32, #tpu.memory_space<vmem>> -> memref<128xi32, #tpu.memory_space<vmem>>
    %dma_wait3A_58 = arith.constant 0 : i32
    %dma_wait3A_59 = arith.constant 0 : i32
    %dma_wait3A_60 = tpu.memref_slice %arg6[%dma_wait3A_58, %dma_wait3A_59] : memref<10240x128xf32, #tpu.memory_space<vmem_shared>> -> memref<10240x128xf32, #tpu.memory_space<vmem_shared>>
    tpu.wait_indirect_dma semaphore(%arg14 : memref<!tpu.dma_semaphore, #tpu.memory_space<semaphore_mem>>) src(%arg10 : memref<128x128xf32, #tpu.memory_space<vmem>>) dst(%dma_wait3A_60 : memref<10240x128xf32, #tpu.memory_space<vmem_shared>>)
    %barrier3A_61 = arith.constant 0 : index
    tpu.barrier barrier_id(%barrier3A_61)
    %mul3A_62 = arith.constant 10240 : i32
    %mul3A_63 = arith.muli %arg0, %mul3A_62 : i32
    %add3A_64 = arith.addi %mul3A_63, %mul3A_0 : i32
    "tpu.region"() ({
      %run_scoped3A = tpu.sem_alloc : memref<!tpu.dma_semaphore, #tpu.memory_space<semaphore_mem>>
      %dma_start3A_65 = arith.constant 0 : i32
      %dma_start3A_66 = tpu.memref_slice %arg5[%add3A_64, %dma_start3A_65] : memref<20480x128xf32, #tpu.memory_space<hbm>> -> memref<640x128xf32, #tpu.memory_space<hbm>>
      %dma_start3A_67 = arith.constant 0 : i32
      %dma_start3A_68 = tpu.memref_slice %arg6[%mul3A_0, %dma_start3A_67] : memref<10240x128xf32, #tpu.memory_space<vmem_shared>> -> memref<640x128xf32, #tpu.memory_space<vmem_shared>>
      tpu.enqueue_dma source(%dma_start3A_68 : memref<640x128xf32, #tpu.memory_space<vmem_shared>>) target(%dma_start3A_66 : memref<640x128xf32, #tpu.memory_space<hbm>>) target_semaphore(%run_scoped3A : memref<!tpu.dma_semaphore, #tpu.memory_space<semaphore_mem>>)
      %dma_wait3A_69 = arith.constant 0 : i32
      %dma_wait3A_70 = tpu.memref_slice %arg5[%add3A_64, %dma_wait3A_69] : memref<20480x128xf32, #tpu.memory_space<hbm>> -> memref<640x128xf32, #tpu.memory_space<hbm>>
      %dma_wait3A_71 = arith.constant 0 : i32
      %dma_wait3A_72 = tpu.memref_slice %arg6[%mul3A_0, %dma_wait3A_71] : memref<10240x128xf32, #tpu.memory_space<vmem_shared>> -> memref<640x128xf32, #tpu.memory_space<vmem_shared>>
      tpu.wait_dma2 semaphore(%run_scoped3A : memref<!tpu.dma_semaphore, #tpu.memory_space<semaphore_mem>>) src(%dma_wait3A_72 : memref<640x128xf32, #tpu.memory_space<vmem_shared>>) dst(%dma_wait3A_70 : memref<640x128xf32, #tpu.memory_space<hbm>>)
      tpu.yield
    }) : () -> ()
    return
  }
}

module attributes {stable_mosaic.version = 14 : i64} {
  func.func @_tc_z_body(%arg0: i32, %arg1: memref<1280x128xf32, #tpu.memory_space<vmem>>, %arg2: memref<1280x128xf32, #tpu.memory_space<vmem>>, %arg3: memref<1280x128xf32, #tpu.memory_space<vmem>>, %arg4: memref<2x1280x128xf32, #tpu.memory_space<vmem>>, %arg5: memref<1280x1xf32, #tpu.memory_space<vmem>>) attributes {dimension_semantics = [#tpu.dimension_semantics<arbitrary>], iteration_bounds = array<i64: 8>, scalar_prefetch = 0 : i64, scratch_operands = 0 : i64, tpu.core_type = #tpu.core_type<tc>, window_params = [{transform_indices = @transform_0, window_bounds = array<i64: 1280, 128>}, {transform_indices = @transform_1, window_bounds = array<i64: 1280, 128>}, {transform_indices = @transform_2, window_bounds = array<i64: 1280, 128>}, {transform_indices = @transform_3, window_bounds = array<i64: 2, 1280, 128>}, {transform_indices = @transform_4, window_bounds = array<i64: 1280, 1>}]} {
    %get3A = arith.constant 0 : index
    %get3A_0 = arith.constant 0 : index
    %get3A_1 = vector.load %arg2[%get3A, %get3A_0] : memref<1280x128xf32, #tpu.memory_space<vmem>>, vector<1280x128xf32>
    %slice3A = vector.extract_strided_slice %get3A_1 {offsets = [0, 0], sizes = [1280, 1], strides = [1, 1]} : vector<1280x128xf32> to vector<1280x1xf32>
    %squeeze3A = vector.shape_cast %slice3A : vector<1280x1xf32> to vector<1280xf32>
    %get3A_2 = arith.constant 0 : index
    %get3A_3 = arith.constant 0 : index
    %get3A_4 = vector.load %arg3[%get3A_2, %get3A_3] : memref<1280x128xf32, #tpu.memory_space<vmem>>, vector<1280x128xf32>
    %slice3A_5 = vector.extract_strided_slice %get3A_4 {offsets = [0, 0], sizes = [1280, 1], strides = [1, 1]} : vector<1280x128xf32> to vector<1280x1xf32>
    %squeeze3A_6 = vector.shape_cast %slice3A_5 : vector<1280x1xf32> to vector<1280xf32>
    %add3A = arith.addf %squeeze3A, %squeeze3A_6 : vector<1280xf32>
    %sub3A = arith.constant 1.000000e+00 : f32
    %sub3A_7 = vector.broadcast %sub3A : f32 to vector<1280xf32>
    %sub3A_8 = arith.subf %add3A, %sub3A_7 : vector<1280xf32>
    %rsqrt3A = math.rsqrt %sub3A_8 : vector<1280xf32>
    %broadcast_in_dim3A = vector.shape_cast %rsqrt3A : vector<1280xf32> to vector<1280x1xf32>
    %get3A_9 = arith.constant 0 : index
    %get3A_10 = arith.constant 0 : index
    %get3A_11 = vector.load %arg1[%get3A_9, %get3A_10] : memref<1280x128xf32, #tpu.memory_space<vmem>>, vector<1280x128xf32>
    %mul3A = vector.broadcast %broadcast_in_dim3A : vector<1280x1xf32> to vector<1280x128xf32>
    %mul3A_12 = arith.mulf %get3A_11, %mul3A : vector<1280x128xf32>
    %swap3A = arith.constant 0 : index
    %swap3A_13 = arith.constant 0 : index
    %swap3A_14 = arith.constant 0 : index
    %swap3A_15 = vector.load %arg4[%swap3A, %swap3A_13, %swap3A_14] : memref<2x1280x128xf32, #tpu.memory_space<vmem>>, vector<1x1280x128xf32>
    %swap3A_16 = vector.shape_cast %swap3A_15 : vector<1x1280x128xf32> to vector<1280x128xf32>
    %swap3A_17 = vector.shape_cast %mul3A_12 : vector<1280x128xf32> to vector<1x1280x128xf32>
    tpu.vector_store %arg4[%swap3A, %swap3A_13, %swap3A_14], %swap3A_17 {strides = array<i32>} : memref<2x1280x128xf32, #tpu.memory_space<vmem>>, vector<1x1280x128xf32>,
    %swap3A_18 = arith.constant 1 : index
    %swap3A_19 = arith.constant 0 : index
    %swap3A_20 = arith.constant 0 : index
    %swap3A_21 = vector.load %arg4[%swap3A_18, %swap3A_19, %swap3A_20] : memref<2x1280x128xf32, #tpu.memory_space<vmem>>, vector<1x1280x128xf32>
    %swap3A_22 = vector.shape_cast %swap3A_21 : vector<1x1280x128xf32> to vector<1280x128xf32>
    %swap3A_23 = vector.shape_cast %mul3A_12 : vector<1280x128xf32> to vector<1x1280x128xf32>
    tpu.vector_store %arg4[%swap3A_18, %swap3A_19, %swap3A_20], %swap3A_23 {strides = array<i32>} : memref<2x1280x128xf32, #tpu.memory_space<vmem>>, vector<1x1280x128xf32>,
    %swap3A_24 = arith.constant 0 : index
    %swap3A_25 = arith.constant 0 : index
    %swap3A_26 = vector.load %arg5[%swap3A_24, %swap3A_25] : memref<1280x1xf32, #tpu.memory_space<vmem>>, vector<1280x1xf32>
    tpu.vector_store %arg5[%swap3A_24, %swap3A_25], %broadcast_in_dim3A {strides = array<i32>} : memref<1280x1xf32, #tpu.memory_space<vmem>>, vector<1280x1xf32>,
    return
  }
  func.func @transform_0(%arg0: i32) -> (i32, i32) {
    %c0_i32 = arith.constant 0 : i32
    %c0_i32_0 = arith.constant 0 : i32
    return %arg0, %c0_i32 : i32, i32
  }
  func.func @transform_1(%arg0: i32) -> (i32, i32) {
    %c0_i32 = arith.constant 0 : i32
    %c0_i32_0 = arith.constant 0 : i32
    return %arg0, %c0_i32 : i32, i32
  }
  func.func @transform_2(%arg0: i32) -> (i32, i32) {
    %add3A = arith.constant 8 : i32
    %add3A_0 = arith.addi %add3A, %arg0 : i32
    %c0_i32 = arith.constant 0 : i32
    %c0_i32_1 = arith.constant 0 : i32
    return %add3A_0, %c0_i32 : i32, i32
  }
  func.func @transform_3(%arg0: i32) -> (i32, i32, i32) {
    %c0_i32 = arith.constant 0 : i32
    %c0_i32_0 = arith.constant 0 : i32
    %c0_i32_1 = arith.constant 0 : i32
    return %c0_i32, %arg0, %c0_i32_0 : i32, i32, i32
  }
  func.func @transform_4(%arg0: i32) -> (i32, i32) {
    %c0_i32 = arith.constant 0 : i32
    %c0_i32_0 = arith.constant 0 : i32
    return %arg0, %c0_i32 : i32, i32
  }
}

module attributes {stable_mosaic.version = 14 : i64} {
  func.func @_tc_mid_body(%arg0: i32, %arg1: memref<1280x128xf32, #tpu.memory_space<vmem>>, %arg2: memref<1280x128xf32, #tpu.memory_space<vmem>>, %arg3: memref<1x1280x128xf32, #tpu.memory_space<vmem>>, %arg4: memref<1280x1xf32, #tpu.memory_space<vmem>>, %arg5: memref<128x256xf32, #tpu.memory_space<vmem>>, %arg6: memref<256xf32, #tpu.memory_space<vmem>>, %arg7: memref<256x128xf32, #tpu.memory_space<vmem>>, %arg8: memref<2x1280x128xf32, #tpu.memory_space<vmem>>) attributes {dimension_semantics = [#tpu.dimension_semantics<arbitrary>], iteration_bounds = array<i64: 8>, scalar_prefetch = 0 : i64, scratch_operands = 0 : i64, tpu.core_type = #tpu.core_type<tc>, window_params = [{transform_indices = @transform_0, window_bounds = array<i64: 1280, 128>}, {transform_indices = @transform_1, window_bounds = array<i64: 1280, 128>}, {transform_indices = @transform_2, window_bounds = array<i64: 1, 1280, 128>}, {transform_indices = @transform_3, window_bounds = array<i64: 1280, 1>}, {pipeline_mode = #tpu.pipeline_mode<synchronous>, transform_indices = @transform_4, window_bounds = array<i64: 128, 256>}, {pipeline_mode = #tpu.pipeline_mode<synchronous>, transform_indices = @transform_5, window_bounds = array<i64: 256>}, {pipeline_mode = #tpu.pipeline_mode<synchronous>, transform_indices = @transform_6, window_bounds = array<i64: 256, 128>}, {transform_indices = @transform_7, window_bounds = array<i64: 2, 1280, 128>}]} {
    %get3A = arith.constant 0 : index
    %get3A_0 = arith.constant 0 : index
    %get3A_1 = vector.load %arg4[%get3A, %get3A_0] : memref<1280x1xf32, #tpu.memory_space<vmem>>, vector<1280x1xf32>
    %get3A_2 = arith.constant 0 : index
    %get3A_3 = arith.constant 0 : index
    %get3A_4 = vector.load %arg1[%get3A_2, %get3A_3] : memref<1280x128xf32, #tpu.memory_space<vmem>>, vector<1280x128xf32>
    %get3A_5 = arith.constant 0 : index
    %get3A_6 = arith.constant 0 : index
    %get3A_7 = vector.load %arg2[%get3A_5, %get3A_6] : memref<1280x128xf32, #tpu.memory_space<vmem>>, vector<1280x128xf32>
    %add3A = arith.addf %get3A_4, %get3A_7 : vector<1280x128xf32>
    %get3A_8 = arith.constant 0 : index
    %get3A_9 = arith.constant 0 : index
    %get3A_10 = arith.constant 0 : index
    %get3A_11 = vector.load %arg3[%get3A_8, %get3A_9, %get3A_10] : memref<1x1280x128xf32, #tpu.memory_space<vmem>>, vector<1x1280x128xf32>
    %get3A_12 = vector.shape_cast %get3A_11 : vector<1x1280x128xf32> to vector<1280x128xf32>
    %sub3A = arith.subf %add3A, %get3A_12 : vector<1280x128xf32>
    %get3A_13 = arith.constant 0 : index
    %get3A_14 = arith.constant 0 : index
    %get3A_15 = vector.load %arg5[%get3A_13, %get3A_14] : memref<128x256xf32, #tpu.memory_space<vmem>>, vector<128x256xf32>
    %dot_general3A = arith.constant dense<0.000000e+00> : vector<1280x256xf32>
    %dot_general3A_16 = tpu.matmul %sub3A, %get3A_15, %dot_general3A {dimension_numbers = #tpu.dot_dimension_numbers<[1], [0], [0], [1], [0, 0, 1, 1], [], []>, transpose_lhs_hint = false} : vector<1280x128xf32>, vector<128x256xf32>, vector<1280x256xf32> -> vector<1280x256xf32>
    %mul3A = vector.broadcast %get3A_1 : vector<1280x1xf32> to vector<1280x256xf32>
    %mul3A_17 = arith.mulf %dot_general3A_16, %mul3A : vector<1280x256xf32>
    %get3A_18 = arith.constant 0 : index
    %get3A_19 = vector.load %arg6[%get3A_18] : memref<256xf32, #tpu.memory_space<vmem>>, vector<256xf32>
    %broadcast_in_dim3A = vector.shape_cast %get3A_19 : vector<256xf32> to vector<1x256xf32>
    %add3A_20 = vector.broadcast %broadcast_in_dim3A : vector<1x256xf32> to vector<1280x256xf32>
    %add3A_21 = arith.addf %mul3A_17, %add3A_20 : vector<1280x256xf32>
    %max3A = arith.constant 0.000000e+00 : f32
    %max3A_22 = vector.broadcast %max3A : f32 to vector<1280x256xf32>
    %max3A_23 = arith.maximumf %add3A_21, %max3A_22 : vector<1280x256xf32>
    %get3A_24 = arith.constant 0 : index
    %get3A_25 = arith.constant 0 : index
    %get3A_26 = vector.load %arg7[%get3A_24, %get3A_25] : memref<256x128xf32, #tpu.memory_space<vmem>>, vector<256x128xf32>
    %dot_general3A_27 = arith.constant dense<0.000000e+00> : vector<1280x128xf32>
    %dot_general3A_28 = tpu.matmul %max3A_23, %get3A_26, %dot_general3A_27 {dimension_numbers = #tpu.dot_dimension_numbers<[1], [0], [0], [1], [0, 0, 1, 1], [], []>, transpose_lhs_hint = false} : vector<1280x256xf32>, vector<256x128xf32>, vector<1280x128xf32> -> vector<1280x128xf32>
    %mul3A_29 = vector.broadcast %get3A_1 : vector<1280x1xf32> to vector<1280x128xf32>
    %mul3A_30 = arith.mulf %dot_general3A_28, %mul3A_29 : vector<1280x128xf32>
    %swap3A = arith.constant 0 : index
    %swap3A_31 = arith.constant 0 : index
    %swap3A_32 = arith.constant 0 : index
    %swap3A_33 = vector.load %arg8[%swap3A, %swap3A_31, %swap3A_32] : memref<2x1280x128xf32, #tpu.memory_space<vmem>>, vector<1x1280x128xf32>
    %swap3A_34 = vector.shape_cast %swap3A_33 : vector<1x1280x128xf32> to vector<1280x128xf32>
    %swap3A_35 = vector.shape_cast %mul3A_30 : vector<1280x128xf32> to vector<1x1280x128xf32>
    tpu.vector_store %arg8[%swap3A, %swap3A_31, %swap3A_32], %swap3A_35 {strides = array<i32>} : memref<2x1280x128xf32, #tpu.memory_space<vmem>>, vector<1x1280x128xf32>,
    %swap3A_36 = arith.constant 1 : index
    %swap3A_37 = arith.constant 0 : index
    %swap3A_38 = arith.constant 0 : index
    %swap3A_39 = vector.load %arg8[%swap3A_36, %swap3A_37, %swap3A_38] : memref<2x1280x128xf32, #tpu.memory_space<vmem>>, vector<1x1280x128xf32>
    %swap3A_40 = vector.shape_cast %swap3A_39 : vector<1x1280x128xf32> to vector<1280x128xf32>
    %swap3A_41 = vector.shape_cast %mul3A_30 : vector<1280x128xf32> to vector<1x1280x128xf32>
    tpu.vector_store %arg8[%swap3A_36, %swap3A_37, %swap3A_38], %swap3A_41 {strides = array<i32>} : memref<2x1280x128xf32, #tpu.memory_space<vmem>>, vector<1x1280x128xf32>,
    return
  }
  func.func @transform_0(%arg0: i32) -> (i32, i32) {
    %c0_i32 = arith.constant 0 : i32
    %c0_i32_0 = arith.constant 0 : i32
    return %arg0, %c0_i32 : i32, i32
  }
  func.func @transform_1(%arg0: i32) -> (i32, i32) {
    %add3A = arith.constant 8 : i32
    %add3A_0 = arith.addi %add3A, %arg0 : i32
    %c0_i32 = arith.constant 0 : i32
    %c0_i32_1 = arith.constant 0 : i32
    return %add3A_0, %c0_i32 : i32, i32
  }
  func.func @transform_2(%arg0: i32) -> (i32, i32, i32) {
    %c0_i32 = arith.constant 0 : i32
    %c0_i32_0 = arith.constant 0 : i32
    %c0_i32_1 = arith.constant 0 : i32
    return %c0_i32, %arg0, %c0_i32_0 : i32, i32, i32
  }
  func.func @transform_3(%arg0: i32) -> (i32, i32) {
    %c0_i32 = arith.constant 0 : i32
    %c0_i32_0 = arith.constant 0 : i32
    return %arg0, %c0_i32 : i32, i32
  }
  func.func @transform_4(%arg0: i32) -> (i32, i32) {
    %c0_i32 = arith.constant 0 : i32
    %c0_i32_0 = arith.constant 0 : i32
    %c0_i32_1 = arith.constant 0 : i32
    return %c0_i32, %c0_i32_0 : i32, i32
  }
  func.func @transform_5(%arg0: i32) -> i32 {
    %c0_i32 = arith.constant 0 : i32
    %c0_i32_0 = arith.constant 0 : i32
    return %c0_i32 : i32
  }
  func.func @transform_6(%arg0: i32) -> (i32, i32) {
    %c0_i32 = arith.constant 0 : i32
    %c0_i32_0 = arith.constant 0 : i32
    %c0_i32_1 = arith.constant 0 : i32
    return %c0_i32, %c0_i32_0 : i32, i32
  }
  func.func @transform_7(%arg0: i32) -> (i32, i32, i32) {
    %c0_i32 = arith.constant 0 : i32
    %c0_i32_0 = arith.constant 0 : i32
    %c0_i32_1 = arith.constant 0 : i32
    return %c0_i32, %arg0, %c0_i32_0 : i32, i32, i32
  }
}

module attributes {stable_mosaic.version = 14 : i64} {
  func.func @_tc_fin_body(%arg0: i32, %arg1: memref<1280x128xf32, #tpu.memory_space<vmem>>, %arg2: memref<1280x128xf32, #tpu.memory_space<vmem>>, %arg3: memref<1x1280x128xf32, #tpu.memory_space<vmem>>, %arg4: memref<1280x1xf32, #tpu.memory_space<vmem>>, %arg5: memref<128xf32, #tpu.memory_space<vmem>>, %arg6: memref<1280x128xf32, #tpu.memory_space<vmem>>) attributes {dimension_semantics = [#tpu.dimension_semantics<arbitrary>], iteration_bounds = array<i64: 8>, scalar_prefetch = 0 : i64, scratch_operands = 0 : i64, tpu.core_type = #tpu.core_type<tc>, window_params = [{transform_indices = @transform_0, window_bounds = array<i64: 1280, 128>}, {transform_indices = @transform_1, window_bounds = array<i64: 1280, 128>}, {transform_indices = @transform_2, window_bounds = array<i64: 1, 1280, 128>}, {transform_indices = @transform_3, window_bounds = array<i64: 1280, 1>}, {pipeline_mode = #tpu.pipeline_mode<synchronous>, transform_indices = @transform_4, window_bounds = array<i64: 128>}, {transform_indices = @transform_5, window_bounds = array<i64: 1280, 128>}]} {
    %get3A = arith.constant 0 : index
    %get3A_0 = arith.constant 0 : index
    %get3A_1 = vector.load %arg4[%get3A, %get3A_0] : memref<1280x1xf32, #tpu.memory_space<vmem>>, vector<1280x1xf32>
    %get3A_2 = arith.constant 0 : index
    %get3A_3 = arith.constant 0 : index
    %get3A_4 = vector.load %arg1[%get3A_2, %get3A_3] : memref<1280x128xf32, #tpu.memory_space<vmem>>, vector<1280x128xf32>
    %get3A_5 = arith.constant 0 : index
    %get3A_6 = arith.constant 0 : index
    %get3A_7 = vector.load %arg2[%get3A_5, %get3A_6] : memref<1280x128xf32, #tpu.memory_space<vmem>>, vector<1280x128xf32>
    %add3A = arith.addf %get3A_4, %get3A_7 : vector<1280x128xf32>
    %get3A_8 = arith.constant 0 : index
    %get3A_9 = arith.constant 0 : index
    %get3A_10 = arith.constant 0 : index
    %get3A_11 = vector.load %arg3[%get3A_8, %get3A_9, %get3A_10] : memref<1x1280x128xf32, #tpu.memory_space<vmem>>, vector<1x1280x128xf32>
    %get3A_12 = vector.shape_cast %get3A_11 : vector<1x1280x128xf32> to vector<1280x128xf32>
    %sub3A = arith.subf %add3A, %get3A_12 : vector<1280x128xf32>
    %mul3A = vector.broadcast %get3A_1 : vector<1280x1xf32> to vector<1280x128xf32>
    %mul3A_13 = arith.mulf %sub3A, %mul3A : vector<1280x128xf32>
    %get3A_14 = arith.constant 0 : index
    %get3A_15 = vector.load %arg5[%get3A_14] : memref<128xf32, #tpu.memory_space<vmem>>, vector<128xf32>
    %broadcast_in_dim3A = vector.shape_cast %get3A_15 : vector<128xf32> to vector<1x128xf32>
    %add3A_16 = vector.broadcast %broadcast_in_dim3A : vector<1x128xf32> to vector<1280x128xf32>
    %add3A_17 = arith.addf %mul3A_13, %add3A_16 : vector<1280x128xf32>
    %max3A = arith.constant 0.000000e+00 : f32
    %max3A_18 = vector.broadcast %max3A : f32 to vector<1280x128xf32>
    %max3A_19 = arith.maximumf %add3A_17, %max3A_18 : vector<1280x128xf32>
    %swap3A = arith.constant 0 : index
    %swap3A_20 = arith.constant 0 : index
    %swap3A_21 = vector.load %arg6[%swap3A, %swap3A_20] : memref<1280x128xf32, #tpu.memory_space<vmem>>, vector<1280x128xf32>
    tpu.vector_store %arg6[%swap3A, %swap3A_20], %max3A_19 {strides = array<i32>} : memref<1280x128xf32, #tpu.memory_space<vmem>>, vector<1280x128xf32>,
    return
  }
  func.func @transform_0(%arg0: i32) -> (i32, i32) {
    %c0_i32 = arith.constant 0 : i32
    %c0_i32_0 = arith.constant 0 : i32
    return %arg0, %c0_i32 : i32, i32
  }
  func.func @transform_1(%arg0: i32) -> (i32, i32) {
    %add3A = arith.constant 8 : i32
    %add3A_0 = arith.addi %add3A, %arg0 : i32
    %c0_i32 = arith.constant 0 : i32
    %c0_i32_1 = arith.constant 0 : i32
    return %add3A_0, %c0_i32 : i32, i32
  }
  func.func @transform_2(%arg0: i32) -> (i32, i32, i32) {
    %c0_i32 = arith.constant 0 : i32
    %c0_i32_0 = arith.constant 0 : i32
    %c0_i32_1 = arith.constant 0 : i32
    return %c0_i32, %arg0, %c0_i32_0 : i32, i32, i32
  }
  func.func @transform_3(%arg0: i32) -> (i32, i32) {
    %c0_i32 = arith.constant 0 : i32
    %c0_i32_0 = arith.constant 0 : i32
    return %arg0, %c0_i32 : i32, i32
  }
  func.func @transform_4(%arg0: i32) -> i32 {
    %c0_i32 = arith.constant 0 : i32
    %c0_i32_0 = arith.constant 0 : i32
    return %c0_i32 : i32
  }
  func.func @transform_5(%arg0: i32) -> (i32, i32) {
    %c0_i32 = arith.constant 0 : i32
    %c0_i32_0 = arith.constant 0 : i32
    return %arg0, %c0_i32 : i32, i32
  }
}

</mosaic_0001>

<sc_bundles>
// kernel: kernel.11.cloned.1.call-start
scs
__scs_entry_jumppad:
0x0: {  	(pc) =	sbr.rel $0x88, $3  }
0x1: {  	(tag) =	ssettag $0x0;
	lr =	simm.s32 $0x1  }
0x2: {  	[smem:$0x3F9B] =	sst lr;
	_ =	strace $0xD0000000  }
0x3: {  	_ = 	snop  }
0x4: {  	_ = 	snop  }
0x5: {  	_ = 	snop  }
0x6: {  	_ = 	snop  }
0x7: {  	_ = 	snop  }
__scs_overlays_trampoline_lowered:
0x8: {  	[smem:$0x3FAA] =	sst s0  }
0x9: {  	[smem:$0x3FAB] =	sst s1  }
0xa: {  	[smem:$0x3FAC] =	sst s2  }
0xb: {  	[smem:$0x3FAD] =	sst s3  }
0xc: {  	[smem:$0x3FAE] =	sst s4  }
0xd: {  	[smem:$0x3FAF] =	sst s5  }
0xe: {  	[smem:$0x3FB0] =	sst s6  }
0xf: {  	[smem:$0x3FB1] =	sst s7  }
0x10: {  	[smem:$0x3FB2] =	sst s8  }
0x11: {  	[smem:$0x3FB3] =	sst s9;
	s0 =	simm.s32 @!p0 $0x0  }
0x12: {  	s1 =	sld [smem:$0x3F99];
	s0 =	simm.s32 @p0 $0x1  }
0x13: {  	[smem:$0x3FB4] =	sst s0;
	s0 =	simm.s32 @!p1 $0x0  }
0x14: {  	s2 =	sld [smem:$0x3F98];
	s0 =	simm.s32 @p1 $0x1  }
0x15: {  	[smem:$0x3FB5] =	sst s0;
	s0 =	simm.s32 @!p2 $0x0  }
0x16: {  	s3 =	sld [smem:$0x3FDB];
	s0 =	simm.s32 @p2 $0x1  }
0x17: {  	s4 =	simm.s32 $0x1BF5;
	[smem:$0x3FB7] =	sst s0  }
0x18: {  	s0 =	sld [smem:$0x3F9A];
	_ =	swait.ge [sflag:s4], $0x0  }
0x19: {  	s7 =	sld [smem:$0x3F9B]  }
0x1a: {  	s8 =	sadd.s32 $0xFFFFE003, lr  }
0x1b: {  	s9 =	sadd.s32 $0xFFFFFEF7, lr;
	s5 =	simm.s32 $0xFFFFFFFF;
	p2 =	slt.u32 s8, $0xFFFFF086  }
0x1c: {  	p1 =	slt.u32 s9, $0xF7A;
	s5 =	simm.s32 @!p2 $0x0  }
0x1d: {  	s5 =	simm.s32 @p1 $0x1;
	p0 =	seq.s32 s7, s2  }
0x1e: {  	s7 =	smul.u32 @!p0 $0xF7A, s2;
	p2 =	seq.s32 @!p0 s5, $0x0  }
0x1f: {  	s9 =	smul.u32 $0xF7A, s1;
	s8 =	simm.s32 @!p0 $0x1BF5;
	p2 =	por !p2, p0  }
0x20: {  	[sflag:s8] =	ssyncset.s32 @!p0 $0xFFFFF086;
	s6 =	sadd.s32 @!p0 s3, s7;
	s7 =	simm.s32 @!p0 $0x108  }
0x21: {  	s3 =	sadd.s32 s3, s9;
	s6 =	sadd.s32 @!p0 $0x88, s6;
	s7 =	simm.s32 @p2 $0x1082  }
0x22: {  	[simem:s7], [sflag:s8] =	dma.local @!p0 [hbm:s6], $0xF7A  }
0x23: {  	s9 =	sor.u32 $0xD0000000, s2;
	s6 =	simm.s32 $0x108;
	_ =	swait.ge @!p0 [sflag:s8], $0x0  }
0x24: {  	s3 =	sadd.s32 $0x88, s3;
	s6 =	simm.s32 @!p1 $0x1082;
	[sflag:s4] =	ssyncset.s32 $0xFFFFF086  }
0x25: {  	[simem:s6], [sflag:s4] =	dma.local [hbm:s3], $0xF7A  }
0x26: {  	[smem:$0x3F9B] =	sst s1;
	(tag) =	ssettag s2;
	_ =	strace s9  }
0x27: {  	s1 =	sld [smem:$0x3FAB]  }
0x28: {  	s2 =	sld [smem:$0x3FAC]  }
0x29: {  	s4 =	sld [smem:$0x3FAE]  }
0x2a: {  	p0 =	seq.s32 s5, $0x0;
	s5 =	sld [smem:$0x3FAF]  }
0x2b: {  	s6 =	sld [smem:$0x3FB0]  }
0x2c: {  	s7 =	sld [smem:$0x3FB1]  }
0x2d: {  	s3 =	simm.s32 $0x108;
	s8 =	sld [smem:$0x3FB2]  }
0x2e: {  	s3 =	simm.s32 @!p0 $0x1082;
	s9 =	sld [smem:$0x3FB3]  }
0x2f: {  	lr =	sadd.s32 s0, s3;
	s0 =	sld [smem:$0x3FAA]  }
0x30: {  	s3 =	sld [smem:$0x3FAD]  }
0x31: {  	[smem:$0x3FB6] =	sst s10  }
0x32: {  	s10 =	sld [smem:$0x3FB4];
	_ =	sdelay $0x3  }
0x33: {  	p0 =	seq.s32 s10, $0x1;
	s10 =	sld [smem:$0x3FB6];
	_ =	sdelay $0x3  }
0x34: {  	[smem:$0x3FB6] =	sst s10  }
0x35: {  	s10 =	sld [smem:$0x3FB5];
	_ =	sdelay $0x3  }
0x36: {  	p1 =	seq.s32 s10, $0x1;
	s10 =	sld [smem:$0x3FB6];
	_ =	sdelay $0x3  }
0x37: {  	[smem:$0x3FB6] =	sst s10  }
0x38: {  	s10 =	sld [smem:$0x3FB7]  }
0x39: {  	_ = 	snop;
	(pc) =	sbr.ind lr, $3  }
0x3a: {  	_ = 	snop  }
0x3b: {  	_ = 	snop  }
0x3c: {  	p2 =	seq.s32 s10, $0x1;
	s10 =	sld [smem:$0x3FB6]  }
0x3d: {  	_ =	shalt  }
0x3e: {  	_ =	shalt  }
0x3f: {  	_ =	shalt  }
0x40: {  	_ =	shalt  }
0x41: {  	_ =	shalt  }
0x42: {  	_ =	shalt  }
0x43: {  	_ =	shalt  }
0x44: {  	_ =	shalt  }
0x45: {  	_ =	shalt  }
0x46: {  	_ =	shalt  }
0x47: {  	_ =	shalt  }
0x48: {  	_ =	shalt  }
0x49: {  	_ =	shalt  }
0x4a: {  	_ =	shalt  }
0x4b: {  	_ =	shalt  }
0x4c: {  	_ =	shalt  }
0x4d: {  	_ =	shalt  }
0x4e: {  	_ =	shalt  }
0x4f: {  	_ =	shalt  }
0x50: {  	_ =	shalt  }
0x51: {  	_ =	shalt  }
0x52: {  	_ =	shalt  }
0x53: {  	_ =	shalt  }
0x54: {  	_ =	shalt  }
0x55: {  	_ =	shalt  }
0x56: {  	_ =	shalt  }
0x57: {  	_ =	shalt  }
0x58: {  	_ =	shalt  }
0x59: {  	_ =	shalt  }
0x5a: {  	_ =	shalt  }
0x5b: {  	_ =	shalt  }
0x5c: {  	_ =	shalt  }
0x5d: {  	_ =	shalt  }
0x5e: {  	_ =	shalt  }
0x5f: {  	_ =	shalt  }
0x60: {  	_ =	shalt  }
0x61: {  	_ =	shalt  }
0x62: {  	_ =	shalt  }
0x63: {  	_ =	shalt  }
0x64: {  	_ =	shalt  }
0x65: {  	_ =	shalt  }
0x66: {  	_ =	shalt  }
0x67: {  	_ =	shalt  }
0x68: {  	_ =	shalt  }
0x69: {  	_ =	shalt  }
0x6a: {  	_ =	shalt  }
0x6b: {  	_ =	shalt  }
0x6c: {  	_ =	shalt  }
0x6d: {  	_ =	shalt  }
0x6e: {  	_ =	shalt  }
0x6f: {  	_ =	shalt  }
0x70: {  	_ =	shalt  }
0x71: {  	_ =	shalt  }
0x72: {  	_ =	shalt  }
0x73: {  	_ =	shalt  }
0x74: {  	_ =	shalt  }
0x75: {  	_ =	shalt  }
0x76: {  	_ =	shalt  }
0x77: {  	_ =	shalt  }
0x78: {  	_ =	shalt  }
0x79: {  	_ =	shalt  }
0x7a: {  	_ =	shalt  }
0x7b: {  	_ =	shalt  }
0x7c: {  	_ =	shalt  }
0x7d: {  	_ =	shalt  }
0x7e: {  	_ =	shalt  }
0x7f: {  	_ =	shalt  }
0x80: {  	_ =	shalt  }
0x81: {  	_ =	shalt  }
0x82: {  	_ =	shalt  }
0x83: {  	_ =	shalt  }
0x84: {  	_ =	shalt  }
0x85: {  	_ =	shalt  }
0x86: {  	_ =	shalt  }
0x87: {  	_ =	shalt  }
.Lfunc_end0:
.L_simem_size_0:
called_computation.1_lowered:
.L_overlay_start_0:
0x88: {  	s2 =	sld [smem:$0x3FD9]  }
0x89: {  	s3 =	sld [smem:$0x3FFE];
	_ =	sdelay $0x1  }
0x8a: {  	s1 =	srdreg.scid  }
0x8b: {  	s0 =	sand.u32 $0x1, s1  }
0x8c: {  	s17 =	sshll.u32 s0, $0xA;
	s2 =	sadd.s32 s3, s2  }
0x8d: {  	s2 =	sadd.s32 s2, s17  }
0x8e: {  	[smem:$0x3FC2] =	sst s2  }
0x8f: {  	_ = 	snop  }
0x90: {  	s2 =	sld [smem:$0x3FD0];
	(tm) =	ssettm $0x1  }
0x91: {  	s18 =	sld [smem:$0x3FFB];
	_ =	sdelay $0x3  }
0x92: {  	_ =	strace s18  }
0x93: {  	s3 =	sld [smem:$0x3FFC];
	_ =	sdelay $0x3  }
0x94: {  	_ =	strace s3  }
0x95: {  	s3 =	sld [smem:$0x3FFD];
	_ =	sdelay $0x3  }
0x96: {  	_ =	strace s3  }
0x97: {  	_ =	strace $0x8FFFFFFF  }
0x98: {  	s19 =	sld [smem:$0x3FDB];
	_ =	sdelay $0x1  }
0x99: {  	s4 =	simm.s32 $_scs_section_size  }
0x9a: {  	s5 =	simm.s32 $_size__tile_overlayer_lowered;
	s6 =	simm.s32 $_tile_overlayer_lowered  }
0x9b: {  	s22 =	simm.s32 $0x1BFF;
	s21 =	sshll.u32 s6, $0x1;
	s3 =	sadd.s32 s4, s19  }
0x9c: {  	s7 =	simm.s32 $0x0;
	s20 =	sshll.u32 s5, $0x1;
	s5 =	sadd.s32 s21, s3  }
0x9d: {  	[timem:s7], [sflag:s22] =	dma.local [hbm:s5], s20  }
0x9e: {  	_ =	swait.ge [sflag:s22], s20  }
0x9f: {  	s4 =	ssub.s32 $0x0, s20;
	[sflag:s22] =	ssyncset.done $0x0  }
0xa0: {  	[sflag:s22] =	ssyncadd.s32 s4;
	_ =	sdelay $0x1  }
0xa1: {  	s23 =	simm.s32 $0x1B8B  }
0xa2: {  	_ =	swait.ge [sflag:s23], $0x1  }
0xa3: {  	[sflag:s23] =	ssyncset.done $0x0  }
0xa4: {  	s25 =	simm.s32 $0x1B8E;
	s24 =	sld [smem:$0x3FFE];
	[sflag:s23] =	ssyncadd.s32 $0xFFFFFFFF  }
0xa5: {  	s26 =	simm.s32 $execute0_lowered;
	[smem:$0x3FD2] =	sst s25  }
0xa6: {  	s5 =	sshll.u32 s26, $0x1;
	_ =	strace $0x80000049;
	[dreg:$0x1] =	wrdreg $0xFFFFFFFF  }
0xa7: {  	s28 =	simm.s32 $_size_execute0_lowered;
	s3 =	sadd.s32 s3, s5;
	[dreg:$0x0] =	wrdreg $0x0  }
0xa8: {  	s5 =	sshll.u32 s28, $0x1;
	[dreg:$0x2] =	wrdreg s3  }
0xa9: {  	[dreg:$0x3] =	wrdreg s5  }
0xaa: {  	[dreg:$0x4] =	wrdreg $0xC0  }
0xab: {  	_ =	task [dreg:s7], $0x5FFFF  }
0xac: {  	[dreg:$0x1] =	wrdreg $0xFFFFFFFF  }
0xad: {  	[dreg:$0x0] =	wrdreg $0x60  }
0xae: {  	[dreg:$0x2] =	wrdreg s24  }
0xaf: {  	[dreg:$0x3] =	wrdreg s2  }
0xb0: {  	[dreg:$0x4] =	wrdreg $0x0  }
0xb1: {  	[dreg:$0x5] =	wrdreg $0x9  }
0xb2: {  	_ =	task.clear_ibuf [dreg:s7], $0x6FFFF;
	_ =	strace $0x90000049  }
0xb3: {  	s29 =	simm.s32 $0x9;
	_ =	strace $0x8000004B  }
0xb4: {  	_ =	swait.ge [sflag:s29], $0x1  }
0xb5: {  	[sflag:s29] =	ssyncadd.s32 $0xFFFFFFFF  }
0xb6: {  	_ =	strace $0x9000004B  }
0xb7: {  	_ =	sfence  }
0xb8: {  	s30 =	sld [smem:$0x0];
	_ =	sdelay $0x2  }
0xb9: {  	s31 =	sshll.u32 s1, $0xD;
	s1 =	sshrl.u32 s1, $0x2  }
0xba: {  	s3 =	sand.u32 $0x4000, s31;
	s1 =	sadd.s32 s1, s30  }
0xbb: {  	s0 =	sor.u32 s3, s0;
	s1 =	sshll.u32 s1, $0x11  }
0xbc: {  	s0 =	sor.u32 s1, s0  }
0xbd: {  	s0 =	sadd.s32 $0x8F2B, s0  }
0xbe: {  	[sflag:s0] =	ssyncadd.remote.s32 $0x1  }
0xbf: {  	_ =	sfence.sel $0xFFFF  }
0xc0: {  	[dreg:$0x0] =	wrdreg $0xFFFFFFFF;
	(pc) =	sbr.abs _section_cstart, $3  }
0xc1: {  	[dreg:$0x1] =	wrdreg $0xFFFFFFFF  }
0xc2: {  	_ =	task.clear_ibuf [dreg:s7], $0x2FFFF;
	_ =	strace $0x9FFFFFFF  }
0xc3: {  	(tm) =	ssettm $0x7FFFFFFF  }
tec
execute0_lowered:
.L_overlay_start_1:
0x0: {  	(tag) =	ssettag $0x1  }
0x1: {  	s0 =	rddreg [dreg:$0x0]  }
0x2: {  	s2 =	rddreg [dreg:$0x1];
	s14 =	stileid.u32  }
0x3: {  	s1 =	rddreg [dreg:$0x2];
	s6 =	smul.u32 $0x280, s14  }
0x4: {  	s3 =	srdreg.scid;
	s4 =	simm.s32 $0x0;
	s8 =	smul.u32 $0x50, s14  }
0x5: {  	s28 =	simm.s32 $0x1B000;
	s29 =	simm.s32 $0x1C000;
	s10 =	smul.u32 $0x50000, s14  }
0x6: {  	s30 =	simm.s32 $0x1;
	s3 =	sand.u32 $0x1, s3;
	s23 =	smul.u32 $0x500, s14  }
0x7: {  	s31 =	simm.s32 $0x80;
	[smem:$0x7FF] =	sst s4;
	s5 =	smul.u32 $0x2800, s3  }
0x8: {  	s4 =	sadd.s32 $0xBE00, s0;
	s11 =	sadd.s32 $0x1E00, s0;
	s7 =	smul.u32 $0x500, s3  }
0x9: {  	s19 =	sshll.u32 s14, $0x6;
	s14 =	simm.s32 $0x7;
	s18 =	smul.u32 $0xA00, s3  }
0xa: {  	_ =	strace $0x8000004A;
	s16 =	ssub.s32 $0x2, s3;
	s21 =	smul.u32 $0xF000, s3  }
0xb: {  	s3 =	smul.u32 $0x5000, s3;
	s9 =	sshrl.u32 s16, $0x1;
	s17 =	sshrl.u32 s10, $0x2  }
0xc: {  	s5 =	sadd.s32 s6, s5;
	s12 =	ssub.s32 s16, s9;
	s7 =	sadd.s32 s8, s7  }
0xd: {  	s13 =	sadd.s32 s17, s1;
	s6 =	sor.u32 $0x1C07, s19;
	s24 =	sadd.s32 s21, s2  }
0xe: {  	s25 =	sadd.s32 s3, s11;
	s17 =	simm.s32 $0x20;
	s16 =	simm.s32 $0x4  }
0xf: {  	s19 =	simm.s32 $0x0;
	s5 =	sshll.u32 s5, $0x4;
	s20 =	sadd.s32 s18, s7  }
0x10: {  	s7 =	sshll.u32 s7, $0x4;
	s26 =	smax.u32 s12, $0x1;
	s13 =	sshrl.u32 s13, $0x3  }
0x11: {  	s0 =	sadd.s32 s5, s0;
	s5 =	sadd.s32 s4, s5;
	[dreg:$0x8] =	wrdreg s26  }
0x12: {  	s18 =	simm.s32 $0x15000;
	s22 =	sadd.s32 s11, s7;
	[dreg:$0x4] =	wrdreg s5  }
0x13: {  	s26 =	simm.s32 $0x1A000;
	s5 =	sshll.u32 s20, $0x4;
	[dreg:$0x6] =	wrdreg s22  }
.Ltmp0:
0x14: {  	s0 =	sadd.s32 $0x5BE00, s0;
	s20 =	simm.s32 $0x16000;
	(pc) =	sbr.rel .LBB2_1-.Ltmp0, $4  }
0x15: {  	s22 =	simm.s32 $0x17000;
	s5 =	sadd.s32 s2, s5;
	[dreg:$0x7] =	wrdreg s0  }
0x16: {  	s0 =	sadd.s32 s23, s24;
	s2 =	sadd.s32 s23, s25;
	s24 =	simm.s32 $0x18000  }
0x17: {  	s25 =	simm.s32 $0x19000;
	[dreg:$0x5] =	wrdreg s5;
	s3 =	sadd.s32 $0x80, s0  }
0x18: {  	s23 =	sadd.s32 $0x80, s2;
	s0 =	simm.s32 $0x3;
	s2 =	simm.s32 $0x2  }
.LBB2_5:
0x19: {  	_ =	swait.ge [sflag:s16], $0x4000  }
0x1a: {  	[sflag:s16] =	ssyncset.done $0x0  }
0x1b: {  	[sflag:s16] =	ssyncadd.s32 $0xFFFFC000  }
0x1c: {  	[bflag:$0x0] =	sbarrier.arrive $0xFFFF  }
0x1d: {  	s5 =	rddreg [dreg:$0x7]  }
0x1e: {  	[hbm:s5], [sflag:s6] =	dma.local [spmem:s13], $0x2800  }
0x1f: {  	_ =	swait.ge [sflag:s14], $0x2800  }
0x20: {  	s19 =	sadd.s32 $0x1, s19;
	s21 =	rddreg [dreg:$0x8]  }
0x21: {  	p0 =	sne.s32 s19, s21  }
.Ltmp1:
0x22: {  	_ = 	snop;
	(pc) =	sbr.rel @!p0 .LBB2_6-.Ltmp1, $3  }
0x23: {  	_ =	sdelay $0x1  }
0x24: {  	[sflag:s14] =	ssyncset.done $0x0  }
0x25: {  	[sflag:s14] =	ssyncadd.s32 $0xFFFFD800  }
.LBB2_1:
0x26: {  	s5 =	rddreg [dreg:$0x4]  }
0x27: {  	[spmem:s13], [sflag:s6] =	dma.local [hbm:s5], $0x2800  }
0x28: {  	_ =	swait.ge [sflag:s14], $0x2800  }
0x29: {  	[sflag:s14] =	ssyncset.done $0x0  }
0x2a: {  	[sflag:s14] =	ssyncadd.s32 $0xFFFFD800  }
0x2b: {  	[bflag:$0x0] =	sbarrier.arrive $0xFFFF  }
0x2c: {  	s10 =	simm.s32 $0x0;
	s8 =	simm.s32 $0x14000;
	s7 =	rddreg [dreg:$0x5]  }
0x2d: {  	[tilespmem:s8], [sflag:$0x7] =	stream.linear.gather [hbm4b:s7+s10], $0x400, $0x38;
	[tilespmem:$0x1D000] =	vst v63  }
0x2e: {  	_ =	swait.ge [sflag:s14], $0x400  }
0x2f: {  	[sflag:s14] =	ssyncset.done $0x0  }
0x30: {  	s9 =	simm.s32 $0x14800;
	s11 =	rddreg [dreg:$0x6];
	[sflag:s14] =	ssyncadd.s32 $0xFFFFFC00  }
0x31: {  	[tilespmem:s9], [sflag:$0x7] =	stream.linear.gather [hbm4b:s11+s10], $0x400, $0x38;
	[tilespmem:$0x1D000] =	vst v63  }
0x32: {  	_ =	swait.ge [sflag:s14], $0x400  }
0x33: {  	[sflag:s14] =	ssyncset.done $0x0  }
0x34: {  	[sflag:s14] =	ssyncadd.s32 $0xFFFFFC00  }
0x35: {  	[tilespmem:s18], [sflag:$0x1] =	stream.indirect.gather [hbm4b:s4+s17], $0x80, s8, s17, $0xb8;
	[tilespmem:$0x1D000] =	vst v63  }
0x36: {  	s12 =	simm.s32 $0x14020  }
0x37: {  	[tilespmem:s20], [sflag:$0x1] =	stream.indirect.gather [hbm4b:s4+s17], $0x80, s12, s17, $0xb8;
	[tilespmem:$0x1D000] =	vst v63  }
.Ltmp2:
0x38: {  	s15 =	simm.s32 $0x14040;
	(pc) =	sbr.rel .LBB2_2-.Ltmp2, $4  }
0x39: {  	[tilespmem:s22], [sflag:$0x1] =	stream.indirect.gather [hbm4b:s4+s17], $0x80, s15, s17, $0xb8;
	[tilespmem:$0x1D000] =	vst v63  }
0x3a: {  	s21 =	simm.s32 $0x14060;
	s5 =	simm.s32 $0x0  }
0x3b: {  	[tilespmem:s24], [sflag:$0x1] =	stream.indirect.gather [hbm4b:s4+s17], $0x80, s21, s17, $0xb8;
	[tilespmem:$0x1D000] =	vst v63  }
0x3c: {  	s11 =	smov.u32 s3;
	s12 =	smov.u32 s23;
	s21 =	simm.s32 $0x0  }
.LBB2_4:
0x3d: {  	s7 =	sshll.u32 s7, $0x7  }
0x3e: {  	s8 =	sor.u32 $0x14080, s7  }
0x3f: {  	[tilespmem:s25], [sflag:$0x2] =	stream.indirect.gather [hbm4b:s4+s17], $0x80, s8, s17, $0xb8;
	[tilespmem:$0x1D000] =	vst v63  }
0x40: {  	s15 =	sadd.s32 $0x140A0, s7  }
0x41: {  	[tilespmem:s26], [sflag:$0x2] =	stream.indirect.gather [hbm4b:s4+s17], $0x80, s15, s17, $0xb8;
	[tilespmem:$0x1D000] =	vst v63  }
0x42: {  	s9 =	sadd.s32 $0x140C0, s7  }
0x43: {  	[tilespmem:s28], [sflag:$0x2] =	stream.indirect.gather [hbm4b:s4+s17], $0x80, s9, s17, $0xb8;
	[tilespmem:$0x1D000] =	vst v63  }
0x44: {  	s10 =	sadd.s32 $0x140E0, s7  }
0x45: {  	[tilespmem:s29], [sflag:$0x2] =	stream.indirect.gather [hbm4b:s4+s17], $0x80, s10, s17, $0xb8;
	[tilespmem:$0x1D000] =	vst v63  }
0x46: {  	_ =	swait.ge [sflag:s30], $0x4000  }
0x47: {  	[sflag:s30] =	ssyncset.done $0x0  }
0x48: {  	s15 =	sor.u32 $0x14800, s7;
	[sflag:s30] =	ssyncadd.s32 $0xFFFFC000  }
0x49: {  	[spmem:s1] =	stream.indirect.scatter.add.f32 [tilespmem:s18], [sflag:$0x3], $0x80, s15, s31, $0xb8;
	[tilespmem:$0x1D000] =	vst v63  }
0x4a: {  	_ =	swait.ge [sflag:s0], $0x4000  }
0x4b: {  	[sflag:s0] =	ssyncset.done $0x0  }
0x4c: {  	s9 =	sor.u32 $0x14100, s7;
	[sflag:s0] =	ssyncadd.s32 $0xFFFFC000  }
0x4d: {  	[tilespmem:s18], [sflag:$0x1] =	stream.indirect.gather [hbm4b:s4+s17], $0x80, s9, s17, $0xb8;
	[tilespmem:$0x1D000] =	vst v63  }
0x4e: {  	s10 =	sadd.s32 $0x14120, s7  }
0x4f: {  	[tilespmem:s20], [sflag:$0x1] =	stream.indirect.gather [hbm4b:s4+s17], $0x80, s10, s17, $0xb8;
	[tilespmem:$0x1D000] =	vst v63  }
0x50: {  	s15 =	sadd.s32 $0x14140, s7  }
0x51: {  	[tilespmem:s22], [sflag:$0x1] =	stream.indirect.gather [hbm4b:s4+s17], $0x80, s15, s17, $0xb8;
	[tilespmem:$0x1D000] =	vst v63  }
0x52: {  	s9 =	sadd.s32 $0x14160, s7  }
0x53: {  	[tilespmem:s24], [sflag:$0x1] =	stream.indirect.gather [hbm4b:s4+s17], $0x80, s9, s17, $0xb8;
	[tilespmem:$0x1D000] =	vst v63  }
0x54: {  	_ =	swait.ge [sflag:s2], $0x4000  }
0x55: {  	[sflag:s2] =	ssyncset.done $0x0  }
0x56: {  	s10 =	sor.u32 $0x14880, s7;
	[sflag:s2] =	ssyncadd.s32 $0xFFFFC000  }
0x57: {  	[spmem:s1] =	stream.indirect.scatter.add.f32 [tilespmem:s25], [sflag:$0x4], $0x80, s10, s31, $0xb8;
	[tilespmem:$0x1D000] =	vst v63  }
0x58: {  	_ =	swait.ge [sflag:s16], $0x4000  }
0x59: {  	[sflag:s16] =	ssyncset.done $0x0  }
0x5a: {  	s15 =	sor.u32 $0x14180, s7;
	[sflag:s16] =	ssyncadd.s32 $0xFFFFC000  }
0x5b: {  	[tilespmem:s25], [sflag:$0x2] =	stream.indirect.gather [hbm4b:s4+s17], $0x80, s15, s17, $0xb8;
	[tilespmem:$0x1D000] =	vst v63  }
0x5c: {  	s9 =	sadd.s32 $0x141A0, s7  }
0x5d: {  	[tilespmem:s26], [sflag:$0x2] =	stream.indirect.gather [hbm4b:s4+s17], $0x80, s9, s17, $0xb8;
	[tilespmem:$0x1D000] =	vst v63  }
0x5e: {  	s10 =	sadd.s32 $0x141C0, s7  }
0x5f: {  	[tilespmem:s28], [sflag:$0x2] =	stream.indirect.gather [hbm4b:s4+s17], $0x80, s10, s17, $0xb8;
	[tilespmem:$0x1D000] =	vst v63  }
0x60: {  	s15 =	sadd.s32 $0x141E0, s7  }
0x61: {  	[tilespmem:s29], [sflag:$0x2] =	stream.indirect.gather [hbm4b:s4+s17], $0x80, s15, s17, $0xb8;
	[tilespmem:$0x1D000] =	vst v63  }
0x62: {  	_ =	swait.ge [sflag:s30], $0x4000  }
0x63: {  	[sflag:s30] =	ssyncset.done $0x0  }
0x64: {  	s9 =	sor.u32 $0x14900, s7;
	[sflag:s30] =	ssyncadd.s32 $0xFFFFC000  }
0x65: {  	[spmem:s1] =	stream.indirect.scatter.add.f32 [tilespmem:s18], [sflag:$0x3], $0x80, s9, s31, $0xb8;
	[tilespmem:$0x1D000] =	vst v63  }
0x66: {  	_ =	swait.ge [sflag:s0], $0x4000  }
0x67: {  	[sflag:s0] =	ssyncset.done $0x0  }
0x68: {  	s10 =	sor.u32 $0x14200, s7;
	[sflag:s0] =	ssyncadd.s32 $0xFFFFC000  }
0x69: {  	[tilespmem:s18], [sflag:$0x1] =	stream.indirect.gather [hbm4b:s4+s17], $0x80, s10, s17, $0xb8;
	[tilespmem:$0x1D000] =	vst v63  }
0x6a: {  	s15 =	sadd.s32 $0x14220, s7  }
0x6b: {  	[tilespmem:s20], [sflag:$0x1] =	stream.indirect.gather [hbm4b:s4+s17], $0x80, s15, s17, $0xb8;
	[tilespmem:$0x1D000] =	vst v63  }
0x6c: {  	s9 =	sadd.s32 $0x14240, s7  }
0x6d: {  	[tilespmem:s22], [sflag:$0x1] =	stream.indirect.gather [hbm4b:s4+s17], $0x80, s9, s17, $0xb8;
	[tilespmem:$0x1D000] =	vst v63  }
0x6e: {  	s10 =	sadd.s32 $0x14260, s7  }
0x6f: {  	[tilespmem:s24], [sflag:$0x1] =	stream.indirect.gather [hbm4b:s4+s17], $0x80, s10, s17, $0xb8;
	[tilespmem:$0x1D000] =	vst v63  }
0x70: {  	_ =	swait.ge [sflag:s2], $0x4000  }
0x71: {  	[sflag:s2] =	ssyncset.done $0x0  }
0x72: {  	s15 =	sor.u32 $0x14980, s7;
	[sflag:s2] =	ssyncadd.s32 $0xFFFFC000  }
0x73: {  	[spmem:s1] =	stream.indirect.scatter.add.f32 [tilespmem:s25], [sflag:$0x4], $0x80, s15, s31, $0xb8;
	[tilespmem:$0x1D000] =	vst v63  }
0x74: {  	_ =	swait.ge [sflag:s16], $0x4000  }
0x75: {  	[sflag:s16] =	ssyncset.done $0x0  }
0x76: {  	s9 =	sor.u32 $0x14280, s7;
	[sflag:s16] =	ssyncadd.s32 $0xFFFFC000  }
0x77: {  	[tilespmem:s25], [sflag:$0x2] =	stream.indirect.gather [hbm4b:s4+s17], $0x80, s9, s17, $0xb8;
	[tilespmem:$0x1D000] =	vst v63  }
0x78: {  	s10 =	sadd.s32 $0x142A0, s7  }
0x79: {  	[tilespmem:s26], [sflag:$0x2] =	stream.indirect.gather [hbm4b:s4+s17], $0x80, s10, s17, $0xb8;
	[tilespmem:$0x1D000] =	vst v63  }
0x7a: {  	s15 =	sadd.s32 $0x142C0, s7  }
0x7b: {  	[tilespmem:s28], [sflag:$0x2] =	stream.indirect.gather [hbm4b:s4+s17], $0x80, s15, s17, $0xb8;
	[tilespmem:$0x1D000] =	vst v63  }
0x7c: {  	s9 =	sadd.s32 $0x142E0, s7  }
0x7d: {  	[tilespmem:s29], [sflag:$0x2] =	stream.indirect.gather [hbm4b:s4+s17], $0x80, s9, s17, $0xb8;
	[tilespmem:$0x1D000] =	vst v63  }
0x7e: {  	_ =	swait.ge [sflag:s30], $0x4000  }
0x7f: {  	[sflag:s30] =	ssyncset.done $0x0  }
0x80: {  	s10 =	sor.u32 $0x14A00, s7;
	[sflag:s30] =	ssyncadd.s32 $0xFFFFC000  }
0x81: {  	[spmem:s1] =	stream.indirect.scatter.add.f32 [tilespmem:s18], [sflag:$0x3], $0x80, s10, s31, $0xb8;
	[tilespmem:$0x1D000] =	vst v63  }
0x82: {  	_ =	swait.ge [sflag:s0], $0x4000  }
0x83: {  	[sflag:s0] =	ssyncset.done $0x0  }
0x84: {  	s15 =	sor.u32 $0x14300, s7;
	[sflag:s0] =	ssyncadd.s32 $0xFFFFC000  }
0x85: {  	[tilespmem:s18], [sflag:$0x1] =	stream.indirect.gather [hbm4b:s4+s17], $0x80, s15, s17, $0xb8;
	[tilespmem:$0x1D000] =	vst v63  }
0x86: {  	s9 =	sadd.s32 $0x14320, s7  }
0x87: {  	[tilespmem:s20], [sflag:$0x1] =	stream.indirect.gather [hbm4b:s4+s17], $0x80, s9, s17, $0xb8;
	[tilespmem:$0x1D000] =	vst v63  }
0x88: {  	s10 =	sadd.s32 $0x14340, s7  }
0x89: {  	[tilespmem:s22], [sflag:$0x1] =	stream.indirect.gather [hbm4b:s4+s17], $0x80, s10, s17, $0xb8;
	[tilespmem:$0x1D000] =	vst v63  }
0x8a: {  	s15 =	sadd.s32 $0x14360, s7  }
0x8b: {  	[tilespmem:s24], [sflag:$0x1] =	stream.indirect.gather [hbm4b:s4+s17], $0x80, s15, s17, $0xb8;
	[tilespmem:$0x1D000] =	vst v63  }
0x8c: {  	_ =	swait.ge [sflag:s2], $0x4000  }
0x8d: {  	[sflag:s2] =	ssyncset.done $0x0  }
0x8e: {  	s9 =	sor.u32 $0x14A80, s7;
	[sflag:s2] =	ssyncadd.s32 $0xFFFFC000  }
0x8f: {  	[spmem:s1] =	stream.indirect.scatter.add.f32 [tilespmem:s25], [sflag:$0x4], $0x80, s9, s31, $0xb8;
	[tilespmem:$0x1D000] =	vst v63  }
0x90: {  	_ =	swait.ge [sflag:s16], $0x4000  }
0x91: {  	[sflag:s16] =	ssyncset.done $0x0  }
0x92: {  	s10 =	sor.u32 $0x14380, s7;
	[sflag:s16] =	ssyncadd.s32 $0xFFFFC000  }
0x93: {  	[tilespmem:s25], [sflag:$0x2] =	stream.indirect.gather [hbm4b:s4+s17], $0x80, s10, s17, $0xb8;
	[tilespmem:$0x1D000] =	vst v63  }
0x94: {  	s15 =	sadd.s32 $0x143A0, s7  }
0x95: {  	[tilespmem:s26], [sflag:$0x2] =	stream.indirect.gather [hbm4b:s4+s17], $0x80, s15, s17, $0xb8;
	[tilespmem:$0x1D000] =	vst v63  }
0x96: {  	s9 =	sadd.s32 $0x143C0, s7  }
0x97: {  	[tilespmem:s28], [sflag:$0x2] =	stream.indirect.gather [hbm4b:s4+s17], $0x80, s9, s17, $0xb8;
	[tilespmem:$0x1D000] =	vst v63  }
0x98: {  	s10 =	sadd.s32 $0x143E0, s7  }
0x99: {  	[tilespmem:s29], [sflag:$0x2] =	stream.indirect.gather [hbm4b:s4+s17], $0x80, s10, s17, $0xb8;
	[tilespmem:$0x1D000] =	vst v63  }
0x9a: {  	_ =	swait.ge [sflag:s30], $0x4000  }
0x9b: {  	[sflag:s30] =	ssyncset.done $0x0  }
0x9c: {  	s15 =	sor.u32 $0x14B00, s7;
	[sflag:s30] =	ssyncadd.s32 $0xFFFFC000  }
0x9d: {  	[spmem:s1] =	stream.indirect.scatter.add.f32 [tilespmem:s18], [sflag:$0x3], $0x80, s15, s31, $0xb8;
	[tilespmem:$0x1D000] =	vst v63  }
0x9e: {  	_ =	swait.ge [sflag:s0], $0x4000  }
0x9f: {  	[sflag:s0] =	ssyncset.done $0x0  }
0xa0: {  	s8 =	simm.s32 @!p0 $0x5;
	[sflag:s0] =	ssyncadd.s32 $0xFFFFC000  }
0xa1: {  	_ =	swait.ge @!p0 [sflag:s8], $0x400  }
0xa2: {  	[sflag:s8] =	ssyncset.done @!p0 $0x0  }
0xa3: {  	[sflag:s8] =	ssyncadd.s32 @!p0 $0xFFFFFC00;
	s8 =	simm.s32 @!p0 $0x6  }
0xa4: {  	_ =	swait.ge @!p0 [sflag:s8], $0x400  }
0xa5: {  	s9 =	sand.u32 @!p0 $0x400, s5;
	[sflag:s8] =	ssyncset.done @!p0 $0x0  }
0xa6: {  	[sflag:s8] =	ssyncadd.s32 @!p0 $0xFFFFFC00;
	s8 =	sxor.u32 @!p0 $0x400, s9  }
0xa7: {  	s10 =	simm.s32 @!p0 $0x20;
	s15 =	simm.s32 @!p0 $0x15000;
	s8 =	sor.u32 @!p0 $0x14000, s8  }
0xa8: {  	[tilespmem:s15], [sflag:$0x1] =	stream.indirect.gather @!p0 [hbm4b:s4+s10], $0x80, s8, s10, $0xb8;
	[tilespmem:$0x1D000] =	vst v63  }
0xa9: {  	s8 =	sxor.u32 @!p0 $0x14420, s9;
	s15 =	simm.s32 @!p0 $0x16000  }
0xaa: {  	[tilespmem:s15], [sflag:$0x1] =	stream.indirect.gather @!p0 [hbm4b:s4+s10], $0x80, s8, s10, $0xb8;
	[tilespmem:$0x1D000] =	vst v63  }
0xab: {  	s8 =	sxor.u32 @!p0 $0x14440, s9;
	s15 =	simm.s32 @!p0 $0x17000  }
0xac: {  	[tilespmem:s15], [sflag:$0x1] =	stream.indirect.gather @!p0 [hbm4b:s4+s10], $0x80, s8, s10, $0xb8;
	[tilespmem:$0x1D000] =	vst v63  }
0xad: {  	s5 =	sadd.s32 $0x400, s5;
	s8 =	sxor.u32 @!p0 $0x14460, s9;
	s9 =	simm.s32 @!p0 $0x18000  }
0xae: {  	[tilespmem:s9], [sflag:$0x1] =	stream.indirect.gather @!p0 [hbm4b:s4+s10], $0x80, s8, s10, $0xb8;
	[tilespmem:$0x1D000] =	vst v63  }
0xaf: {  	p0 =	sne.s32 s5, $0x2800  }
.Ltmp3:
0xb0: {  	_ = 	snop;
	(pc) =	sbr.rel @!p0 .LBB2_5-.Ltmp3, $4  }
0xb1: {  	s11 =	sadd.s32 $0x80, s11;
	_ =	swait.ge [sflag:s2], $0x4000  }
0xb2: {  	s12 =	sadd.s32 $0x80, s12;
	s7 =	sor.u32 $0x380, s7;
	[sflag:s2] =	ssyncset.done $0x0  }
0xb3: {  	s21 =	sadd.s32 $0x8, s21;
	s7 =	sor.u32 $0x14800, s7;
	[sflag:s2] =	ssyncadd.s32 $0xFFFFC000  }
0xb4: {  	[spmem:s1] =	stream.indirect.scatter.add.f32 [tilespmem:s25], [sflag:$0x4], $0x80, s7, s31, $0xb8;
	[tilespmem:$0x1D000] =	vst v63  }
.LBB2_2:
0xb5: {  	p0 =	seq.s32 s5, $0x2400  }
0xb6: {  	s7 =	sxor.u32 @!p0 $0xFFFFFFFF, s5;
	p1 =	seq.s32 @!p0 s5, $0x0  }
0xb7: {  	s7 =	sand.u32 @!p0 $0x400, s7;
	p1 =	por p0, !p1  }
.Ltmp4:
0xb8: {  	s9 =	simm.s32 @!p0 $0x0;
	s8 =	sor.u32 @!p0 $0x14000, s7;
	(pc) =	sbr.rel @!p1 .LBB2_4-.Ltmp4, $4  }
0xb9: {  	[tilespmem:s8], [sflag:$0x5] =	stream.linear.gather @!p0 [hbm4b:s11+s9], $0x400, $0x38;
	[tilespmem:$0x1D000] =	vst v63  }
0xba: {  	s7 =	sor.u32 @!p0 $0x14800, s7  }
0xbb: {  	[tilespmem:s7], [sflag:$0x6] =	stream.linear.gather @!p0 [hbm4b:s12+s9], $0x400, $0x38;
	[tilespmem:$0x1D000] =	vst v63  }
0xbc: {  	s7 =	sand.u32 @!p0 $0x8, s21  }
.Ltmp5:
0xbd: {  	(pc) =	sbr.rel .LBB2_4-.Ltmp5, $4  }
0xbe: {  	_ = 	snop  }
0xbf: {  	_ =	swait.ge [sflag:s16], $0x4000  }
0xc0: {  	[sflag:s16] =	ssyncset.done $0x0  }
0xc1: {  	s7 =	simm.s32 @p0 $0x8;
	[sflag:s16] =	ssyncadd.s32 $0xFFFFC000  }
.LBB2_6:
0xc2: {  	_ =	sfence.sel $0x180000  }
0xc3: {  	[bflag:$0x0] =	sbarrier.arrive $0xFFFF  }
0xc4: {  	_ =	strace $0x9000004A  }
0xc5: {  	s0 =	stileid.u32;
	[bflag:$0x2] =	sbarrier.arrive $0xFFFF  }
0xc6: {  	p0 =	sne.s32 s0, $0x0;
	s0 =	rddreg [dreg:$0x3]  }
0xc7: {  	s0 =	sadd.s32 @!p0 $0x100000, s0  }
0xc8: {  	[sflag:s0] =	ssyncadd.tile.s32 @!p0 $0x1;
	_ =	shalt  }
.Lfunc_end2:
_tile_overlayer_lowered:
.L_overlay_start_2:
0xc9: {  	(tag) =	ssettag $0x2  }
0xca: {  	s0 =	rddreg [dreg:$0x0];
	s2 =	stileid.u32  }
0xcb: {  	s1 =	rddreg [dreg:$0x1];
	p0 =	sne.s32 s2, $0x0  }
0xcc: {  	s3 =	rddreg [dreg:$0x2];
	[bflag:$0x3] =	sbarrier.arrive $0xFFFF;
	s2 =	simm.s32 @!p0 $0x1C07  }
0xcd: {  	[timem:s3], [sflag:s2] =	dma.local @!p0 [hbm:s0], s1  }
0xce: {  	s0 =	simm.s32 @!p0 $0x7  }
0xcf: {  	_ =	swait.ge @!p0 [sflag:s0], s1  }
0xd0: {  	s1 =	ssub.s32 @!p0 $0x0, s1;
	[sflag:s0] =	ssyncset.done @!p0 $0x0  }
0xd1: {  	[sflag:s0] =	ssyncadd.s32 @!p0 s1  }
0xd2: {  	[bflag:$0x3] =	sbarrier.arrive $0xFFFF  }
0xd3: {  	_ =	shalt  }

// kernel: kernel.14.cloned.1.call-start
scs
__scs_entry_jumppad:
0x0: {  	(pc) =	sbr.rel $0x88, $3  }
0x1: {  	(tag) =	ssettag $0x0;
	lr =	simm.s32 $0x1  }
0x2: {  	[smem:$0x3F9B] =	sst lr;
	_ =	strace $0xD0000000  }
0x3: {  	_ = 	snop  }
0x4: {  	_ = 	snop  }
0x5: {  	_ = 	snop  }
0x6: {  	_ = 	snop  }
0x7: {  	_ = 	snop  }
__scs_overlays_trampoline_lowered:
0x8: {  	[smem:$0x3FAA] =	sst s0  }
0x9: {  	[smem:$0x3FAB] =	sst s1  }
0xa: {  	[smem:$0x3FAC] =	sst s2  }
0xb: {  	[smem:$0x3FAD] =	sst s3  }
0xc: {  	[smem:$0x3FAE] =	sst s4  }
0xd: {  	[smem:$0x3FAF] =	sst s5  }
0xe: {  	[smem:$0x3FB0] =	sst s6  }
0xf: {  	[smem:$0x3FB1] =	sst s7  }
0x10: {  	[smem:$0x3FB2] =	sst s8  }
0x11: {  	[smem:$0x3FB3] =	sst s9;
	s0 =	simm.s32 @!p0 $0x0  }
0x12: {  	s1 =	sld [smem:$0x3F99];
	s0 =	simm.s32 @p0 $0x1  }
0x13: {  	[smem:$0x3FB4] =	sst s0;
	s0 =	simm.s32 @!p1 $0x0  }
0x14: {  	s2 =	sld [smem:$0x3F98];
	s0 =	simm.s32 @p1 $0x1  }
0x15: {  	[smem:$0x3FB5] =	sst s0;
	s0 =	simm.s32 @!p2 $0x0  }
0x16: {  	s3 =	sld [smem:$0x3FDB];
	s0 =	simm.s32 @p2 $0x1  }
0x17: {  	s4 =	simm.s32 $0x1BF5;
	[smem:$0x3FB7] =	sst s0  }
0x18: {  	s0 =	sld [smem:$0x3F9A];
	_ =	swait.ge [sflag:s4], $0x0  }
0x19: {  	s7 =	sld [smem:$0x3F9B]  }
0x1a: {  	s8 =	sadd.s32 $0xFFFFE003, lr  }
0x1b: {  	s9 =	sadd.s32 $0xFFFFFEF7, lr;
	s5 =	simm.s32 $0xFFFFFFFF;
	p2 =	slt.u32 s8, $0xFFFFF086  }
0x1c: {  	p1 =	slt.u32 s9, $0xF7A;
	s5 =	simm.s32 @!p2 $0x0  }
0x1d: {  	s5 =	simm.s32 @p1 $0x1;
	p0 =	seq.s32 s7, s2  }
0x1e: {  	s7 =	smul.u32 @!p0 $0xF7A, s2;
	p2 =	seq.s32 @!p0 s5, $0x0  }
0x1f: {  	s9 =	smul.u32 $0xF7A, s1;
	s8 =	simm.s32 @!p0 $0x1BF5;
	p2 =	por !p2, p0  }
0x20: {  	[sflag:s8] =	ssyncset.s32 @!p0 $0xFFFFF086;
	s6 =	sadd.s32 @!p0 s3, s7;
	s7 =	simm.s32 @!p0 $0x108  }
0x21: {  	s3 =	sadd.s32 s3, s9;
	s6 =	sadd.s32 @!p0 $0x88, s6;
	s7 =	simm.s32 @p2 $0x1082  }
0x22: {  	[simem:s7], [sflag:s8] =	dma.local @!p0 [hbm:s6], $0xF7A  }
0x23: {  	s9 =	sor.u32 $0xD0000000, s2;
	s6 =	simm.s32 $0x108;
	_ =	swait.ge @!p0 [sflag:s8], $0x0  }
0x24: {  	s3 =	sadd.s32 $0x88, s3;
	s6 =	simm.s32 @!p1 $0x1082;
	[sflag:s4] =	ssyncset.s32 $0xFFFFF086  }
0x25: {  	[simem:s6], [sflag:s4] =	dma.local [hbm:s3], $0xF7A  }
0x26: {  	[smem:$0x3F9B] =	sst s1;
	(tag) =	ssettag s2;
	_ =	strace s9  }
0x27: {  	s1 =	sld [smem:$0x3FAB]  }
0x28: {  	s2 =	sld [smem:$0x3FAC]  }
0x29: {  	s4 =	sld [smem:$0x3FAE]  }
0x2a: {  	p0 =	seq.s32 s5, $0x0;
	s5 =	sld [smem:$0x3FAF]  }
0x2b: {  	s6 =	sld [smem:$0x3FB0]  }
0x2c: {  	s7 =	sld [smem:$0x3FB1]  }
0x2d: {  	s3 =	simm.s32 $0x108;
	s8 =	sld [smem:$0x3FB2]  }
0x2e: {  	s3 =	simm.s32 @!p0 $0x1082;
	s9 =	sld [smem:$0x3FB3]  }
0x2f: {  	lr =	sadd.s32 s0, s3;
	s0 =	sld [smem:$0x3FAA]  }
0x30: {  	s3 =	sld [smem:$0x3FAD]  }
0x31: {  	[smem:$0x3FB6] =	sst s10  }
0x32: {  	s10 =	sld [smem:$0x3FB4];
	_ =	sdelay $0x3  }
0x33: {  	p0 =	seq.s32 s10, $0x1;
	s10 =	sld [smem:$0x3FB6];
	_ =	sdelay $0x3  }
0x34: {  	[smem:$0x3FB6] =	sst s10  }
0x35: {  	s10 =	sld [smem:$0x3FB5];
	_ =	sdelay $0x3  }
0x36: {  	p1 =	seq.s32 s10, $0x1;
	s10 =	sld [smem:$0x3FB6];
	_ =	sdelay $0x3  }
0x37: {  	[smem:$0x3FB6] =	sst s10  }
0x38: {  	s10 =	sld [smem:$0x3FB7]  }
0x39: {  	_ = 	snop;
	(pc) =	sbr.ind lr, $3  }
0x3a: {  	_ = 	snop  }
0x3b: {  	_ = 	snop  }
0x3c: {  	p2 =	seq.s32 s10, $0x1;
	s10 =	sld [smem:$0x3FB6]  }
0x3d: {  	_ =	shalt  }
0x3e: {  	_ =	shalt  }
0x3f: {  	_ =	shalt  }
0x40: {  	_ =	shalt  }
0x41: {  	_ =	shalt  }
0x42: {  	_ =	shalt  }
0x43: {  	_ =	shalt  }
0x44: {  	_ =	shalt  }
0x45: {  	_ =	shalt  }
0x46: {  	_ =	shalt  }
0x47: {  	_ =	shalt  }
0x48: {  	_ =	shalt  }
0x49: {  	_ =	shalt  }
0x4a: {  	_ =	shalt  }
0x4b: {  	_ =	shalt  }
0x4c: {  	_ =	shalt  }
0x4d: {  	_ =	shalt  }
0x4e: {  	_ =	shalt  }
0x4f: {  	_ =	shalt  }
0x50: {  	_ =	shalt  }
0x51: {  	_ =	shalt  }
0x52: {  	_ =	shalt  }
0x53: {  	_ =	shalt  }
0x54: {  	_ =	shalt  }
0x55: {  	_ =	shalt  }
0x56: {  	_ =	shalt  }
0x57: {  	_ =	shalt  }
0x58: {  	_ =	shalt  }
0x59: {  	_ =	shalt  }
0x5a: {  	_ =	shalt  }
0x5b: {  	_ =	shalt  }
0x5c: {  	_ =	shalt  }
0x5d: {  	_ =	shalt  }
0x5e: {  	_ =	shalt  }
0x5f: {  	_ =	shalt  }
0x60: {  	_ =	shalt  }
0x61: {  	_ =	shalt  }
0x62: {  	_ =	shalt  }
0x63: {  	_ =	shalt  }
0x64: {  	_ =	shalt  }
0x65: {  	_ =	shalt  }
0x66: {  	_ =	shalt  }
0x67: {  	_ =	shalt  }
0x68: {  	_ =	shalt  }
0x69: {  	_ =	shalt  }
0x6a: {  	_ =	shalt  }
0x6b: {  	_ =	shalt  }
0x6c: {  	_ =	shalt  }
0x6d: {  	_ =	shalt  }
0x6e: {  	_ =	shalt  }
0x6f: {  	_ =	shalt  }
0x70: {  	_ =	shalt  }
0x71: {  	_ =	shalt  }
0x72: {  	_ =	shalt  }
0x73: {  	_ =	shalt  }
0x74: {  	_ =	shalt  }
0x75: {  	_ =	shalt  }
0x76: {  	_ =	shalt  }
0x77: {  	_ =	shalt  }
0x78: {  	_ =	shalt  }
0x79: {  	_ =	shalt  }
0x7a: {  	_ =	shalt  }
0x7b: {  	_ =	shalt  }
0x7c: {  	_ =	shalt  }
0x7d: {  	_ =	shalt  }
0x7e: {  	_ =	shalt  }
0x7f: {  	_ =	shalt  }
0x80: {  	_ =	shalt  }
0x81: {  	_ =	shalt  }
0x82: {  	_ =	shalt  }
0x83: {  	_ =	shalt  }
0x84: {  	_ =	shalt  }
0x85: {  	_ =	shalt  }
0x86: {  	_ =	shalt  }
0x87: {  	_ =	shalt  }
.Lfunc_end0:
.L_simem_size_0:
called_computation.2_lowered:
.L_overlay_start_0:
0x88: {  	s2 =	sld [smem:$0x3FD9]  }
0x89: {  	s3 =	sld [smem:$0x3FFE];
	_ =	sdelay $0x1  }
0x8a: {  	s1 =	srdreg.scid  }
0x8b: {  	s0 =	sand.u32 $0x1, s1  }
0x8c: {  	s17 =	sshll.u32 s0, $0xA;
	s2 =	sadd.s32 s3, s2  }
0x8d: {  	s2 =	sadd.s32 s2, s17  }
0x8e: {  	[smem:$0x3FC2] =	sst s2  }
0x8f: {  	_ = 	snop  }
0x90: {  	s2 =	sld [smem:$0x3FD0];
	(tm) =	ssettm $0x1  }
0x91: {  	s18 =	sld [smem:$0x3FFB];
	_ =	sdelay $0x3  }
0x92: {  	_ =	strace s18  }
0x93: {  	s3 =	sld [smem:$0x3FFC];
	_ =	sdelay $0x3  }
0x94: {  	_ =	strace s3  }
0x95: {  	s3 =	sld [smem:$0x3FFD];
	_ =	sdelay $0x3  }
0x96: {  	_ =	strace s3  }
0x97: {  	_ =	strace $0x8FFFFFFF  }
0x98: {  	s19 =	sld [smem:$0x3FDB];
	_ =	sdelay $0x1  }
0x99: {  	s4 =	simm.s32 $_scs_section_size  }
0x9a: {  	s5 =	simm.s32 $_size__tile_overlayer_lowered;
	s6 =	simm.s32 $_tile_overlayer_lowered  }
0x9b: {  	s22 =	simm.s32 $0x1BFF;
	s21 =	sshll.u32 s6, $0x1;
	s3 =	sadd.s32 s4, s19  }
0x9c: {  	s7 =	simm.s32 $0x0;
	s20 =	sshll.u32 s5, $0x1;
	s5 =	sadd.s32 s21, s3  }
0x9d: {  	[timem:s7], [sflag:s22] =	dma.local [hbm:s5], s20  }
0x9e: {  	_ =	swait.ge [sflag:s22], s20  }
0x9f: {  	s4 =	ssub.s32 $0x0, s20;
	[sflag:s22] =	ssyncset.done $0x0  }
0xa0: {  	[sflag:s22] =	ssyncadd.s32 s4;
	_ =	sdelay $0x1  }
0xa1: {  	s23 =	simm.s32 $0x1B8B  }
0xa2: {  	_ =	swait.ge [sflag:s23], $0x1  }
0xa3: {  	[sflag:s23] =	ssyncset.done $0x0  }
0xa4: {  	s25 =	simm.s32 $0x1B8E;
	s24 =	sld [smem:$0x3FFE];
	[sflag:s23] =	ssyncadd.s32 $0xFFFFFFFF  }
0xa5: {  	s26 =	simm.s32 $execute0_lowered;
	[smem:$0x3FD2] =	sst s25  }
0xa6: {  	s5 =	sshll.u32 s26, $0x1;
	_ =	strace $0x8000004C;
	[dreg:$0x1] =	wrdreg $0xFFFFFFFF  }
0xa7: {  	s28 =	simm.s32 $_size_execute0_lowered;
	s3 =	sadd.s32 s3, s5;
	[dreg:$0x0] =	wrdreg $0x0  }
0xa8: {  	s5 =	sshll.u32 s28, $0x1;
	[dreg:$0x2] =	wrdreg s3  }
0xa9: {  	[dreg:$0x3] =	wrdreg s5  }
0xaa: {  	[dreg:$0x4] =	wrdreg $0xC0  }
0xab: {  	_ =	task [dreg:s7], $0x5FFFF  }
0xac: {  	[dreg:$0x1] =	wrdreg $0xFFFFFFFF  }
0xad: {  	[dreg:$0x0] =	wrdreg $0x60  }
0xae: {  	[dreg:$0x2] =	wrdreg s24  }
0xaf: {  	[dreg:$0x3] =	wrdreg s2  }
0xb0: {  	[dreg:$0x4] =	wrdreg $0x0  }
0xb1: {  	[dreg:$0x5] =	wrdreg $0x9  }
0xb2: {  	_ =	task.clear_ibuf [dreg:s7], $0x6FFFF;
	_ =	strace $0x9000004C  }
0xb3: {  	s29 =	simm.s32 $0x9;
	_ =	strace $0x8000004E  }
0xb4: {  	_ =	swait.ge [sflag:s29], $0x1  }
0xb5: {  	[sflag:s29] =	ssyncadd.s32 $0xFFFFFFFF  }
0xb6: {  	_ =	strace $0x9000004E  }
0xb7: {  	_ =	sfence  }
0xb8: {  	s30 =	sld [smem:$0x0];
	_ =	sdelay $0x2  }
0xb9: {  	s31 =	sshll.u32 s1, $0xD;
	s1 =	sshrl.u32 s1, $0x2  }
0xba: {  	s3 =	sand.u32 $0x4000, s31;
	s1 =	sadd.s32 s1, s30  }
0xbb: {  	s0 =	sor.u32 s3, s0;
	s1 =	sshll.u32 s1, $0x11  }
0xbc: {  	s0 =	sor.u32 s1, s0  }
0xbd: {  	s0 =	sadd.s32 $0x8F2B, s0  }
0xbe: {  	[sflag:s0] =	ssyncadd.remote.s32 $0x1  }
0xbf: {  	_ =	sfence.sel $0xFFFF  }
0xc0: {  	[dreg:$0x0] =	wrdreg $0xFFFFFFFF;
	(pc) =	sbr.abs _section_cstart, $3  }
0xc1: {  	[dreg:$0x1] =	wrdreg $0xFFFFFFFF  }
0xc2: {  	_ =	task.clear_ibuf [dreg:s7], $0x2FFFF;
	_ =	strace $0x9FFFFFFF  }
0xc3: {  	(tm) =	ssettm $0x7FFFFFFF  }
tec
execute0_lowered:
.L_overlay_start_1:
0x0: {  	(tag) =	ssettag $0x1  }
0x1: {  	s0 =	rddreg [dreg:$0x0]  }
0x2: {  	s2 =	rddreg [dreg:$0x1];
	s14 =	stileid.u32  }
0x3: {  	s1 =	rddreg [dreg:$0x2];
	s6 =	smul.u32 $0x280, s14  }
0x4: {  	s3 =	srdreg.scid;
	s4 =	simm.s32 $0x0;
	s8 =	smul.u32 $0x50, s14  }
0x5: {  	s28 =	simm.s32 $0x1B000;
	s29 =	simm.s32 $0x1C000;
	s10 =	smul.u32 $0x50000, s14  }
0x6: {  	s30 =	simm.s32 $0x1;
	s3 =	sand.u32 $0x1, s3;
	s23 =	smul.u32 $0x500, s14  }
0x7: {  	s31 =	simm.s32 $0x80;
	[smem:$0x7FF] =	sst s4;
	s5 =	smul.u32 $0x2800, s3  }
0x8: {  	s4 =	sadd.s32 $0xBE00, s0;
	s11 =	sadd.s32 $0x1E00, s0;
	s7 =	smul.u32 $0x500, s3  }
0x9: {  	s19 =	sshll.u32 s14, $0x6;
	s14 =	simm.s32 $0x7;
	s18 =	smul.u32 $0xA00, s3  }
0xa: {  	_ =	strace $0x8000004D;
	s16 =	ssub.s32 $0x2, s3;
	s21 =	smul.u32 $0xF000, s3  }
0xb: {  	s3 =	smul.u32 $0x5000, s3;
	s9 =	sshrl.u32 s16, $0x1;
	s17 =	sshrl.u32 s10, $0x2  }
0xc: {  	s5 =	sadd.s32 s6, s5;
	s12 =	ssub.s32 s16, s9;
	s7 =	sadd.s32 s8, s7  }
0xd: {  	s13 =	sadd.s32 s17, s1;
	s6 =	sor.u32 $0x1C07, s19;
	s24 =	sadd.s32 s21, s2  }
0xe: {  	s25 =	sadd.s32 s3, s11;
	s17 =	simm.s32 $0x20;
	s16 =	simm.s32 $0x4  }
0xf: {  	s19 =	simm.s32 $0x0;
	s5 =	sshll.u32 s5, $0x4;
	s20 =	sadd.s32 s18, s7  }
0x10: {  	s7 =	sshll.u32 s7, $0x4;
	s26 =	smax.u32 s12, $0x1;
	s13 =	sshrl.u32 s13, $0x3  }
0x11: {  	s0 =	sadd.s32 s5, s0;
	s5 =	sadd.s32 s4, s5;
	[dreg:$0x8] =	wrdreg s26  }
0x12: {  	s18 =	simm.s32 $0x15000;
	s22 =	sadd.s32 s11, s7;
	[dreg:$0x4] =	wrdreg s5  }
0x13: {  	s26 =	simm.s32 $0x1A000;
	s5 =	sshll.u32 s20, $0x4;
	[dreg:$0x6] =	wrdreg s22  }
.Ltmp0:
0x14: {  	s0 =	sadd.s32 $0x5BE00, s0;
	s20 =	simm.s32 $0x16000;
	(pc) =	sbr.rel .LBB2_1-.Ltmp0, $4  }
0x15: {  	s22 =	simm.s32 $0x17000;
	s5 =	sadd.s32 s2, s5;
	[dreg:$0x7] =	wrdreg s0  }
0x16: {  	s0 =	sadd.s32 s23, s24;
	s2 =	sadd.s32 s23, s25;
	s24 =	simm.s32 $0x18000  }
0x17: {  	s25 =	simm.s32 $0x19000;
	[dreg:$0x5] =	wrdreg s5;
	s3 =	sadd.s32 $0x80, s0  }
0x18: {  	s23 =	sadd.s32 $0x80, s2;
	s0 =	simm.s32 $0x3;
	s2 =	simm.s32 $0x2  }
.LBB2_5:
0x19: {  	_ =	swait.ge [sflag:s16], $0x4000  }
0x1a: {  	[sflag:s16] =	ssyncset.done $0x0  }
0x1b: {  	[sflag:s16] =	ssyncadd.s32 $0xFFFFC000  }
0x1c: {  	[bflag:$0x0] =	sbarrier.arrive $0xFFFF  }
0x1d: {  	s5 =	rddreg [dreg:$0x7]  }
0x1e: {  	[hbm:s5], [sflag:s6] =	dma.local [spmem:s13], $0x2800  }
0x1f: {  	_ =	swait.ge [sflag:s14], $0x2800  }
0x20: {  	s19 =	sadd.s32 $0x1, s19;
	s21 =	rddreg [dreg:$0x8]  }
0x21: {  	p0 =	sne.s32 s19, s21  }
.Ltmp1:
0x22: {  	_ = 	snop;
	(pc) =	sbr.rel @!p0 .LBB2_6-.Ltmp1, $3  }
0x23: {  	_ =	sdelay $0x1  }
0x24: {  	[sflag:s14] =	ssyncset.done $0x0  }
0x25: {  	[sflag:s14] =	ssyncadd.s32 $0xFFFFD800  }
.LBB2_1:
0x26: {  	s5 =	rddreg [dreg:$0x4]  }
0x27: {  	[spmem:s13], [sflag:s6] =	dma.local [hbm:s5], $0x2800  }
0x28: {  	_ =	swait.ge [sflag:s14], $0x2800  }
0x29: {  	[sflag:s14] =	ssyncset.done $0x0  }
0x2a: {  	[sflag:s14] =	ssyncadd.s32 $0xFFFFD800  }
0x2b: {  	[bflag:$0x0] =	sbarrier.arrive $0xFFFF  }
0x2c: {  	s10 =	simm.s32 $0x0;
	s8 =	simm.s32 $0x14000;
	s7 =	rddreg [dreg:$0x5]  }
0x2d: {  	[tilespmem:s8], [sflag:$0x7] =	stream.linear.gather [hbm4b:s7+s10], $0x400, $0x38;
	[tilespmem:$0x1D000] =	vst v63  }
0x2e: {  	_ =	swait.ge [sflag:s14], $0x400  }
0x2f: {  	[sflag:s14] =	ssyncset.done $0x0  }
0x30: {  	s9 =	simm.s32 $0x14800;
	s11 =	rddreg [dreg:$0x6];
	[sflag:s14] =	ssyncadd.s32 $0xFFFFFC00  }
0x31: {  	[tilespmem:s9], [sflag:$0x7] =	stream.linear.gather [hbm4b:s11+s10], $0x400, $0x38;
	[tilespmem:$0x1D000] =	vst v63  }
0x32: {  	_ =	swait.ge [sflag:s14], $0x400  }
0x33: {  	[sflag:s14] =	ssyncset.done $0x0  }
0x34: {  	[sflag:s14] =	ssyncadd.s32 $0xFFFFFC00  }
0x35: {  	[tilespmem:s18], [sflag:$0x1] =	stream.indirect.gather [hbm4b:s4+s17], $0x80, s8, s17, $0xb8;
	[tilespmem:$0x1D000] =	vst v63  }
0x36: {  	s12 =	simm.s32 $0x14020  }
0x37: {  	[tilespmem:s20], [sflag:$0x1] =	stream.indirect.gather [hbm4b:s4+s17], $0x80, s12, s17, $0xb8;
	[tilespmem:$0x1D000] =	vst v63  }
.Ltmp2:
0x38: {  	s15 =	simm.s32 $0x14040;
	(pc) =	sbr.rel .LBB2_2-.Ltmp2, $4  }
0x39: {  	[tilespmem:s22], [sflag:$0x1] =	stream.indirect.gather [hbm4b:s4+s17], $0x80, s15, s17, $0xb8;
	[tilespmem:$0x1D000] =	vst v63  }
0x3a: {  	s21 =	simm.s32 $0x14060;
	s5 =	simm.s32 $0x0  }
0x3b: {  	[tilespmem:s24], [sflag:$0x1] =	stream.indirect.gather [hbm4b:s4+s17], $0x80, s21, s17, $0xb8;
	[tilespmem:$0x1D000] =	vst v63  }
0x3c: {  	s11 =	smov.u32 s3;
	s12 =	smov.u32 s23;
	s21 =	simm.s32 $0x0  }
.LBB2_4:
0x3d: {  	s7 =	sshll.u32 s7, $0x7  }
0x3e: {  	s8 =	sor.u32 $0x14080, s7  }
0x3f: {  	[tilespmem:s25], [sflag:$0x2] =	stream.indirect.gather [hbm4b:s4+s17], $0x80, s8, s17, $0xb8;
	[tilespmem:$0x1D000] =	vst v63  }
0x40: {  	s15 =	sadd.s32 $0x140A0, s7  }
0x41: {  	[tilespmem:s26], [sflag:$0x2] =	stream.indirect.gather [hbm4b:s4+s17], $0x80, s15, s17, $0xb8;
	[tilespmem:$0x1D000] =	vst v63  }
0x42: {  	s9 =	sadd.s32 $0x140C0, s7  }
0x43: {  	[tilespmem:s28], [sflag:$0x2] =	stream.indirect.gather [hbm4b:s4+s17], $0x80, s9, s17, $0xb8;
	[tilespmem:$0x1D000] =	vst v63  }
0x44: {  	s10 =	sadd.s32 $0x140E0, s7  }
0x45: {  	[tilespmem:s29], [sflag:$0x2] =	stream.indirect.gather [hbm4b:s4+s17], $0x80, s10, s17, $0xb8;
	[tilespmem:$0x1D000] =	vst v63  }
0x46: {  	_ =	swait.ge [sflag:s30], $0x4000  }
0x47: {  	[sflag:s30] =	ssyncset.done $0x0  }
0x48: {  	s15 =	sor.u32 $0x14800, s7;
	[sflag:s30] =	ssyncadd.s32 $0xFFFFC000  }
0x49: {  	[spmem:s1] =	stream.indirect.scatter.add.f32 [tilespmem:s18], [sflag:$0x3], $0x80, s15, s31, $0xb8;
	[tilespmem:$0x1D000] =	vst v63  }
0x4a: {  	_ =	swait.ge [sflag:s0], $0x4000  }
0x4b: {  	[sflag:s0] =	ssyncset.done $0x0  }
0x4c: {  	s9 =	sor.u32 $0x14100, s7;
	[sflag:s0] =	ssyncadd.s32 $0xFFFFC000  }
0x4d: {  	[tilespmem:s18], [sflag:$0x1] =	stream.indirect.gather [hbm4b:s4+s17], $0x80, s9, s17, $0xb8;
	[tilespmem:$0x1D000] =	vst v63  }
0x4e: {  	s10 =	sadd.s32 $0x14120, s7  }
0x4f: {  	[tilespmem:s20], [sflag:$0x1] =	stream.indirect.gather [hbm4b:s4+s17], $0x80, s10, s17, $0xb8;
	[tilespmem:$0x1D000] =	vst v63  }
0x50: {  	s15 =	sadd.s32 $0x14140, s7  }
0x51: {  	[tilespmem:s22], [sflag:$0x1] =	stream.indirect.gather [hbm4b:s4+s17], $0x80, s15, s17, $0xb8;
	[tilespmem:$0x1D000] =	vst v63  }
0x52: {  	s9 =	sadd.s32 $0x14160, s7  }
0x53: {  	[tilespmem:s24], [sflag:$0x1] =	stream.indirect.gather [hbm4b:s4+s17], $0x80, s9, s17, $0xb8;
	[tilespmem:$0x1D000] =	vst v63  }
0x54: {  	_ =	swait.ge [sflag:s2], $0x4000  }
0x55: {  	[sflag:s2] =	ssyncset.done $0x0  }
0x56: {  	s10 =	sor.u32 $0x14880, s7;
	[sflag:s2] =	ssyncadd.s32 $0xFFFFC000  }
0x57: {  	[spmem:s1] =	stream.indirect.scatter.add.f32 [tilespmem:s25], [sflag:$0x4], $0x80, s10, s31, $0xb8;
	[tilespmem:$0x1D000] =	vst v63  }
0x58: {  	_ =	swait.ge [sflag:s16], $0x4000  }
0x59: {  	[sflag:s16] =	ssyncset.done $0x0  }
0x5a: {  	s15 =	sor.u32 $0x14180, s7;
	[sflag:s16] =	ssyncadd.s32 $0xFFFFC000  }
0x5b: {  	[tilespmem:s25], [sflag:$0x2] =	stream.indirect.gather [hbm4b:s4+s17], $0x80, s15, s17, $0xb8;
	[tilespmem:$0x1D000] =	vst v63  }
0x5c: {  	s9 =	sadd.s32 $0x141A0, s7  }
0x5d: {  	[tilespmem:s26], [sflag:$0x2] =	stream.indirect.gather [hbm4b:s4+s17], $0x80, s9, s17, $0xb8;
	[tilespmem:$0x1D000] =	vst v63  }
0x5e: {  	s10 =	sadd.s32 $0x141C0, s7  }
0x5f: {  	[tilespmem:s28], [sflag:$0x2] =	stream.indirect.gather [hbm4b:s4+s17], $0x80, s10, s17, $0xb8;
	[tilespmem:$0x1D000] =	vst v63  }
0x60: {  	s15 =	sadd.s32 $0x141E0, s7  }
0x61: {  	[tilespmem:s29], [sflag:$0x2] =	stream.indirect.gather [hbm4b:s4+s17], $0x80, s15, s17, $0xb8;
	[tilespmem:$0x1D000] =	vst v63  }
0x62: {  	_ =	swait.ge [sflag:s30], $0x4000  }
0x63: {  	[sflag:s30] =	ssyncset.done $0x0  }
0x64: {  	s9 =	sor.u32 $0x14900, s7;
	[sflag:s30] =	ssyncadd.s32 $0xFFFFC000  }
0x65: {  	[spmem:s1] =	stream.indirect.scatter.add.f32 [tilespmem:s18], [sflag:$0x3], $0x80, s9, s31, $0xb8;
	[tilespmem:$0x1D000] =	vst v63  }
0x66: {  	_ =	swait.ge [sflag:s0], $0x4000  }
0x67: {  	[sflag:s0] =	ssyncset.done $0x0  }
0x68: {  	s10 =	sor.u32 $0x14200, s7;
	[sflag:s0] =	ssyncadd.s32 $0xFFFFC000  }
0x69: {  	[tilespmem:s18], [sflag:$0x1] =	stream.indirect.gather [hbm4b:s4+s17], $0x80, s10, s17, $0xb8;
	[tilespmem:$0x1D000] =	vst v63  }
0x6a: {  	s15 =	sadd.s32 $0x14220, s7  }
0x6b: {  	[tilespmem:s20], [sflag:$0x1] =	stream.indirect.gather [hbm4b:s4+s17], $0x80, s15, s17, $0xb8;
	[tilespmem:$0x1D000] =	vst v63  }
0x6c: {  	s9 =	sadd.s32 $0x14240, s7  }
0x6d: {  	[tilespmem:s22], [sflag:$0x1] =	stream.indirect.gather [hbm4b:s4+s17], $0x80, s9, s17, $0xb8;
	[tilespmem:$0x1D000] =	vst v63  }
0x6e: {  	s10 =	sadd.s32 $0x14260, s7  }
0x6f: {  	[tilespmem:s24], [sflag:$0x1] =	stream.indirect.gather [hbm4b:s4+s17], $0x80, s10, s17, $0xb8;
	[tilespmem:$0x1D000] =	vst v63  }
0x70: {  	_ =	swait.ge [sflag:s2], $0x4000  }
0x71: {  	[sflag:s2] =	ssyncset.done $0x0  }
0x72: {  	s15 =	sor.u32 $0x14980, s7;
	[sflag:s2] =	ssyncadd.s32 $0xFFFFC000  }
0x73: {  	[spmem:s1] =	stream.indirect.scatter.add.f32 [tilespmem:s25], [sflag:$0x4], $0x80, s15, s31, $0xb8;
	[tilespmem:$0x1D000] =	vst v63  }
0x74: {  	_ =	swait.ge [sflag:s16], $0x4000  }
0x75: {  	[sflag:s16] =	ssyncset.done $0x0  }
0x76: {  	s9 =	sor.u32 $0x14280, s7;
	[sflag:s16] =	ssyncadd.s32 $0xFFFFC000  }
0x77: {  	[tilespmem:s25], [sflag:$0x2] =	stream.indirect.gather [hbm4b:s4+s17], $0x80, s9, s17, $0xb8;
	[tilespmem:$0x1D000] =	vst v63  }
0x78: {  	s10 =	sadd.s32 $0x142A0, s7  }
0x79: {  	[tilespmem:s26], [sflag:$0x2] =	stream.indirect.gather [hbm4b:s4+s17], $0x80, s10, s17, $0xb8;
	[tilespmem:$0x1D000] =	vst v63  }
0x7a: {  	s15 =	sadd.s32 $0x142C0, s7  }
0x7b: {  	[tilespmem:s28], [sflag:$0x2] =	stream.indirect.gather [hbm4b:s4+s17], $0x80, s15, s17, $0xb8;
	[tilespmem:$0x1D000] =	vst v63  }
0x7c: {  	s9 =	sadd.s32 $0x142E0, s7  }
0x7d: {  	[tilespmem:s29], [sflag:$0x2] =	stream.indirect.gather [hbm4b:s4+s17], $0x80, s9, s17, $0xb8;
	[tilespmem:$0x1D000] =	vst v63  }
0x7e: {  	_ =	swait.ge [sflag:s30], $0x4000  }
0x7f: {  	[sflag:s30] =	ssyncset.done $0x0  }
0x80: {  	s10 =	sor.u32 $0x14A00, s7;
	[sflag:s30] =	ssyncadd.s32 $0xFFFFC000  }
0x81: {  	[spmem:s1] =	stream.indirect.scatter.add.f32 [tilespmem:s18], [sflag:$0x3], $0x80, s10, s31, $0xb8;
	[tilespmem:$0x1D000] =	vst v63  }
0x82: {  	_ =	swait.ge [sflag:s0], $0x4000  }
0x83: {  	[sflag:s0] =	ssyncset.done $0x0  }
0x84: {  	s15 =	sor.u32 $0x14300, s7;
	[sflag:s0] =	ssyncadd.s32 $0xFFFFC000  }
0x85: {  	[tilespmem:s18], [sflag:$0x1] =	stream.indirect.gather [hbm4b:s4+s17], $0x80, s15, s17, $0xb8;
	[tilespmem:$0x1D000] =	vst v63  }
0x86: {  	s9 =	sadd.s32 $0x14320, s7  }
0x87: {  	[tilespmem:s20], [sflag:$0x1] =	stream.indirect.gather [hbm4b:s4+s17], $0x80, s9, s17, $0xb8;
	[tilespmem:$0x1D000] =	vst v63  }
0x88: {  	s10 =	sadd.s32 $0x14340, s7  }
0x89: {  	[tilespmem:s22], [sflag:$0x1] =	stream.indirect.gather [hbm4b:s4+s17], $0x80, s10, s17, $0xb8;
	[tilespmem:$0x1D000] =	vst v63  }
0x8a: {  	s15 =	sadd.s32 $0x14360, s7  }
0x8b: {  	[tilespmem:s24], [sflag:$0x1] =	stream.indirect.gather [hbm4b:s4+s17], $0x80, s15, s17, $0xb8;
	[tilespmem:$0x1D000] =	vst v63  }
0x8c: {  	_ =	swait.ge [sflag:s2], $0x4000  }
0x8d: {  	[sflag:s2] =	ssyncset.done $0x0  }
0x8e: {  	s9 =	sor.u32 $0x14A80, s7;
	[sflag:s2] =	ssyncadd.s32 $0xFFFFC000  }
0x8f: {  	[spmem:s1] =	stream.indirect.scatter.add.f32 [tilespmem:s25], [sflag:$0x4], $0x80, s9, s31, $0xb8;
	[tilespmem:$0x1D000] =	vst v63  }
0x90: {  	_ =	swait.ge [sflag:s16], $0x4000  }
0x91: {  	[sflag:s16] =	ssyncset.done $0x0  }
0x92: {  	s10 =	sor.u32 $0x14380, s7;
	[sflag:s16] =	ssyncadd.s32 $0xFFFFC000  }
0x93: {  	[tilespmem:s25], [sflag:$0x2] =	stream.indirect.gather [hbm4b:s4+s17], $0x80, s10, s17, $0xb8;
	[tilespmem:$0x1D000] =	vst v63  }
0x94: {  	s15 =	sadd.s32 $0x143A0, s7  }
0x95: {  	[tilespmem:s26], [sflag:$0x2] =	stream.indirect.gather [hbm4b:s4+s17], $0x80, s15, s17, $0xb8;
	[tilespmem:$0x1D000] =	vst v63  }
0x96: {  	s9 =	sadd.s32 $0x143C0, s7  }
0x97: {  	[tilespmem:s28], [sflag:$0x2] =	stream.indirect.gather [hbm4b:s4+s17], $0x80, s9, s17, $0xb8;
	[tilespmem:$0x1D000] =	vst v63  }
0x98: {  	s10 =	sadd.s32 $0x143E0, s7  }
0x99: {  	[tilespmem:s29], [sflag:$0x2] =	stream.indirect.gather [hbm4b:s4+s17], $0x80, s10, s17, $0xb8;
	[tilespmem:$0x1D000] =	vst v63  }
0x9a: {  	_ =	swait.ge [sflag:s30], $0x4000  }
0x9b: {  	[sflag:s30] =	ssyncset.done $0x0  }
0x9c: {  	s15 =	sor.u32 $0x14B00, s7;
	[sflag:s30] =	ssyncadd.s32 $0xFFFFC000  }
0x9d: {  	[spmem:s1] =	stream.indirect.scatter.add.f32 [tilespmem:s18], [sflag:$0x3], $0x80, s15, s31, $0xb8;
	[tilespmem:$0x1D000] =	vst v63  }
0x9e: {  	_ =	swait.ge [sflag:s0], $0x4000  }
0x9f: {  	[sflag:s0] =	ssyncset.done $0x0  }
0xa0: {  	s8 =	simm.s32 @!p0 $0x5;
	[sflag:s0] =	ssyncadd.s32 $0xFFFFC000  }
0xa1: {  	_ =	swait.ge @!p0 [sflag:s8], $0x400  }
0xa2: {  	[sflag:s8] =	ssyncset.done @!p0 $0x0  }
0xa3: {  	[sflag:s8] =	ssyncadd.s32 @!p0 $0xFFFFFC00;
	s8 =	simm.s32 @!p0 $0x6  }
0xa4: {  	_ =	swait.ge @!p0 [sflag:s8], $0x400  }
0xa5: {  	s9 =	sand.u32 @!p0 $0x400, s5;
	[sflag:s8] =	ssyncset.done @!p0 $0x0  }
0xa6: {  	[sflag:s8] =	ssyncadd.s32 @!p0 $0xFFFFFC00;
	s8 =	sxor.u32 @!p0 $0x400, s9  }
0xa7: {  	s10 =	simm.s32 @!p0 $0x20;
	s15 =	simm.s32 @!p0 $0x15000;
	s8 =	sor.u32 @!p0 $0x14000, s8  }
0xa8: {  	[tilespmem:s15], [sflag:$0x1] =	stream.indirect.gather @!p0 [hbm4b:s4+s10], $0x80, s8, s10, $0xb8;
	[tilespmem:$0x1D000] =	vst v63  }
0xa9: {  	s8 =	sxor.u32 @!p0 $0x14420, s9;
	s15 =	simm.s32 @!p0 $0x16000  }
0xaa: {  	[tilespmem:s15], [sflag:$0x1] =	stream.indirect.gather @!p0 [hbm4b:s4+s10], $0x80, s8, s10, $0xb8;
	[tilespmem:$0x1D000] =	vst v63  }
0xab: {  	s8 =	sxor.u32 @!p0 $0x14440, s9;
	s15 =	simm.s32 @!p0 $0x17000  }
0xac: {  	[tilespmem:s15], [sflag:$0x1] =	stream.indirect.gather @!p0 [hbm4b:s4+s10], $0x80, s8, s10, $0xb8;
	[tilespmem:$0x1D000] =	vst v63  }
0xad: {  	s5 =	sadd.s32 $0x400, s5;
	s8 =	sxor.u32 @!p0 $0x14460, s9;
	s9 =	simm.s32 @!p0 $0x18000  }
0xae: {  	[tilespmem:s9], [sflag:$0x1] =	stream.indirect.gather @!p0 [hbm4b:s4+s10], $0x80, s8, s10, $0xb8;
	[tilespmem:$0x1D000] =	vst v63  }
0xaf: {  	p0 =	sne.s32 s5, $0x2800  }
.Ltmp3:
0xb0: {  	_ = 	snop;
	(pc) =	sbr.rel @!p0 .LBB2_5-.Ltmp3, $4  }
0xb1: {  	s11 =	sadd.s32 $0x80, s11;
	_ =	swait.ge [sflag:s2], $0x4000  }
0xb2: {  	s12 =	sadd.s32 $0x80, s12;
	s7 =	sor.u32 $0x380, s7;
	[sflag:s2] =	ssyncset.done $0x0  }
0xb3: {  	s21 =	sadd.s32 $0x8, s21;
	s7 =	sor.u32 $0x14800, s7;
	[sflag:s2] =	ssyncadd.s32 $0xFFFFC000  }
0xb4: {  	[spmem:s1] =	stream.indirect.scatter.add.f32 [tilespmem:s25], [sflag:$0x4], $0x80, s7, s31, $0xb8;
	[tilespmem:$0x1D000] =	vst v63  }
.LBB2_2:
0xb5: {  	p0 =	seq.s32 s5, $0x2400  }
0xb6: {  	s7 =	sxor.u32 @!p0 $0xFFFFFFFF, s5;
	p1 =	seq.s32 @!p0 s5, $0x0  }
0xb7: {  	s7 =	sand.u32 @!p0 $0x400, s7;
	p1 =	por p0, !p1  }
.Ltmp4:
0xb8: {  	s9 =	simm.s32 @!p0 $0x0;
	s8 =	sor.u32 @!p0 $0x14000, s7;
	(pc) =	sbr.rel @!p1 .LBB2_4-.Ltmp4, $4  }
0xb9: {  	[tilespmem:s8], [sflag:$0x5] =	stream.linear.gather @!p0 [hbm4b:s11+s9], $0x400, $0x38;
	[tilespmem:$0x1D000] =	vst v63  }
0xba: {  	s7 =	sor.u32 @!p0 $0x14800, s7  }
0xbb: {  	[tilespmem:s7], [sflag:$0x6] =	stream.linear.gather @!p0 [hbm4b:s12+s9], $0x400, $0x38;
	[tilespmem:$0x1D000] =	vst v63  }
0xbc: {  	s7 =	sand.u32 @!p0 $0x8, s21  }
.Ltmp5:
0xbd: {  	(pc) =	sbr.rel .LBB2_4-.Ltmp5, $4  }
0xbe: {  	_ = 	snop  }
0xbf: {  	_ =	swait.ge [sflag:s16], $0x4000  }
0xc0: {  	[sflag:s16] =	ssyncset.done $0x0  }
0xc1: {  	s7 =	simm.s32 @p0 $0x8;
	[sflag:s16] =	ssyncadd.s32 $0xFFFFC000  }
.LBB2_6:
0xc2: {  	_ =	sfence.sel $0x180000  }
0xc3: {  	[bflag:$0x0] =	sbarrier.arrive $0xFFFF  }
0xc4: {  	_ =	strace $0x9000004D  }
0xc5: {  	s0 =	stileid.u32;
	[bflag:$0x2] =	sbarrier.arrive $0xFFFF  }
0xc6: {  	p0 =	sne.s32 s0, $0x0;
	s0 =	rddreg [dreg:$0x3]  }
0xc7: {  	s0 =	sadd.s32 @!p0 $0x100000, s0  }
0xc8: {  	[sflag:s0] =	ssyncadd.tile.s32 @!p0 $0x1;
	_ =	shalt  }
.Lfunc_end2:
_tile_overlayer_lowered:
.L_overlay_start_2:
0xc9: {  	(tag) =	ssettag $0x2  }
0xca: {  	s0 =	rddreg [dreg:$0x0];
	s2 =	stileid.u32  }
0xcb: {  	s1 =	rddreg [dreg:$0x1];
	p0 =	sne.s32 s2, $0x0  }
0xcc: {  	s3 =	rddreg [dreg:$0x2];
	[bflag:$0x3] =	sbarrier.arrive $0xFFFF;
	s2 =	simm.s32 @!p0 $0x1C07  }
0xcd: {  	[timem:s3], [sflag:s2] =	dma.local @!p0 [hbm:s0], s1  }
0xce: {  	s0 =	simm.s32 @!p0 $0x7  }
0xcf: {  	_ =	swait.ge @!p0 [sflag:s0], s1  }
0xd0: {  	s1 =	ssub.s32 @!p0 $0x0, s1;
	[sflag:s0] =	ssyncset.done @!p0 $0x0  }
0xd1: {  	[sflag:s0] =	ssyncadd.s32 @!p0 s1  }
0xd2: {  	[bflag:$0x3] =	sbarrier.arrive $0xFFFF  }
0xd3: {  	_ =	shalt  }

// kernel: kernel.8.cloned.1.call-start
scs
__scs_entry_jumppad:
0x0: {  	(pc) =	sbr.rel $0x88, $3  }
0x1: {  	(tag) =	ssettag $0x0;
	lr =	simm.s32 $0x1  }
0x2: {  	[smem:$0x3F9B] =	sst lr;
	_ =	strace $0xD0000000  }
0x3: {  	_ = 	snop  }
0x4: {  	_ = 	snop  }
0x5: {  	_ = 	snop  }
0x6: {  	_ = 	snop  }
0x7: {  	_ = 	snop  }
__scs_overlays_trampoline_lowered:
0x8: {  	[smem:$0x3FAA] =	sst s0  }
0x9: {  	[smem:$0x3FAB] =	sst s1  }
0xa: {  	[smem:$0x3FAC] =	sst s2  }
0xb: {  	[smem:$0x3FAD] =	sst s3  }
0xc: {  	[smem:$0x3FAE] =	sst s4  }
0xd: {  	[smem:$0x3FAF] =	sst s5  }
0xe: {  	[smem:$0x3FB0] =	sst s6  }
0xf: {  	[smem:$0x3FB1] =	sst s7  }
0x10: {  	[smem:$0x3FB2] =	sst s8  }
0x11: {  	[smem:$0x3FB3] =	sst s9;
	s0 =	simm.s32 @!p0 $0x0  }
0x12: {  	s1 =	sld [smem:$0x3F99];
	s0 =	simm.s32 @p0 $0x1  }
0x13: {  	[smem:$0x3FB4] =	sst s0;
	s0 =	simm.s32 @!p1 $0x0  }
0x14: {  	s2 =	sld [smem:$0x3F98];
	s0 =	simm.s32 @p1 $0x1  }
0x15: {  	[smem:$0x3FB5] =	sst s0;
	s0 =	simm.s32 @!p2 $0x0  }
0x16: {  	s3 =	sld [smem:$0x3FDB];
	s0 =	simm.s32 @p2 $0x1  }
0x17: {  	s4 =	simm.s32 $0x1BF5;
	[smem:$0x3FB7] =	sst s0  }
0x18: {  	s0 =	sld [smem:$0x3F9A];
	_ =	swait.ge [sflag:s4], $0x0  }
0x19: {  	s7 =	sld [smem:$0x3F9B]  }
0x1a: {  	s8 =	sadd.s32 $0xFFFFE003, lr  }
0x1b: {  	s9 =	sadd.s32 $0xFFFFFEF7, lr;
	s5 =	simm.s32 $0xFFFFFFFF;
	p2 =	slt.u32 s8, $0xFFFFF086  }
0x1c: {  	p1 =	slt.u32 s9, $0xF7A;
	s5 =	simm.s32 @!p2 $0x0  }
0x1d: {  	s5 =	simm.s32 @p1 $0x1;
	p0 =	seq.s32 s7, s2  }
0x1e: {  	s7 =	smul.u32 @!p0 $0xF7A, s2;
	p2 =	seq.s32 @!p0 s5, $0x0  }
0x1f: {  	s9 =	smul.u32 $0xF7A, s1;
	s8 =	simm.s32 @!p0 $0x1BF5;
	p2 =	por !p2, p0  }
0x20: {  	[sflag:s8] =	ssyncset.s32 @!p0 $0xFFFFF086;
	s6 =	sadd.s32 @!p0 s3, s7;
	s7 =	simm.s32 @!p0 $0x108  }
0x21: {  	s3 =	sadd.s32 s3, s9;
	s6 =	sadd.s32 @!p0 $0x88, s6;
	s7 =	simm.s32 @p2 $0x1082  }
0x22: {  	[simem:s7], [sflag:s8] =	dma.local @!p0 [hbm:s6], $0xF7A  }
0x23: {  	s9 =	sor.u32 $0xD0000000, s2;
	s6 =	simm.s32 $0x108;
	_ =	swait.ge @!p0 [sflag:s8], $0x0  }
0x24: {  	s3 =	sadd.s32 $0x88, s3;
	s6 =	simm.s32 @!p1 $0x1082;
	[sflag:s4] =	ssyncset.s32 $0xFFFFF086  }
0x25: {  	[simem:s6], [sflag:s4] =	dma.local [hbm:s3], $0xF7A  }
0x26: {  	[smem:$0x3F9B] =	sst s1;
	(tag) =	ssettag s2;
	_ =	strace s9  }
0x27: {  	s1 =	sld [smem:$0x3FAB]  }
0x28: {  	s2 =	sld [smem:$0x3FAC]  }
0x29: {  	s4 =	sld [smem:$0x3FAE]  }
0x2a: {  	p0 =	seq.s32 s5, $0x0;
	s5 =	sld [smem:$0x3FAF]  }
0x2b: {  	s6 =	sld [smem:$0x3FB0]  }
0x2c: {  	s7 =	sld [smem:$0x3FB1]  }
0x2d: {  	s3 =	simm.s32 $0x108;
	s8 =	sld [smem:$0x3FB2]  }
0x2e: {  	s3 =	simm.s32 @!p0 $0x1082;
	s9 =	sld [smem:$0x3FB3]  }
0x2f: {  	lr =	sadd.s32 s0, s3;
	s0 =	sld [smem:$0x3FAA]  }
0x30: {  	s3 =	sld [smem:$0x3FAD]  }
0x31: {  	[smem:$0x3FB6] =	sst s10  }
0x32: {  	s10 =	sld [smem:$0x3FB4];
	_ =	sdelay $0x3  }
0x33: {  	p0 =	seq.s32 s10, $0x1;
	s10 =	sld [smem:$0x3FB6];
	_ =	sdelay $0x3  }
0x34: {  	[smem:$0x3FB6] =	sst s10  }
0x35: {  	s10 =	sld [smem:$0x3FB5];
	_ =	sdelay $0x3  }
0x36: {  	p1 =	seq.s32 s10, $0x1;
	s10 =	sld [smem:$0x3FB6];
	_ =	sdelay $0x3  }
0x37: {  	[smem:$0x3FB6] =	sst s10  }
0x38: {  	s10 =	sld [smem:$0x3FB7]  }
0x39: {  	_ = 	snop;
	(pc) =	sbr.ind lr, $3  }
0x3a: {  	_ = 	snop  }
0x3b: {  	_ = 	snop  }
0x3c: {  	p2 =	seq.s32 s10, $0x1;
	s10 =	sld [smem:$0x3FB6]  }
0x3d: {  	_ =	shalt  }
0x3e: {  	_ =	shalt  }
0x3f: {  	_ =	shalt  }
0x40: {  	_ =	shalt  }
0x41: {  	_ =	shalt  }
0x42: {  	_ =	shalt  }
0x43: {  	_ =	shalt  }
0x44: {  	_ =	shalt  }
0x45: {  	_ =	shalt  }
0x46: {  	_ =	shalt  }
0x47: {  	_ =	shalt  }
0x48: {  	_ =	shalt  }
0x49: {  	_ =	shalt  }
0x4a: {  	_ =	shalt  }
0x4b: {  	_ =	shalt  }
0x4c: {  	_ =	shalt  }
0x4d: {  	_ =	shalt  }
0x4e: {  	_ =	shalt  }
0x4f: {  	_ =	shalt  }
0x50: {  	_ =	shalt  }
0x51: {  	_ =	shalt  }
0x52: {  	_ =	shalt  }
0x53: {  	_ =	shalt  }
0x54: {  	_ =	shalt  }
0x55: {  	_ =	shalt  }
0x56: {  	_ =	shalt  }
0x57: {  	_ =	shalt  }
0x58: {  	_ =	shalt  }
0x59: {  	_ =	shalt  }
0x5a: {  	_ =	shalt  }
0x5b: {  	_ =	shalt  }
0x5c: {  	_ =	shalt  }
0x5d: {  	_ =	shalt  }
0x5e: {  	_ =	shalt  }
0x5f: {  	_ =	shalt  }
0x60: {  	_ =	shalt  }
0x61: {  	_ =	shalt  }
0x62: {  	_ =	shalt  }
0x63: {  	_ =	shalt  }
0x64: {  	_ =	shalt  }
0x65: {  	_ =	shalt  }
0x66: {  	_ =	shalt  }
0x67: {  	_ =	shalt  }
0x68: {  	_ =	shalt  }
0x69: {  	_ =	shalt  }
0x6a: {  	_ =	shalt  }
0x6b: {  	_ =	shalt  }
0x6c: {  	_ =	shalt  }
0x6d: {  	_ =	shalt  }
0x6e: {  	_ =	shalt  }
0x6f: {  	_ =	shalt  }
0x70: {  	_ =	shalt  }
0x71: {  	_ =	shalt  }
0x72: {  	_ =	shalt  }
0x73: {  	_ =	shalt  }
0x74: {  	_ =	shalt  }
0x75: {  	_ =	shalt  }
0x76: {  	_ =	shalt  }
0x77: {  	_ =	shalt  }
0x78: {  	_ =	shalt  }
0x79: {  	_ =	shalt  }
0x7a: {  	_ =	shalt  }
0x7b: {  	_ =	shalt  }
0x7c: {  	_ =	shalt  }
0x7d: {  	_ =	shalt  }
0x7e: {  	_ =	shalt  }
0x7f: {  	_ =	shalt  }
0x80: {  	_ =	shalt  }
0x81: {  	_ =	shalt  }
0x82: {  	_ =	shalt  }
0x83: {  	_ =	shalt  }
0x84: {  	_ =	shalt  }
0x85: {  	_ =	shalt  }
0x86: {  	_ =	shalt  }
0x87: {  	_ =	shalt  }
.Lfunc_end0:
.L_simem_size_0:
called_computation_lowered:
.L_overlay_start_0:
0x88: {  	s2 =	sld [smem:$0x3FD9]  }
0x89: {  	s3 =	sld [smem:$0x3FFE];
	_ =	sdelay $0x1  }
0x8a: {  	s1 =	srdreg.scid  }
0x8b: {  	s0 =	sand.u32 $0x1, s1  }
0x8c: {  	s16 =	sshll.u32 s0, $0xA;
	s2 =	sadd.s32 s3, s2  }
0x8d: {  	s2 =	sadd.s32 s2, s16  }
0x8e: {  	[smem:$0x3FC2] =	sst s2  }
0x8f: {  	_ = 	snop  }
0x90: {  	(tm) =	ssettm $0x1  }
0x91: {  	s17 =	sld [smem:$0x3FFB];
	_ =	sdelay $0x3  }
0x92: {  	_ =	strace s17  }
0x93: {  	s2 =	sld [smem:$0x3FFC];
	_ =	sdelay $0x3  }
0x94: {  	_ =	strace s2  }
0x95: {  	s2 =	sld [smem:$0x3FFD];
	_ =	sdelay $0x3  }
0x96: {  	_ =	strace s2  }
0x97: {  	_ =	strace $0x8FFFFFFF  }
0x98: {  	s18 =	sld [smem:$0x3FDB];
	_ =	sdelay $0x1  }
0x99: {  	s19 =	simm.s32 $_scs_section_size  }
0x9a: {  	s4 =	simm.s32 $_size__tile_overlayer_lowered;
	s5 =	simm.s32 $_tile_overlayer_lowered  }
0x9b: {  	s22 =	simm.s32 $0x1BFF;
	s21 =	sshll.u32 s5, $0x1;
	s2 =	sadd.s32 s19, s18  }
0x9c: {  	s6 =	simm.s32 $0x0;
	s20 =	sshll.u32 s4, $0x1;
	s4 =	sadd.s32 s21, s2  }
0x9d: {  	[timem:s6], [sflag:s22] =	dma.local [hbm:s4], s20  }
0x9e: {  	_ =	swait.ge [sflag:s22], s20  }
0x9f: {  	s3 =	ssub.s32 $0x0, s20;
	[sflag:s22] =	ssyncset.done $0x0  }
0xa0: {  	[sflag:s22] =	ssyncadd.s32 s3;
	_ =	sdelay $0x1  }
0xa1: {  	s23 =	simm.s32 $0x1B8B  }
0xa2: {  	_ =	swait.ge [sflag:s23], $0x1  }
0xa3: {  	[sflag:s23] =	ssyncset.done $0x0  }
0xa4: {  	s25 =	simm.s32 $0x1B8E;
	s24 =	sld [smem:$0x3FFE];
	[sflag:s23] =	ssyncadd.s32 $0xFFFFFFFF  }
0xa5: {  	s26 =	simm.s32 $execute0_lowered;
	[smem:$0x3FD2] =	sst s25  }
0xa6: {  	s4 =	sshll.u32 s26, $0x1;
	_ =	strace $0x80000046;
	[dreg:$0x1] =	wrdreg $0xFFFFFFFF  }
0xa7: {  	s28 =	simm.s32 $_size_execute0_lowered;
	s2 =	sadd.s32 s2, s4;
	[dreg:$0x0] =	wrdreg $0x0  }
0xa8: {  	s4 =	sshll.u32 s28, $0x1;
	[dreg:$0x2] =	wrdreg s2  }
0xa9: {  	[dreg:$0x3] =	wrdreg s4  }
0xaa: {  	[dreg:$0x4] =	wrdreg $0xC0  }
0xab: {  	_ =	task [dreg:s6], $0x5FFFF  }
0xac: {  	[dreg:$0x1] =	wrdreg $0xFFFFFFFF  }
0xad: {  	[dreg:$0x0] =	wrdreg $0x60  }
0xae: {  	[dreg:$0x2] =	wrdreg s24  }
0xaf: {  	[dreg:$0x3] =	wrdreg $0x0  }
0xb0: {  	[dreg:$0x4] =	wrdreg $0x9  }
0xb1: {  	_ =	task.clear_ibuf [dreg:s6], $0x5FFFF;
	_ =	strace $0x90000046  }
0xb2: {  	s29 =	simm.s32 $0x9;
	_ =	strace $0x80000048  }
0xb3: {  	_ =	swait.ge [sflag:s29], $0x1  }
0xb4: {  	[sflag:s29] =	ssyncadd.s32 $0xFFFFFFFF  }
0xb5: {  	_ =	strace $0x90000048  }
0xb6: {  	_ =	sfence  }
0xb7: {  	s30 =	sld [smem:$0x0];
	_ =	sdelay $0x2  }
0xb8: {  	s31 =	sshll.u32 s1, $0xD;
	s1 =	sshrl.u32 s1, $0x2  }
0xb9: {  	s3 =	sand.u32 $0x4000, s31;
	s1 =	sadd.s32 s1, s30  }
0xba: {  	s0 =	sor.u32 s3, s0;
	s1 =	sshll.u32 s1, $0x11  }
0xbb: {  	s0 =	sor.u32 s1, s0  }
0xbc: {  	s0 =	sadd.s32 $0x8F2B, s0  }
0xbd: {  	[sflag:s0] =	ssyncadd.remote.s32 $0x1  }
0xbe: {  	_ =	sfence.sel $0xFFFF  }
0xbf: {  	[dreg:$0x0] =	wrdreg $0xFFFFFFFF;
	(pc) =	sbr.abs _section_cstart, $3  }
0xc0: {  	[dreg:$0x1] =	wrdreg $0xFFFFFFFF  }
0xc1: {  	_ =	task.clear_ibuf [dreg:s6], $0x2FFFF;
	_ =	strace $0x9FFFFFFF  }
0xc2: {  	(tm) =	ssettm $0x7FFFFFFF  }
0xc3: {  	_ =	shalt  }
tec
execute0_lowered:
.L_overlay_start_1:
0x0: {  	(tag) =	ssettag $0x1  }
0x1: {  	s5 =	rddreg [dreg:$0x0]  }
0x2: {  	s2 =	rddreg [dreg:$0x1]  }
0x3: {  	s0 =	srdreg.scid;
	s1 =	rddreg [dreg:$0x2]  }
0x4: {  	s3 =	simm.s32 $0x0;
	s13 =	simm.s32 $0x14000;
	s14 =	simm.s32 $0x80  }
0x5: {  	s15 =	simm.s32 $0x14080;
	s16 =	simm.s32 $0x14100;
	s6 =	sand.u32 $0x1, s0  }
0x6: {  	s17 =	simm.s32 $0x14180;
	s0 =	stileid.u32;
	s4 =	smul.u32 $0x5000, s6  }
0x7: {  	s18 =	simm.s32 $0x1;
	s19 =	simm.s32 $0x2;
	s7 =	smul.u32 $0x500, s0  }
0x8: {  	s20 =	simm.s32 $0x3;
	s21 =	simm.s32 $0x4;
	s8 =	smul.u32 $0x2800, s0  }
0x9: {  	s22 =	simm.s32 $0x0;
	[smem:$0x7FF] =	sst s3;
	s26 =	smul.u32 $0x28000, s6  }
0xa: {  	_ =	strace $0x80000047;
	s10 =	smul.u32 $0x50000, s0;
	s6 =	ssub.s32 $0x2, s6  }
0xb: {  	s31 =	sshll.u32 s0, $0x6;
	s28 =	sshrl.u32 s6, $0x1;
	s4 =	sadd.s32 s7, s4  }
0xc: {  	s7 =	sadd.s32 s8, s26;
	s29 =	sshrl.u32 s10, $0x2;
	s30 =	ssub.s32 s6, s28  }
0xd: {  	s6 =	sor.u32 $0x1C05, s31;
	s9 =	sadd.s32 s4, s5;
	s4 =	sadd.s32 $0xBE00, s5  }
0xe: {  	s11 =	sadd.s32 s7, s5;
	s12 =	sadd.s32 s29, s2;
	s5 =	sadd.s32 s4, s8  }
0xf: {  	s7 =	sadd.s32 $0x1E00, s9;
	s8 =	sadd.s32 $0x33E00, s11;
	s9 =	smax.u32 s30, $0x1  }
0x10: {  	s10 =	sshrl.u32 s12, $0x3;
	s11 =	simm.s32 $0x5;
	s12 =	simm.s32 $0x16800  }
.LBB2_1:
0x11: {  	[spmem:s10], [sflag:s6] =	dma.local [hbm:s5], $0x2800  }
0x12: {  	_ =	swait.ge [sflag:s11], $0x2800  }
0x13: {  	[sflag:s11] =	ssyncset.done $0x0  }
0x14: {  	[sflag:s11] =	ssyncadd.s32 $0xFFFFD800  }
0x15: {  	[tilespmem:s12], [sflag:$0x5] =	stream.linear.gather [hbm4b:s4+s3], $0x4000, $0x38;
	[tilespmem:$0x1A800] =	vst v63  }
0x16: {  	_ =	swait.ge [sflag:s11], $0x4000  }
0x17: {  	[sflag:s11] =	ssyncset.done $0x0  }
0x18: {  	[sflag:s11] =	ssyncadd.s32 $0xFFFFC000  }
0x19: {  	[tilespmem:s13], [sflag:$0x5] =	stream.linear.gather [hbm4b:s7+s3], $0x2800, $0x38;
	[tilespmem:$0x1A800] =	vst v63  }
0x1a: {  	_ =	swait.ge [sflag:s11], $0x2800  }
0x1b: {  	[sflag:s11] =	ssyncset.done $0x0  }
0x1c: {  	[sflag:s11] =	ssyncadd.s32 $0xFFFFD800  }
0x1d: {  	[bflag:$0x0] =	sbarrier.arrive $0xFFFF  }
0x1e: {  	[spmem:s2] =	stream.indirect.scatter.add.f32 [tilespmem:s12], [sflag:$0x1], $0x80, s13, s14, $0xb8;
	[tilespmem:$0x1A800] =	vst v63  }
0x1f: {  	_ = 	snop  }
0x20: {  	[spmem:s2] =	stream.indirect.scatter.add.f32 [tilespmem:s12], [sflag:$0x2], $0x80, s15, s14, $0xb8;
	[tilespmem:$0x1A800] =	vst v63  }
0x21: {  	_ = 	snop  }
0x22: {  	[spmem:s2] =	stream.indirect.scatter.add.f32 [tilespmem:s12], [sflag:$0x3], $0x80, s16, s14, $0xb8;
	[tilespmem:$0x1A800] =	vst v63  }
0x23: {  	_ = 	snop  }
0x24: {  	[spmem:s2] =	stream.indirect.scatter.add.f32 [tilespmem:s12], [sflag:$0x4], $0x80, s17, s14, $0xb8;
	[tilespmem:$0x1A800] =	vst v63  }
0x25: {  	_ =	swait.ge [sflag:s18], $0x4000  }
0x26: {  	[sflag:s18] =	ssyncset.done $0x0  }
0x27: {  	s23 =	simm.s32 $0x14200;
	[sflag:s18] =	ssyncadd.s32 $0xFFFFC000  }
0x28: {  	[spmem:s2] =	stream.indirect.scatter.add.f32 [tilespmem:s12], [sflag:$0x1], $0x80, s23, s14, $0xb8;
	[tilespmem:$0x1A800] =	vst v63  }
0x29: {  	_ =	swait.ge [sflag:s19], $0x4000  }
0x2a: {  	[sflag:s19] =	ssyncset.done $0x0  }
0x2b: {  	s30 =	simm.s32 $0x14280;
	[sflag:s19] =	ssyncadd.s32 $0xFFFFC000  }
0x2c: {  	[spmem:s2] =	stream.indirect.scatter.add.f32 [tilespmem:s12], [sflag:$0x2], $0x80, s30, s14, $0xb8;
	[tilespmem:$0x1A800] =	vst v63  }
0x2d: {  	_ =	swait.ge [sflag:s20], $0x4000  }
0x2e: {  	[sflag:s20] =	ssyncset.done $0x0  }
0x2f: {  	s31 =	simm.s32 $0x14300;
	[sflag:s20] =	ssyncadd.s32 $0xFFFFC000  }
0x30: {  	[spmem:s2] =	stream.indirect.scatter.add.f32 [tilespmem:s12], [sflag:$0x3], $0x80, s31, s14, $0xb8;
	[tilespmem:$0x1A800] =	vst v63  }
0x31: {  	_ =	swait.ge [sflag:s21], $0x4000  }
0x32: {  	[sflag:s21] =	ssyncset.done $0x0  }
0x33: {  	s24 =	simm.s32 $0x14380;
	s23 =	simm.s32 $0xFFFF7000;
	[sflag:s21] =	ssyncadd.s32 $0xFFFFC000  }
.LBB2_2:
0x34: {  	[spmem:s2] =	stream.indirect.scatter.add.f32 [tilespmem:s12], [sflag:$0x4], $0x80, s24, s14, $0xb8;
	[tilespmem:$0x1A800] =	vst v63  }
0x35: {  	s24 =	smov.u32 s23  }
0x36: {  	p0 =	sne.s32 s23, $0xFFFFF800;
	s23 =	sadd.s32 $0x800, s23;
	_ =	swait.ge [sflag:s18], $0x4000  }
0x37: {  	s24 =	sshra.s32 s24, $0x2;
	[sflag:s18] =	ssyncset.done $0x0  }
0x38: {  	s25 =	sadd.s32 $0x16800, s24;
	[sflag:s18] =	ssyncadd.s32 $0xFFFFC000  }
0x39: {  	[spmem:s2] =	stream.indirect.scatter.add.f32 [tilespmem:s12], [sflag:$0x1], $0x80, s25, s14, $0xb8;
	[tilespmem:$0x1A800] =	vst v63  }
0x3a: {  	_ =	swait.ge [sflag:s19], $0x4000  }
0x3b: {  	[sflag:s19] =	ssyncset.done $0x0  }
0x3c: {  	s25 =	sadd.s32 $0x16880, s24;
	[sflag:s19] =	ssyncadd.s32 $0xFFFFC000  }
0x3d: {  	[spmem:s2] =	stream.indirect.scatter.add.f32 [tilespmem:s12], [sflag:$0x2], $0x80, s25, s14, $0xb8;
	[tilespmem:$0x1A800] =	vst v63  }
0x3e: {  	_ =	swait.ge [sflag:s20], $0x4000  }
0x3f: {  	[sflag:s20] =	ssyncset.done $0x0  }
.Ltmp0:
0x40: {  	s25 =	sadd.s32 $0x16900, s24;
	[sflag:s20] =	ssyncadd.s32 $0xFFFFC000;
	(pc) =	sbr.rel @p0 .LBB2_2-.Ltmp0, $4  }
0x41: {  	[spmem:s2] =	stream.indirect.scatter.add.f32 [tilespmem:s12], [sflag:$0x3], $0x80, s25, s14, $0xb8;
	[tilespmem:$0x1A800] =	vst v63  }
0x42: {  	_ =	swait.ge [sflag:s21], $0x4000  }
0x43: {  	[sflag:s21] =	ssyncset.done $0x0  }
0x44: {  	s24 =	sadd.s32 $0x16980, s24;
	[sflag:s21] =	ssyncadd.s32 $0xFFFFC000  }
0x45: {  	[spmem:s2] =	stream.indirect.scatter.add.f32 [tilespmem:s12], [sflag:$0x4], $0x80, s24, s14, $0xb8;
	[tilespmem:$0x1A800] =	vst v63  }
0x46: {  	_ =	swait.ge [sflag:s18], $0x4000  }
0x47: {  	[sflag:s18] =	ssyncset.done $0x0  }
0x48: {  	[sflag:s18] =	ssyncadd.s32 $0xFFFFC000  }
0x49: {  	_ =	swait.ge [sflag:s19], $0x4000  }
0x4a: {  	[sflag:s19] =	ssyncset.done $0x0  }
0x4b: {  	[sflag:s19] =	ssyncadd.s32 $0xFFFFC000  }
0x4c: {  	_ =	swait.ge [sflag:s20], $0x4000  }
0x4d: {  	[sflag:s20] =	ssyncset.done $0x0  }
0x4e: {  	[sflag:s20] =	ssyncadd.s32 $0xFFFFC000  }
0x4f: {  	_ =	swait.ge [sflag:s21], $0x4000  }
0x50: {  	s22 =	sadd.s32 $0x1, s22;
	[sflag:s21] =	ssyncset.done $0x0  }
0x51: {  	p0 =	sne.s32 s22, s9;
	[sflag:s21] =	ssyncadd.s32 $0xFFFFC000  }
.Ltmp1:
0x52: {  	[bflag:$0x0] =	sbarrier.arrive $0xFFFF;
	(pc) =	sbr.rel @p0 .LBB2_1-.Ltmp1, $4  }
0x53: {  	[hbm:s8], [sflag:s6] =	dma.local [spmem:s10], $0x2800  }
0x54: {  	_ =	swait.ge [sflag:s11], $0x2800  }
0x55: {  	[sflag:s11] =	ssyncset.done $0x0  }
0x56: {  	[sflag:s11] =	ssyncadd.s32 $0xFFFFD800  }
0x57: {  	_ =	sfence.sel $0x180000  }
0x58: {  	[bflag:$0x0] =	sbarrier.arrive $0xFFFF  }
0x59: {  	p0 =	sne.s32 s0, $0x0;
	_ =	strace $0x90000047  }
0x5a: {  	s0 =	sadd.s32 @!p0 $0x100000, s1;
	[bflag:$0x2] =	sbarrier.arrive $0xFFFF  }
0x5b: {  	[sflag:s0] =	ssyncadd.tile.s32 @!p0 $0x1;
	_ =	shalt  }
.Lfunc_end2:
_tile_overlayer_lowered:
.L_overlay_start_2:
0x5c: {  	(tag) =	ssettag $0x2  }
0x5d: {  	s0 =	rddreg [dreg:$0x0];
	s2 =	stileid.u32  }
0x5e: {  	s1 =	rddreg [dreg:$0x1];
	p0 =	sne.s32 s2, $0x0  }
0x5f: {  	s3 =	rddreg [dreg:$0x2];
	[bflag:$0x3] =	sbarrier.arrive $0xFFFF;
	s2 =	simm.s32 @!p0 $0x1C05  }
0x60: {  	[timem:s3], [sflag:s2] =	dma.local @!p0 [hbm:s0], s1  }
0x61: {  	s0 =	simm.s32 @!p0 $0x5  }
0x62: {  	_ =	swait.ge @!p0 [sflag:s0], s1  }
0x63: {  	s1 =	ssub.s32 @!p0 $0x0, s1;
	[sflag:s0] =	ssyncset.done @!p0 $0x0  }
0x64: {  	[sflag:s0] =	ssyncadd.s32 @!p0 s1  }
0x65: {  	[bflag:$0x3] =	sbarrier.arrive $0xFFFF  }
0x66: {  	_ =	shalt  }

</sc_bundles>
